<compile_context>
chip_gen: v7x
topology: tpu7x:2x2x1
jax: 0.10.2.dev20260603
libtpu: 0.0.44.dev20260713+nightly
codegen_flags: <defaults>
</compile_context>

<pallas_src>
import functools

import jax
import jax.numpy as jnp
from jax import lax
from jax.experimental import pallas as pl
from jax.experimental.pallas import tpu as pltpu
from jax.experimental.pallas import tpu_sc as plsc

L_HEADS = 16
K_SEL = 2
NEG_INF = float("-inf")


def _logits_kernel(x_ref, w_ref, lt_ref):
    lt_ref[...] = jax.lax.dot_general(w_ref[...], x_ref[...],
                                      (((1,), (1,)), ((), ())),
                                      preferred_element_type=jnp.float32)


def _lane_total(v, iota):
    for step in (8, 4, 2, 1):
        v = v + jnp.take(v, iota ^ step)
    return v


def _sc_router(lt_hbm, bias_hbm, heads_hbm, probs_hbm, loss_hbm, cnts_hbm,
               lt_v, bias_v, heads_v, probs_v, cnt_v, red_v, loss_v,
               *, tok_per_w, inv_total):
    L = L_HEADS
    sid = lax.axis_index("s")
    base = sid * tok_per_w
    n_groups = tok_per_w // 16

    pltpu.sync_copy(lt_hbm.at[:, pl.ds(base, tok_per_w)], lt_v)
    pltpu.sync_copy(bias_hbm, bias_v)
    iota = lax.iota(jnp.int32, 16)
    one = jnp.full((16,), 1.0, jnp.float32)
    zero = jnp.zeros((16,), jnp.float32)
    bv = bias_v[...]
    bias_b = [jnp.full((16,), bv[l]) for l in range(L)]

    def group(off, accs):
        vs = [lt_v[l, pl.ds(off, 16)] for l in range(L)]
        m1 = vs[0] + bias_b[0]
        u1 = vs[0]
        i1 = jnp.zeros((16,), jnp.int32)
        m2 = jnp.full((16,), NEG_INF, jnp.float32)
        u2 = jnp.zeros((16,), jnp.float32)
        i2 = jnp.zeros((16,), jnp.int32)
        for l in range(1, L):
            bl = vs[l] + bias_b[l]
            gt1 = bl > m1
            gt2 = bl > m2
            li = jnp.full((16,), l, jnp.int32)
            m2 = jnp.where(gt1, m1, jnp.where(gt2, bl, m2))
            u2 = jnp.where(gt1, u1, jnp.where(gt2, vs[l], u2))
            i2 = jnp.where(gt1, i1, jnp.where(gt2, li, i2))
            m1 = jnp.where(gt1, bl, m1)
            u1 = jnp.where(gt1, vs[l], u1)
            i1 = jnp.where(gt1, li, i1)
        r = jnp.exp(u2 - u1)
        inv = 1.0 / (1.0 + r)
        heads_v[0, pl.ds(off, 16)] = i1
        heads_v[1, pl.ds(off, 16)] = i2
        probs_v[0, pl.ds(off, 16)] = inv
        probs_v[1, pl.ds(off, 16)] = r * inv
        return [accs[l]
                + jnp.where(i1 == l, one, zero)
                + jnp.where(i2 == l, one, zero)
                for l in range(L)]

    accs = [jnp.zeros((16,), jnp.float32) for _ in range(L)]
    accs = plsc.parallel_loop(0, n_groups * 16, step=16, carry=accs)(group)

    cnt = jnp.zeros((16,), jnp.float32)
    for l in range(L):
        tot = _lane_total(accs[l], iota)
        cnt = jnp.where(iota == l, tot, cnt)
    cnt_v[...] = cnt

    pltpu.sync_copy(heads_v, heads_hbm.at[:, pl.ds(base, tok_per_w)])
    pltpu.sync_copy(probs_v, probs_hbm.at[:, pl.ds(base, tok_per_w)])

    pltpu.sync_copy(cnt_v, cnts_hbm.at[sid])
    plsc.subcore_barrier()

    @pl.when(sid == 0)
    def _():
        pltpu.sync_copy(cnts_hbm, red_v)
        tot = red_v[0, :]
        for s in range(1, 16):
            tot = tot + red_v[s, :]
        freqs = tot * inv_total
        d = freqs - 1.0 / L
        loss = _lane_total(d * d, iota)
        loss_v[...] = jnp.where(iota == 0, loss, zero)
        pltpu.sync_copy(loss_v, loss_hbm)


def kernel(x, W, expert_bias):
    B, N, H = x.shape
    L = W.shape[1]
    K = K_SEL
    tokens = B * N
    T = 1024
    n_steps = tokens // T

    xf = x.reshape(tokens, H)
    wt = W.T

    lt = pl.pallas_call(
        _logits_kernel,
        grid=(n_steps,),
        in_specs=[
            pl.BlockSpec((T, H), lambda i: (i, 0)),
            pl.BlockSpec((L, H), lambda i: (0, 0)),
        ],
        out_specs=pl.BlockSpec((L, T), lambda i: (0, i)),
        out_shape=jax.ShapeDtypeStruct((L, tokens), jnp.float32),
    )(xf, wt)

    n_workers = 16
    tok_per_w = tokens // n_workers
    mesh = plsc.VectorSubcoreMesh(core_axis_name="c", subcore_axis_name="s",
                                  num_cores=1)
    sc = pl.kernel(
        functools.partial(_sc_router, tok_per_w=tok_per_w,
                          inv_total=1.0 / (tokens * K)),
        mesh=mesh,
        out_type=[
            jax.ShapeDtypeStruct((K, tokens), jnp.int32),
            jax.ShapeDtypeStruct((K, tokens), jnp.float32),
            jax.ShapeDtypeStruct((16,), jnp.float32),
            jax.ShapeDtypeStruct((16, 16), jnp.float32),
        ],
        scratch_types=[
            pltpu.VMEM((L, tok_per_w), jnp.float32),
            pltpu.VMEM((L,), jnp.float32),
            pltpu.VMEM((K, tok_per_w), jnp.int32),
            pltpu.VMEM((K, tok_per_w), jnp.float32),
            pltpu.VMEM((16,), jnp.float32),
            pltpu.VMEM((16, 16), jnp.float32),
            pltpu.VMEM((16,), jnp.float32),
        ],
    )
    heads_t, probs_t, loss_vec, _cnts = sc(lt, expert_bias)

    heads = heads_t.T.reshape(B, N, K)
    probs = probs_t.T.reshape(B, N, K)
    return (heads, probs, loss_vec[0].reshape(()))

# --- scband reference (transcript-rebuilt; emitter-appended) ---
"""Pipeline reference for scband-mo-srahrouter-23802708754603 (READ-ONLY COPY).

The authoritative reference and input builder live on the scoring server;
editing this copy changes nothing except your own understanding.
"""

import jax, jax.numpy as jnp
import numpy as np

L_HEADS = 16
K_SEL = 2
HIDDEN = 2048

@jax.custom_vjp
def load_balance_loss_fn(expert_bias, routing_freqs):
    L = routing_freqs.shape[0]
    return jnp.sum((routing_freqs - 1.0 / L) ** 2)

def _lbl_fwd(expert_bias, routing_freqs):
    return load_balance_loss_fn(expert_bias, routing_freqs), routing_freqs

def _lbl_bwd(res, g):
    routing_freqs = res
    L = routing_freqs.shape[0]
    grad_bias = g * jnp.sign(routing_freqs - 1.0 / L)
    return (grad_bias, jnp.zeros_like(routing_freqs))

load_balance_loss_fn.defvjp(_lbl_fwd, _lbl_bwd)


def setup_inputs(seed: int = 0) -> dict:
    key = jax.random.key(seed)
    kx, kw = jax.random.split(key, 2)
    x = jax.random.normal(kx, (2, 4096, HIDDEN), dtype=jnp.float32)
    # nn.Linear(hidden_size, L, bias=False): weight [L, H]; use transposed [H, L] for x @ W
    W = jax.random.normal(kw, (HIDDEN, L_HEADS), dtype=jnp.float32) * (1.0 / np.sqrt(HIDDEN))
    expert_bias = jnp.zeros((L_HEADS,), dtype=jnp.float32)
    return {"x": x, "W": W, "expert_bias": expert_bias}


def reference(x, W, expert_bias):
    B, N, _ = x.shape
    L = W.shape[1]
    K = K_SEL
    logits = x @ W
    routing_scores = jax.nn.softmax(logits, axis=-1)
    biased_routing_scores = jax.nn.softmax(logits + expert_bias, axis=-1)
    _, selected_heads = jax.lax.top_k(biased_routing_scores, K)
    gathered = jnp.take_along_axis(routing_scores, selected_heads, axis=-1)
    routing_probs = gathered / jnp.sum(gathered, axis=-1, keepdims=True)
    # scatter_(-1, selected_heads, 1.0): topk indices are distinct per token, so one-hot sum == set
    assignment_mask = jnp.sum(jax.nn.one_hot(selected_heads, L, dtype=x.dtype), axis=-2)
    routing_freqs = jnp.sum(assignment_mask, axis=(0, 1)) / (B * N * K)
    load_balance_loss = load_balance_loss_fn(expert_bias, routing_freqs)
    return (selected_heads, routing_probs, load_balance_loss)

if __name__ == "__main__":
    import jax
    _d = setup_inputs()
    print(jax.jit(kernel)(*tuple(_d.values())))

</pallas_src>

<mosaic_0001>
#map = affine_map<(d0, d1) -> (0, 0)>
#map1 = affine_map<(d0, d1) -> (0)>
module attributes {stable_mosaic.version = 14 : i64} {
  func.func @_sc_router(%arg0: i32, %arg1: i32, %arg2: memref<16x8192xf32, #tpu.memory_space<hbm>>, %arg3: memref<16xf32, #tpu.memory_space<hbm>>, %arg4: memref<2x8192xi32, #tpu.memory_space<hbm>>, %arg5: memref<2x8192xf32, #tpu.memory_space<hbm>>, %arg6: memref<16xf32, #tpu.memory_space<hbm>>, %arg7: memref<16x16xf32, #tpu.memory_space<hbm>>, %arg8: memref<16x512xf32, #tpu.memory_space<vmem>>, %arg9: memref<16xf32, #tpu.memory_space<vmem>>, %arg10: memref<2x512xi32, #tpu.memory_space<vmem>>, %arg11: memref<2x512xf32, #tpu.memory_space<vmem>>, %arg12: memref<16xf32, #tpu.memory_space<vmem>>, %arg13: memref<16x16xf32, #tpu.memory_space<vmem>>, %arg14: memref<16xf32, #tpu.memory_space<vmem>>) attributes {dimension_semantics = [#tpu.dimension_semantics<core_parallel>, #tpu.dimension_semantics<subcore_parallel>], iteration_bounds = array<i64: 1, 16>, scalar_prefetch = 0 : i64, scratch_operands = 7 : i64, tpu.core_type = #tpu.core_type<sc_vector_subcore>, window_params = [{transform_indices = #map}, {transform_indices = #map1}, {transform_indices = #map}, {transform_indices = #map}, {transform_indices = #map1}, {transform_indices = #map}]} {
    %mul3A = arith.constant 512 : i32
    %mul3A_0 = arith.muli %arg1, %mul3A : i32
    "tpu.region"() ({
      %run_scoped3A = tpu.sem_alloc : memref<!tpu.dma_semaphore, #tpu.memory_space<semaphore_mem>>
      %dma_start3A = arith.constant 0 : i32
      %dma_start3A_1049 = tpu.memref_slice %arg2[%dma_start3A, %mul3A_0] : memref<16x8192xf32, #tpu.memory_space<hbm>> -> memref<16x512xf32, #tpu.memory_space<hbm>>
      %dma_start3A_1050 = arith.constant 0 : i32
      %dma_start3A_1051 = tpu.memref_slice %arg2[%dma_start3A_1050, %mul3A_0] : memref<16x8192xf32, #tpu.memory_space<hbm>> -> memref<16x512xf32, #tpu.memory_space<hbm>>
      tpu.enqueue_dma source(%dma_start3A_1051 : memref<16x512xf32, #tpu.memory_space<hbm>>) target(%arg8 : memref<16x512xf32, #tpu.memory_space<vmem>>) target_semaphore(%run_scoped3A : memref<!tpu.dma_semaphore, #tpu.memory_space<semaphore_mem>>)
      %dma_wait3A = arith.constant 0 : i32
      %dma_wait3A_1052 = tpu.memref_slice %arg2[%dma_wait3A, %mul3A_0] : memref<16x8192xf32, #tpu.memory_space<hbm>> -> memref<16x512xf32, #tpu.memory_space<hbm>>
      %dma_wait3A_1053 = arith.constant 0 : i32
      %dma_wait3A_1054 = tpu.memref_slice %arg2[%dma_wait3A_1053, %mul3A_0] : memref<16x8192xf32, #tpu.memory_space<hbm>> -> memref<16x512xf32, #tpu.memory_space<hbm>>
      tpu.wait_dma2 semaphore(%run_scoped3A : memref<!tpu.dma_semaphore, #tpu.memory_space<semaphore_mem>>) src(%dma_wait3A_1054 : memref<16x512xf32, #tpu.memory_space<hbm>>) dst(%arg8 : memref<16x512xf32, #tpu.memory_space<vmem>>)
      tpu.yield
    }) : () -> ()
    "tpu.region"() ({
      %run_scoped3A = tpu.sem_alloc : memref<!tpu.dma_semaphore, #tpu.memory_space<semaphore_mem>>
      tpu.enqueue_dma source(%arg3 : memref<16xf32, #tpu.memory_space<hbm>>) target(%arg9 : memref<16xf32, #tpu.memory_space<vmem>>) target_semaphore(%run_scoped3A : memref<!tpu.dma_semaphore, #tpu.memory_space<semaphore_mem>>)
      tpu.wait_dma2 semaphore(%run_scoped3A : memref<!tpu.dma_semaphore, #tpu.memory_space<semaphore_mem>>) src(%arg3 : memref<16xf32, #tpu.memory_space<hbm>>) dst(%arg9 : memref<16xf32, #tpu.memory_space<vmem>>)
      tpu.yield
    }) : () -> ()
    %iota3A = tpu.iota {dimensions = array<i32: 0>} : vector<16xi32>
    %broadcast_in_dim3A = arith.constant 1.000000e+00 : f32
    %broadcast_in_dim3A_1 = vector.broadcast %broadcast_in_dim3A : f32 to vector<16xf32>
    %broadcast_in_dim3A_2 = arith.constant 0.000000e+00 : f32
    %broadcast_in_dim3A_3 = vector.broadcast %broadcast_in_dim3A_2 : f32 to vector<16xf32>
    %get3A = arith.constant 0 : index
    %get3A_4 = tpu.vector_load %arg9[%get3A] {strides = array<i32>} : memref<16xf32, #tpu.memory_space<vmem>>, vector<16xf32>,
    %get3A_5 = vector.shape_cast %get3A_4 : vector<16xf32> to vector<16xf32>
    %slice3A = vector.extract_strided_slice %get3A_5 {offsets = [0], sizes = [1], strides = [1]} : vector<16xf32> to vector<1xf32>
    %squeeze3A = vector.extract %slice3A[0] : f32 from vector<1xf32>
    %broadcast_in_dim3A_6 = vector.broadcast %squeeze3A : f32 to vector<16xf32>
    %slice3A_7 = vector.extract_strided_slice %get3A_5 {offsets = [1], sizes = [1], strides = [1]} : vector<16xf32> to vector<1xf32>
    %squeeze3A_8 = vector.extract %slice3A_7[0] : f32 from vector<1xf32>
    %broadcast_in_dim3A_9 = vector.broadcast %squeeze3A_8 : f32 to vector<16xf32>
    %slice3A_10 = vector.extract_strided_slice %get3A_5 {offsets = [2], sizes = [1], strides = [1]} : vector<16xf32> to vector<1xf32>
    %squeeze3A_11 = vector.extract %slice3A_10[0] : f32 from vector<1xf32>
    %broadcast_in_dim3A_12 = vector.broadcast %squeeze3A_11 : f32 to vector<16xf32>
    %slice3A_13 = vector.extract_strided_slice %get3A_5 {offsets = [3], sizes = [1], strides = [1]} : vector<16xf32> to vector<1xf32>
    %squeeze3A_14 = vector.extract %slice3A_13[0] : f32 from vector<1xf32>
    %broadcast_in_dim3A_15 = vector.broadcast %squeeze3A_14 : f32 to vector<16xf32>
    %slice3A_16 = vector.extract_strided_slice %get3A_5 {offsets = [4], sizes = [1], strides = [1]} : vector<16xf32> to vector<1xf32>
    %squeeze3A_17 = vector.extract %slice3A_16[0] : f32 from vector<1xf32>
    %broadcast_in_dim3A_18 = vector.broadcast %squeeze3A_17 : f32 to vector<16xf32>
    %slice3A_19 = vector.extract_strided_slice %get3A_5 {offsets = [5], sizes = [1], strides = [1]} : vector<16xf32> to vector<1xf32>
    %squeeze3A_20 = vector.extract %slice3A_19[0] : f32 from vector<1xf32>
    %broadcast_in_dim3A_21 = vector.broadcast %squeeze3A_20 : f32 to vector<16xf32>
    %slice3A_22 = vector.extract_strided_slice %get3A_5 {offsets = [6], sizes = [1], strides = [1]} : vector<16xf32> to vector<1xf32>
    %squeeze3A_23 = vector.extract %slice3A_22[0] : f32 from vector<1xf32>
    %broadcast_in_dim3A_24 = vector.broadcast %squeeze3A_23 : f32 to vector<16xf32>
    %slice3A_25 = vector.extract_strided_slice %get3A_5 {offsets = [7], sizes = [1], strides = [1]} : vector<16xf32> to vector<1xf32>
    %squeeze3A_26 = vector.extract %slice3A_25[0] : f32 from vector<1xf32>
    %broadcast_in_dim3A_27 = vector.broadcast %squeeze3A_26 : f32 to vector<16xf32>
    %slice3A_28 = vector.extract_strided_slice %get3A_5 {offsets = [8], sizes = [1], strides = [1]} : vector<16xf32> to vector<1xf32>
    %squeeze3A_29 = vector.extract %slice3A_28[0] : f32 from vector<1xf32>
    %broadcast_in_dim3A_30 = vector.broadcast %squeeze3A_29 : f32 to vector<16xf32>
    %slice3A_31 = vector.extract_strided_slice %get3A_5 {offsets = [9], sizes = [1], strides = [1]} : vector<16xf32> to vector<1xf32>
    %squeeze3A_32 = vector.extract %slice3A_31[0] : f32 from vector<1xf32>
    %broadcast_in_dim3A_33 = vector.broadcast %squeeze3A_32 : f32 to vector<16xf32>
    %slice3A_34 = vector.extract_strided_slice %get3A_5 {offsets = [10], sizes = [1], strides = [1]} : vector<16xf32> to vector<1xf32>
    %squeeze3A_35 = vector.extract %slice3A_34[0] : f32 from vector<1xf32>
    %broadcast_in_dim3A_36 = vector.broadcast %squeeze3A_35 : f32 to vector<16xf32>
    %slice3A_37 = vector.extract_strided_slice %get3A_5 {offsets = [11], sizes = [1], strides = [1]} : vector<16xf32> to vector<1xf32>
    %squeeze3A_38 = vector.extract %slice3A_37[0] : f32 from vector<1xf32>
    %broadcast_in_dim3A_39 = vector.broadcast %squeeze3A_38 : f32 to vector<16xf32>
    %slice3A_40 = vector.extract_strided_slice %get3A_5 {offsets = [12], sizes = [1], strides = [1]} : vector<16xf32> to vector<1xf32>
    %squeeze3A_41 = vector.extract %slice3A_40[0] : f32 from vector<1xf32>
    %broadcast_in_dim3A_42 = vector.broadcast %squeeze3A_41 : f32 to vector<16xf32>
    %slice3A_43 = vector.extract_strided_slice %get3A_5 {offsets = [13], sizes = [1], strides = [1]} : vector<16xf32> to vector<1xf32>
    %squeeze3A_44 = vector.extract %slice3A_43[0] : f32 from vector<1xf32>
    %broadcast_in_dim3A_45 = vector.broadcast %squeeze3A_44 : f32 to vector<16xf32>
    %slice3A_46 = vector.extract_strided_slice %get3A_5 {offsets = [14], sizes = [1], strides = [1]} : vector<16xf32> to vector<1xf32>
    %squeeze3A_47 = vector.extract %slice3A_46[0] : f32 from vector<1xf32>
    %broadcast_in_dim3A_48 = vector.broadcast %squeeze3A_47 : f32 to vector<16xf32>
    %slice3A_49 = vector.extract_strided_slice %get3A_5 {offsets = [15], sizes = [1], strides = [1]} : vector<16xf32> to vector<1xf32>
    %squeeze3A_50 = vector.extract %slice3A_49[0] : f32 from vector<1xf32>
    %broadcast_in_dim3A_51 = vector.broadcast %squeeze3A_50 : f32 to vector<16xf32>
    %broadcast_in_dim3A_52 = arith.constant 0.000000e+00 : f32
    %broadcast_in_dim3A_53 = vector.broadcast %broadcast_in_dim3A_52 : f32 to vector<16xf32>
    %broadcast_in_dim3A_54 = arith.constant 0.000000e+00 : f32
    %broadcast_in_dim3A_55 = vector.broadcast %broadcast_in_dim3A_54 : f32 to vector<16xf32>
    %broadcast_in_dim3A_56 = arith.constant 0.000000e+00 : f32
    %broadcast_in_dim3A_57 = vector.broadcast %broadcast_in_dim3A_56 : f32 to vector<16xf32>
    %broadcast_in_dim3A_58 = arith.constant 0.000000e+00 : f32
    %broadcast_in_dim3A_59 = vector.broadcast %broadcast_in_dim3A_58 : f32 to vector<16xf32>
    %broadcast_in_dim3A_60 = arith.constant 0.000000e+00 : f32
    %broadcast_in_dim3A_61 = vector.broadcast %broadcast_in_dim3A_60 : f32 to vector<16xf32>
    %broadcast_in_dim3A_62 = arith.constant 0.000000e+00 : f32
    %broadcast_in_dim3A_63 = vector.broadcast %broadcast_in_dim3A_62 : f32 to vector<16xf32>
    %broadcast_in_dim3A_64 = arith.constant 0.000000e+00 : f32
    %broadcast_in_dim3A_65 = vector.broadcast %broadcast_in_dim3A_64 : f32 to vector<16xf32>
    %broadcast_in_dim3A_66 = arith.constant 0.000000e+00 : f32
    %broadcast_in_dim3A_67 = vector.broadcast %broadcast_in_dim3A_66 : f32 to vector<16xf32>
    %broadcast_in_dim3A_68 = arith.constant 0.000000e+00 : f32
    %broadcast_in_dim3A_69 = vector.broadcast %broadcast_in_dim3A_68 : f32 to vector<16xf32>
    %broadcast_in_dim3A_70 = arith.constant 0.000000e+00 : f32
    %broadcast_in_dim3A_71 = vector.broadcast %broadcast_in_dim3A_70 : f32 to vector<16xf32>
    %broadcast_in_dim3A_72 = arith.constant 0.000000e+00 : f32
    %broadcast_in_dim3A_73 = vector.broadcast %broadcast_in_dim3A_72 : f32 to vector<16xf32>
    %broadcast_in_dim3A_74 = arith.constant 0.000000e+00 : f32
    %broadcast_in_dim3A_75 = vector.broadcast %broadcast_in_dim3A_74 : f32 to vector<16xf32>
    %broadcast_in_dim3A_76 = arith.constant 0.000000e+00 : f32
    %broadcast_in_dim3A_77 = vector.broadcast %broadcast_in_dim3A_76 : f32 to vector<16xf32>
    %broadcast_in_dim3A_78 = arith.constant 0.000000e+00 : f32
    %broadcast_in_dim3A_79 = vector.broadcast %broadcast_in_dim3A_78 : f32 to vector<16xf32>
    %broadcast_in_dim3A_80 = arith.constant 0.000000e+00 : f32
    %broadcast_in_dim3A_81 = vector.broadcast %broadcast_in_dim3A_80 : f32 to vector<16xf32>
    %broadcast_in_dim3A_82 = arith.constant 0.000000e+00 : f32
    %broadcast_in_dim3A_83 = vector.broadcast %broadcast_in_dim3A_82 : f32 to vector<16xf32>
    %parallel_loop3A = arith.constant 0 : i32
    %parallel_loop3A_84 = arith.constant 512 : i32
    %parallel_loop3A_85 = arith.constant 16 : i32
    %parallel_loop3A_86:16 = scf.for %parallel_loop3A_1049 = %parallel_loop3A to %parallel_loop3A_84 step %parallel_loop3A_85 iter_args(%parallel_loop3A_1050 = %broadcast_in_dim3A_53, %parallel_loop3A_1051 = %broadcast_in_dim3A_55, %parallel_loop3A_1052 = %broadcast_in_dim3A_57, %parallel_loop3A_1053 = %broadcast_in_dim3A_59, %parallel_loop3A_1054 = %broadcast_in_dim3A_61, %parallel_loop3A_1055 = %broadcast_in_dim3A_63, %parallel_loop3A_1056 = %broadcast_in_dim3A_65, %parallel_loop3A_1057 = %broadcast_in_dim3A_67, %parallel_loop3A_1058 = %broadcast_in_dim3A_69, %parallel_loop3A_1059 = %broadcast_in_dim3A_71, %parallel_loop3A_1060 = %broadcast_in_dim3A_73, %parallel_loop3A_1061 = %broadcast_in_dim3A_75, %parallel_loop3A_1062 = %broadcast_in_dim3A_77, %parallel_loop3A_1063 = %broadcast_in_dim3A_79, %parallel_loop3A_1064 = %broadcast_in_dim3A_81, %parallel_loop3A_1065 = %broadcast_in_dim3A_83) -> (vector<16xf32>, vector<16xf32>, vector<16xf32>, vector<16xf32>, vector<16xf32>, vector<16xf32>, vector<16xf32>, vector<16xf32>, vector<16xf32>, vector<16xf32>, vector<16xf32>, vector<16xf32>, vector<16xf32>, vector<16xf32>, vector<16xf32>, vector<16xf32>)  : i32 {
      %parallel_loop3A_1066 = arith.constant 0 : i32
      %parallel_loop3A_1067 = arith.index_cast %parallel_loop3A_1066 : i32 to index
      %parallel_loop3A_1068 = arith.index_cast %parallel_loop3A_1049 : i32 to index
      %parallel_loop3A_1069 = tpu.vector_load %arg8[%parallel_loop3A_1067, %parallel_loop3A_1068] {strides = array<i32>} : memref<16x512xf32, #tpu.memory_space<vmem>>, vector<1x16xf32>,
      %parallel_loop3A_1070 = vector.shape_cast %parallel_loop3A_1069 : vector<1x16xf32> to vector<16xf32>
      %parallel_loop3A_1071 = arith.constant 1 : i32
      %parallel_loop3A_1072 = arith.index_cast %parallel_loop3A_1071 : i32 to index
      %parallel_loop3A_1073 = arith.index_cast %parallel_loop3A_1049 : i32 to index
      %parallel_loop3A_1074 = tpu.vector_load %arg8[%parallel_loop3A_1072, %parallel_loop3A_1073] {strides = array<i32>} : memref<16x512xf32, #tpu.memory_space<vmem>>, vector<1x16xf32>,
      %parallel_loop3A_1075 = vector.shape_cast %parallel_loop3A_1074 : vector<1x16xf32> to vector<16xf32>
      %parallel_loop3A_1076 = arith.constant 2 : i32
      %parallel_loop3A_1077 = arith.index_cast %parallel_loop3A_1076 : i32 to index
      %parallel_loop3A_1078 = arith.index_cast %parallel_loop3A_1049 : i32 to index
      %parallel_loop3A_1079 = tpu.vector_load %arg8[%parallel_loop3A_1077, %parallel_loop3A_1078] {strides = array<i32>} : memref<16x512xf32, #tpu.memory_space<vmem>>, vector<1x16xf32>,
      %parallel_loop3A_1080 = vector.shape_cast %parallel_loop3A_1079 : vector<1x16xf32> to vector<16xf32>
      %parallel_loop3A_1081 = arith.constant 3 : i32
      %parallel_loop3A_1082 = arith.index_cast %parallel_loop3A_1081 : i32 to index
      %parallel_loop3A_1083 = arith.index_cast %parallel_loop3A_1049 : i32 to index
      %parallel_loop3A_1084 = tpu.vector_load %arg8[%parallel_loop3A_1082, %parallel_loop3A_1083] {strides = array<i32>} : memref<16x512xf32, #tpu.memory_space<vmem>>, vector<1x16xf32>,
      %parallel_loop3A_1085 = vector.shape_cast %parallel_loop3A_1084 : vector<1x16xf32> to vector<16xf32>
      %parallel_loop3A_1086 = arith.constant 4 : i32
      %parallel_loop3A_1087 = arith.index_cast %parallel_loop3A_1086 : i32 to index
      %parallel_loop3A_1088 = arith.index_cast %parallel_loop3A_1049 : i32 to index
      %parallel_loop3A_1089 = tpu.vector_load %arg8[%parallel_loop3A_1087, %parallel_loop3A_1088] {strides = array<i32>} : memref<16x512xf32, #tpu.memory_space<vmem>>, vector<1x16xf32>,
      %parallel_loop3A_1090 = vector.shape_cast %parallel_loop3A_1089 : vector<1x16xf32> to vector<16xf32>
      %parallel_loop3A_1091 = arith.constant 5 : i32
      %parallel_loop3A_1092 = arith.index_cast %parallel_loop3A_1091 : i32 to index
      %parallel_loop3A_1093 = arith.index_cast %parallel_loop3A_1049 : i32 to index
      %parallel_loop3A_1094 = tpu.vector_load %arg8[%parallel_loop3A_1092, %parallel_loop3A_1093] {strides = array<i32>} : memref<16x512xf32, #tpu.memory_space<vmem>>, vector<1x16xf32>,
      %parallel_loop3A_1095 = vector.shape_cast %parallel_loop3A_1094 : vector<1x16xf32> to vector<16xf32>
      %parallel_loop3A_1096 = arith.constant 6 : i32
      %parallel_loop3A_1097 = arith.index_cast %parallel_loop3A_1096 : i32 to index
      %parallel_loop3A_1098 = arith.index_cast %parallel_loop3A_1049 : i32 to index
      %parallel_loop3A_1099 = tpu.vector_load %arg8[%parallel_loop3A_1097, %parallel_loop3A_1098] {strides = array<i32>} : memref<16x512xf32, #tpu.memory_space<vmem>>, vector<1x16xf32>,
      %parallel_loop3A_1100 = vector.shape_cast %parallel_loop3A_1099 : vector<1x16xf32> to vector<16xf32>
      %parallel_loop3A_1101 = arith.constant 7 : i32
      %parallel_loop3A_1102 = arith.index_cast %parallel_loop3A_1101 : i32 to index
      %parallel_loop3A_1103 = arith.index_cast %parallel_loop3A_1049 : i32 to index
      %parallel_loop3A_1104 = tpu.vector_load %arg8[%parallel_loop3A_1102, %parallel_loop3A_1103] {strides = array<i32>} : memref<16x512xf32, #tpu.memory_space<vmem>>, vector<1x16xf32>,
      %parallel_loop3A_1105 = vector.shape_cast %parallel_loop3A_1104 : vector<1x16xf32> to vector<16xf32>
      %parallel_loop3A_1106 = arith.constant 8 : i32
      %parallel_loop3A_1107 = arith.index_cast %parallel_loop3A_1106 : i32 to index
      %parallel_loop3A_1108 = arith.index_cast %parallel_loop3A_1049 : i32 to index
      %parallel_loop3A_1109 = tpu.vector_load %arg8[%parallel_loop3A_1107, %parallel_loop3A_1108] {strides = array<i32>} : memref<16x512xf32, #tpu.memory_space<vmem>>, vector<1x16xf32>,
      %parallel_loop3A_1110 = vector.shape_cast %parallel_loop3A_1109 : vector<1x16xf32> to vector<16xf32>
      %parallel_loop3A_1111 = arith.constant 9 : i32
      %parallel_loop3A_1112 = arith.index_cast %parallel_loop3A_1111 : i32 to index
      %parallel_loop3A_1113 = arith.index_cast %parallel_loop3A_1049 : i32 to index
      %parallel_loop3A_1114 = tpu.vector_load %arg8[%parallel_loop3A_1112, %parallel_loop3A_1113] {strides = array<i32>} : memref<16x512xf32, #tpu.memory_space<vmem>>, vector<1x16xf32>,
      %parallel_loop3A_1115 = vector.shape_cast %parallel_loop3A_1114 : vector<1x16xf32> to vector<16xf32>
      %parallel_loop3A_1116 = arith.constant 10 : i32
      %parallel_loop3A_1117 = arith.index_cast %parallel_loop3A_1116 : i32 to index
      %parallel_loop3A_1118 = arith.index_cast %parallel_loop3A_1049 : i32 to index
      %parallel_loop3A_1119 = tpu.vector_load %arg8[%parallel_loop3A_1117, %parallel_loop3A_1118] {strides = array<i32>} : memref<16x512xf32, #tpu.memory_space<vmem>>, vector<1x16xf32>,
      %parallel_loop3A_1120 = vector.shape_cast %parallel_loop3A_1119 : vector<1x16xf32> to vector<16xf32>
      %parallel_loop3A_1121 = arith.constant 11 : i32
      %parallel_loop3A_1122 = arith.index_cast %parallel_loop3A_1121 : i32 to index
      %parallel_loop3A_1123 = arith.index_cast %parallel_loop3A_1049 : i32 to index
      %parallel_loop3A_1124 = tpu.vector_load %arg8[%parallel_loop3A_1122, %parallel_loop3A_1123] {strides = array<i32>} : memref<16x512xf32, #tpu.memory_space<vmem>>, vector<1x16xf32>,
      %parallel_loop3A_1125 = vector.shape_cast %parallel_loop3A_1124 : vector<1x16xf32> to vector<16xf32>
      %parallel_loop3A_1126 = arith.constant 12 : i32
      %parallel_loop3A_1127 = arith.index_cast %parallel_loop3A_1126 : i32 to index
      %parallel_loop3A_1128 = arith.index_cast %parallel_loop3A_1049 : i32 to index
      %parallel_loop3A_1129 = tpu.vector_load %arg8[%parallel_loop3A_1127, %parallel_loop3A_1128] {strides = array<i32>} : memref<16x512xf32, #tpu.memory_space<vmem>>, vector<1x16xf32>,
      %parallel_loop3A_1130 = vector.shape_cast %parallel_loop3A_1129 : vector<1x16xf32> to vector<16xf32>
      %parallel_loop3A_1131 = arith.constant 13 : i32
      %parallel_loop3A_1132 = arith.index_cast %parallel_loop3A_1131 : i32 to index
      %parallel_loop3A_1133 = arith.index_cast %parallel_loop3A_1049 : i32 to index
      %parallel_loop3A_1134 = tpu.vector_load %arg8[%parallel_loop3A_1132, %parallel_loop3A_1133] {strides = array<i32>} : memref<16x512xf32, #tpu.memory_space<vmem>>, vector<1x16xf32>,
      %parallel_loop3A_1135 = vector.shape_cast %parallel_loop3A_1134 : vector<1x16xf32> to vector<16xf32>
      %parallel_loop3A_1136 = arith.constant 14 : i32
      %parallel_loop3A_1137 = arith.index_cast %parallel_loop3A_1136 : i32 to index
      %parallel_loop3A_1138 = arith.index_cast %parallel_loop3A_1049 : i32 to index
      %parallel_loop3A_1139 = tpu.vector_load %arg8[%parallel_loop3A_1137, %parallel_loop3A_1138] {strides = array<i32>} : memref<16x512xf32, #tpu.memory_space<vmem>>, vector<1x16xf32>,
      %parallel_loop3A_1140 = vector.shape_cast %parallel_loop3A_1139 : vector<1x16xf32> to vector<16xf32>
      %parallel_loop3A_1141 = arith.constant 15 : i32
      %parallel_loop3A_1142 = arith.index_cast %parallel_loop3A_1141 : i32 to index
      %parallel_loop3A_1143 = arith.index_cast %parallel_loop3A_1049 : i32 to index
      %parallel_loop3A_1144 = tpu.vector_load %arg8[%parallel_loop3A_1142, %parallel_loop3A_1143] {strides = array<i32>} : memref<16x512xf32, #tpu.memory_space<vmem>>, vector<1x16xf32>,
      %parallel_loop3A_1145 = vector.shape_cast %parallel_loop3A_1144 : vector<1x16xf32> to vector<16xf32>
      %parallel_loop3A_1146 = arith.addf %parallel_loop3A_1070, %broadcast_in_dim3A_6 : vector<16xf32>
      %parallel_loop3A_1147 = arith.constant 0 : i32
      %parallel_loop3A_1148 = vector.broadcast %parallel_loop3A_1147 : i32 to vector<16xi32>
      %parallel_loop3A_1149 = arith.constant 0xFF800000 : f32
      %parallel_loop3A_1150 = vector.broadcast %parallel_loop3A_1149 : f32 to vector<16xf32>
      %parallel_loop3A_1151 = arith.constant 0.000000e+00 : f32
      %parallel_loop3A_1152 = vector.broadcast %parallel_loop3A_1151 : f32 to vector<16xf32>
      %parallel_loop3A_1153 = arith.constant 0 : i32
      %parallel_loop3A_1154 = vector.broadcast %parallel_loop3A_1153 : i32 to vector<16xi32>
      %parallel_loop3A_1155 = arith.addf %parallel_loop3A_1075, %broadcast_in_dim3A_9 : vector<16xf32>
      %parallel_loop3A_1156 = arith.cmpf ogt, %parallel_loop3A_1155, %parallel_loop3A_1146 : vector<16xf32>
      %parallel_loop3A_1157 = arith.cmpf ogt, %parallel_loop3A_1155, %parallel_loop3A_1150 : vector<16xf32>
      %parallel_loop3A_1158 = arith.constant 1 : i32
      %parallel_loop3A_1159 = vector.broadcast %parallel_loop3A_1158 : i32 to vector<16xi32>
      %parallel_loop3A_1160 = arith.select %parallel_loop3A_1157, %parallel_loop3A_1155, %parallel_loop3A_1150 : vector<16xi1>, vector<16xf32>
      %parallel_loop3A_1161 = arith.select %parallel_loop3A_1156, %parallel_loop3A_1146, %parallel_loop3A_1160 : vector<16xi1>, vector<16xf32>
      %parallel_loop3A_1162 = arith.select %parallel_loop3A_1157, %parallel_loop3A_1075, %parallel_loop3A_1152 : vector<16xi1>, vector<16xf32>
      %parallel_loop3A_1163 = arith.select %parallel_loop3A_1156, %parallel_loop3A_1070, %parallel_loop3A_1162 : vector<16xi1>, vector<16xf32>
      %parallel_loop3A_1164 = arith.select %parallel_loop3A_1157, %parallel_loop3A_1159, %parallel_loop3A_1154 : vector<16xi1>, vector<16xi32>
      %parallel_loop3A_1165 = arith.select %parallel_loop3A_1156, %parallel_loop3A_1148, %parallel_loop3A_1164 : vector<16xi1>, vector<16xi32>
      %parallel_loop3A_1166 = arith.select %parallel_loop3A_1156, %parallel_loop3A_1155, %parallel_loop3A_1146 : vector<16xi1>, vector<16xf32>
      %parallel_loop3A_1167 = arith.select %parallel_loop3A_1156, %parallel_loop3A_1075, %parallel_loop3A_1070 : vector<16xi1>, vector<16xf32>
      %parallel_loop3A_1168 = arith.select %parallel_loop3A_1156, %parallel_loop3A_1159, %parallel_loop3A_1148 : vector<16xi1>, vector<16xi32>
      %parallel_loop3A_1169 = arith.addf %parallel_loop3A_1080, %broadcast_in_dim3A_12 : vector<16xf32>
      %parallel_loop3A_1170 = arith.cmpf ogt, %parallel_loop3A_1169, %parallel_loop3A_1166 : vector<16xf32>
      %parallel_loop3A_1171 = arith.cmpf ogt, %parallel_loop3A_1169, %parallel_loop3A_1161 : vector<16xf32>
      %parallel_loop3A_1172 = arith.constant 2 : i32
      %parallel_loop3A_1173 = vector.broadcast %parallel_loop3A_1172 : i32 to vector<16xi32>
      %parallel_loop3A_1174 = arith.select %parallel_loop3A_1171, %parallel_loop3A_1169, %parallel_loop3A_1161 : vector<16xi1>, vector<16xf32>
      %parallel_loop3A_1175 = arith.select %parallel_loop3A_1170, %parallel_loop3A_1166, %parallel_loop3A_1174 : vector<16xi1>, vector<16xf32>
      %parallel_loop3A_1176 = arith.select %parallel_loop3A_1171, %parallel_loop3A_1080, %parallel_loop3A_1163 : vector<16xi1>, vector<16xf32>
      %parallel_loop3A_1177 = arith.select %parallel_loop3A_1170, %parallel_loop3A_1167, %parallel_loop3A_1176 : vector<16xi1>, vector<16xf32>
      %parallel_loop3A_1178 = arith.select %parallel_loop3A_1171, %parallel_loop3A_1173, %parallel_loop3A_1165 : vector<16xi1>, vector<16xi32>
      %parallel_loop3A_1179 = arith.select %parallel_loop3A_1170, %parallel_loop3A_1168, %parallel_loop3A_1178 : vector<16xi1>, vector<16xi32>
      %parallel_loop3A_1180 = arith.select %parallel_loop3A_1170, %parallel_loop3A_1169, %parallel_loop3A_1166 : vector<16xi1>, vector<16xf32>
      %parallel_loop3A_1181 = arith.select %parallel_loop3A_1170, %parallel_loop3A_1080, %parallel_loop3A_1167 : vector<16xi1>, vector<16xf32>
      %parallel_loop3A_1182 = arith.select %parallel_loop3A_1170, %parallel_loop3A_1173, %parallel_loop3A_1168 : vector<16xi1>, vector<16xi32>
      %parallel_loop3A_1183 = arith.addf %parallel_loop3A_1085, %broadcast_in_dim3A_15 : vector<16xf32>
      %parallel_loop3A_1184 = arith.cmpf ogt, %parallel_loop3A_1183, %parallel_loop3A_1180 : vector<16xf32>
      %parallel_loop3A_1185 = arith.cmpf ogt, %parallel_loop3A_1183, %parallel_loop3A_1175 : vector<16xf32>
      %parallel_loop3A_1186 = arith.constant 3 : i32
      %parallel_loop3A_1187 = vector.broadcast %parallel_loop3A_1186 : i32 to vector<16xi32>
      %parallel_loop3A_1188 = arith.select %parallel_loop3A_1185, %parallel_loop3A_1183, %parallel_loop3A_1175 : vector<16xi1>, vector<16xf32>
      %parallel_loop3A_1189 = arith.select %parallel_loop3A_1184, %parallel_loop3A_1180, %parallel_loop3A_1188 : vector<16xi1>, vector<16xf32>
      %parallel_loop3A_1190 = arith.select %parallel_loop3A_1185, %parallel_loop3A_1085, %parallel_loop3A_1177 : vector<16xi1>, vector<16xf32>
      %parallel_loop3A_1191 = arith.select %parallel_loop3A_1184, %parallel_loop3A_1181, %parallel_loop3A_1190 : vector<16xi1>, vector<16xf32>
      %parallel_loop3A_1192 = arith.select %parallel_loop3A_1185, %parallel_loop3A_1187, %parallel_loop3A_1179 : vector<16xi1>, vector<16xi32>
      %parallel_loop3A_1193 = arith.select %parallel_loop3A_1184, %parallel_loop3A_1182, %parallel_loop3A_1192 : vector<16xi1>, vector<16xi32>
      %parallel_loop3A_1194 = arith.select %parallel_loop3A_1184, %parallel_loop3A_1183, %parallel_loop3A_1180 : vector<16xi1>, vector<16xf32>
      %parallel_loop3A_1195 = arith.select %parallel_loop3A_1184, %parallel_loop3A_1085, %parallel_loop3A_1181 : vector<16xi1>, vector<16xf32>
      %parallel_loop3A_1196 = arith.select %parallel_loop3A_1184, %parallel_loop3A_1187, %parallel_loop3A_1182 : vector<16xi1>, vector<16xi32>
      %parallel_loop3A_1197 = arith.addf %parallel_loop3A_1090, %broadcast_in_dim3A_18 : vector<16xf32>
      %parallel_loop3A_1198 = arith.cmpf ogt, %parallel_loop3A_1197, %parallel_loop3A_1194 : vector<16xf32>
      %parallel_loop3A_1199 = arith.cmpf ogt, %parallel_loop3A_1197, %parallel_loop3A_1189 : vector<16xf32>
      %parallel_loop3A_1200 = arith.constant 4 : i32
      %parallel_loop3A_1201 = vector.broadcast %parallel_loop3A_1200 : i32 to vector<16xi32>
      %parallel_loop3A_1202 = arith.select %parallel_loop3A_1199, %parallel_loop3A_1197, %parallel_loop3A_1189 : vector<16xi1>, vector<16xf32>
      %parallel_loop3A_1203 = arith.select %parallel_loop3A_1198, %parallel_loop3A_1194, %parallel_loop3A_1202 : vector<16xi1>, vector<16xf32>
      %parallel_loop3A_1204 = arith.select %parallel_loop3A_1199, %parallel_loop3A_1090, %parallel_loop3A_1191 : vector<16xi1>, vector<16xf32>
      %parallel_loop3A_1205 = arith.select %parallel_loop3A_1198, %parallel_loop3A_1195, %parallel_loop3A_1204 : vector<16xi1>, vector<16xf32>
      %parallel_loop3A_1206 = arith.select %parallel_loop3A_1199, %parallel_loop3A_1201, %parallel_loop3A_1193 : vector<16xi1>, vector<16xi32>
      %parallel_loop3A_1207 = arith.select %parallel_loop3A_1198, %parallel_loop3A_1196, %parallel_loop3A_1206 : vector<16xi1>, vector<16xi32>
      %parallel_loop3A_1208 = arith.select %parallel_loop3A_1198, %parallel_loop3A_1197, %parallel_loop3A_1194 : vector<16xi1>, vector<16xf32>
      %parallel_loop3A_1209 = arith.select %parallel_loop3A_1198, %parallel_loop3A_1090, %parallel_loop3A_1195 : vector<16xi1>, vector<16xf32>
      %parallel_loop3A_1210 = arith.select %parallel_loop3A_1198, %parallel_loop3A_1201, %parallel_loop3A_1196 : vector<16xi1>, vector<16xi32>
      %parallel_loop3A_1211 = arith.addf %parallel_loop3A_1095, %broadcast_in_dim3A_21 : vector<16xf32>
      %parallel_loop3A_1212 = arith.cmpf ogt, %parallel_loop3A_1211, %parallel_loop3A_1208 : vector<16xf32>
      %parallel_loop3A_1213 = arith.cmpf ogt, %parallel_loop3A_1211, %parallel_loop3A_1203 : vector<16xf32>
      %parallel_loop3A_1214 = arith.constant 5 : i32
      %parallel_loop3A_1215 = vector.broadcast %parallel_loop3A_1214 : i32 to vector<16xi32>
      %parallel_loop3A_1216 = arith.select %parallel_loop3A_1213, %parallel_loop3A_1211, %parallel_loop3A_1203 : vector<16xi1>, vector<16xf32>
      %parallel_loop3A_1217 = arith.select %parallel_loop3A_1212, %parallel_loop3A_1208, %parallel_loop3A_1216 : vector<16xi1>, vector<16xf32>
      %parallel_loop3A_1218 = arith.select %parallel_loop3A_1213, %parallel_loop3A_1095, %parallel_loop3A_1205 : vector<16xi1>, vector<16xf32>
      %parallel_loop3A_1219 = arith.select %parallel_loop3A_1212, %parallel_loop3A_1209, %parallel_loop3A_1218 : vector<16xi1>, vector<16xf32>
      %parallel_loop3A_1220 = arith.select %parallel_loop3A_1213, %parallel_loop3A_1215, %parallel_loop3A_1207 : vector<16xi1>, vector<16xi32>
      %parallel_loop3A_1221 = arith.select %parallel_loop3A_1212, %parallel_loop3A_1210, %parallel_loop3A_1220 : vector<16xi1>, vector<16xi32>
      %parallel_loop3A_1222 = arith.select %parallel_loop3A_1212, %parallel_loop3A_1211, %parallel_loop3A_1208 : vector<16xi1>, vector<16xf32>
      %parallel_loop3A_1223 = arith.select %parallel_loop3A_1212, %parallel_loop3A_1095, %parallel_loop3A_1209 : vector<16xi1>, vector<16xf32>
      %parallel_loop3A_1224 = arith.select %parallel_loop3A_1212, %parallel_loop3A_1215, %parallel_loop3A_1210 : vector<16xi1>, vector<16xi32>
      %parallel_loop3A_1225 = arith.addf %parallel_loop3A_1100, %broadcast_in_dim3A_24 : vector<16xf32>
      %parallel_loop3A_1226 = arith.cmpf ogt, %parallel_loop3A_1225, %parallel_loop3A_1222 : vector<16xf32>
      %parallel_loop3A_1227 = arith.cmpf ogt, %parallel_loop3A_1225, %parallel_loop3A_1217 : vector<16xf32>
      %parallel_loop3A_1228 = arith.constant 6 : i32
      %parallel_loop3A_1229 = vector.broadcast %parallel_loop3A_1228 : i32 to vector<16xi32>
      %parallel_loop3A_1230 = arith.select %parallel_loop3A_1227, %parallel_loop3A_1225, %parallel_loop3A_1217 : vector<16xi1>, vector<16xf32>
      %parallel_loop3A_1231 = arith.select %parallel_loop3A_1226, %parallel_loop3A_1222, %parallel_loop3A_1230 : vector<16xi1>, vector<16xf32>
      %parallel_loop3A_1232 = arith.select %parallel_loop3A_1227, %parallel_loop3A_1100, %parallel_loop3A_1219 : vector<16xi1>, vector<16xf32>
      %parallel_loop3A_1233 = arith.select %parallel_loop3A_1226, %parallel_loop3A_1223, %parallel_loop3A_1232 : vector<16xi1>, vector<16xf32>
      %parallel_loop3A_1234 = arith.select %parallel_loop3A_1227, %parallel_loop3A_1229, %parallel_loop3A_1221 : vector<16xi1>, vector<16xi32>
      %parallel_loop3A_1235 = arith.select %parallel_loop3A_1226, %parallel_loop3A_1224, %parallel_loop3A_1234 : vector<16xi1>, vector<16xi32>
      %parallel_loop3A_1236 = arith.select %parallel_loop3A_1226, %parallel_loop3A_1225, %parallel_loop3A_1222 : vector<16xi1>, vector<16xf32>
      %parallel_loop3A_1237 = arith.select %parallel_loop3A_1226, %parallel_loop3A_1100, %parallel_loop3A_1223 : vector<16xi1>, vector<16xf32>
      %parallel_loop3A_1238 = arith.select %parallel_loop3A_1226, %parallel_loop3A_1229, %parallel_loop3A_1224 : vector<16xi1>, vector<16xi32>
      %parallel_loop3A_1239 = arith.addf %parallel_loop3A_1105, %broadcast_in_dim3A_27 : vector<16xf32>
      %parallel_loop3A_1240 = arith.cmpf ogt, %parallel_loop3A_1239, %parallel_loop3A_1236 : vector<16xf32>
      %parallel_loop3A_1241 = arith.cmpf ogt, %parallel_loop3A_1239, %parallel_loop3A_1231 : vector<16xf32>
      %parallel_loop3A_1242 = arith.constant 7 : i32
      %parallel_loop3A_1243 = vector.broadcast %parallel_loop3A_1242 : i32 to vector<16xi32>
      %parallel_loop3A_1244 = arith.select %parallel_loop3A_1241, %parallel_loop3A_1239, %parallel_loop3A_1231 : vector<16xi1>, vector<16xf32>
      %parallel_loop3A_1245 = arith.select %parallel_loop3A_1240, %parallel_loop3A_1236, %parallel_loop3A_1244 : vector<16xi1>, vector<16xf32>
      %parallel_loop3A_1246 = arith.select %parallel_loop3A_1241, %parallel_loop3A_1105, %parallel_loop3A_1233 : vector<16xi1>, vector<16xf32>
      %parallel_loop3A_1247 = arith.select %parallel_loop3A_1240, %parallel_loop3A_1237, %parallel_loop3A_1246 : vector<16xi1>, vector<16xf32>
      %parallel_loop3A_1248 = arith.select %parallel_loop3A_1241, %parallel_loop3A_1243, %parallel_loop3A_1235 : vector<16xi1>, vector<16xi32>
      %parallel_loop3A_1249 = arith.select %parallel_loop3A_1240, %parallel_loop3A_1238, %parallel_loop3A_1248 : vector<16xi1>, vector<16xi32>
      %parallel_loop3A_1250 = arith.select %parallel_loop3A_1240, %parallel_loop3A_1239, %parallel_loop3A_1236 : vector<16xi1>, vector<16xf32>
      %parallel_loop3A_1251 = arith.select %parallel_loop3A_1240, %parallel_loop3A_1105, %parallel_loop3A_1237 : vector<16xi1>, vector<16xf32>
      %parallel_loop3A_1252 = arith.select %parallel_loop3A_1240, %parallel_loop3A_1243, %parallel_loop3A_1238 : vector<16xi1>, vector<16xi32>
      %parallel_loop3A_1253 = arith.addf %parallel_loop3A_1110, %broadcast_in_dim3A_30 : vector<16xf32>
      %parallel_loop3A_1254 = arith.cmpf ogt, %parallel_loop3A_1253, %parallel_loop3A_1250 : vector<16xf32>
      %parallel_loop3A_1255 = arith.cmpf ogt, %parallel_loop3A_1253, %parallel_loop3A_1245 : vector<16xf32>
      %parallel_loop3A_1256 = arith.constant 8 : i32
      %parallel_loop3A_1257 = vector.broadcast %parallel_loop3A_1256 : i32 to vector<16xi32>
      %parallel_loop3A_1258 = arith.select %parallel_loop3A_1255, %parallel_loop3A_1253, %parallel_loop3A_1245 : vector<16xi1>, vector<16xf32>
      %parallel_loop3A_1259 = arith.select %parallel_loop3A_1254, %parallel_loop3A_1250, %parallel_loop3A_1258 : vector<16xi1>, vector<16xf32>
      %parallel_loop3A_1260 = arith.select %parallel_loop3A_1255, %parallel_loop3A_1110, %parallel_loop3A_1247 : vector<16xi1>, vector<16xf32>
      %parallel_loop3A_1261 = arith.select %parallel_loop3A_1254, %parallel_loop3A_1251, %parallel_loop3A_1260 : vector<16xi1>, vector<16xf32>
      %parallel_loop3A_1262 = arith.select %parallel_loop3A_1255, %parallel_loop3A_1257, %parallel_loop3A_1249 : vector<16xi1>, vector<16xi32>
      %parallel_loop3A_1263 = arith.select %parallel_loop3A_1254, %parallel_loop3A_1252, %parallel_loop3A_1262 : vector<16xi1>, vector<16xi32>
      %parallel_loop3A_1264 = arith.select %parallel_loop3A_1254, %parallel_loop3A_1253, %parallel_loop3A_1250 : vector<16xi1>, vector<16xf32>
      %parallel_loop3A_1265 = arith.select %parallel_loop3A_1254, %parallel_loop3A_1110, %parallel_loop3A_1251 : vector<16xi1>, vector<16xf32>
      %parallel_loop3A_1266 = arith.select %parallel_loop3A_1254, %parallel_loop3A_1257, %parallel_loop3A_1252 : vector<16xi1>, vector<16xi32>
      %parallel_loop3A_1267 = arith.addf %parallel_loop3A_1115, %broadcast_in_dim3A_33 : vector<16xf32>
      %parallel_loop3A_1268 = arith.cmpf ogt, %parallel_loop3A_1267, %parallel_loop3A_1264 : vector<16xf32>
      %parallel_loop3A_1269 = arith.cmpf ogt, %parallel_loop3A_1267, %parallel_loop3A_1259 : vector<16xf32>
      %parallel_loop3A_1270 = arith.constant 9 : i32
      %parallel_loop3A_1271 = vector.broadcast %parallel_loop3A_1270 : i32 to vector<16xi32>
      %parallel_loop3A_1272 = arith.select %parallel_loop3A_1269, %parallel_loop3A_1267, %parallel_loop3A_1259 : vector<16xi1>, vector<16xf32>
      %parallel_loop3A_1273 = arith.select %parallel_loop3A_1268, %parallel_loop3A_1264, %parallel_loop3A_1272 : vector<16xi1>, vector<16xf32>
      %parallel_loop3A_1274 = arith.select %parallel_loop3A_1269, %parallel_loop3A_1115, %parallel_loop3A_1261 : vector<16xi1>, vector<16xf32>
      %parallel_loop3A_1275 = arith.select %parallel_loop3A_1268, %parallel_loop3A_1265, %parallel_loop3A_1274 : vector<16xi1>, vector<16xf32>
      %parallel_loop3A_1276 = arith.select %parallel_loop3A_1269, %parallel_loop3A_1271, %parallel_loop3A_1263 : vector<16xi1>, vector<16xi32>
      %parallel_loop3A_1277 = arith.select %parallel_loop3A_1268, %parallel_loop3A_1266, %parallel_loop3A_1276 : vector<16xi1>, vector<16xi32>
      %parallel_loop3A_1278 = arith.select %parallel_loop3A_1268, %parallel_loop3A_1267, %parallel_loop3A_1264 : vector<16xi1>, vector<16xf32>
      %parallel_loop3A_1279 = arith.select %parallel_loop3A_1268, %parallel_loop3A_1115, %parallel_loop3A_1265 : vector<16xi1>, vector<16xf32>
      %parallel_loop3A_1280 = arith.select %parallel_loop3A_1268, %parallel_loop3A_1271, %parallel_loop3A_1266 : vector<16xi1>, vector<16xi32>
      %parallel_loop3A_1281 = arith.addf %parallel_loop3A_1120, %broadcast_in_dim3A_36 : vector<16xf32>
      %parallel_loop3A_1282 = arith.cmpf ogt, %parallel_loop3A_1281, %parallel_loop3A_1278 : vector<16xf32>
      %parallel_loop3A_1283 = arith.cmpf ogt, %parallel_loop3A_1281, %parallel_loop3A_1273 : vector<16xf32>
      %parallel_loop3A_1284 = arith.constant 10 : i32
      %parallel_loop3A_1285 = vector.broadcast %parallel_loop3A_1284 : i32 to vector<16xi32>
      %parallel_loop3A_1286 = arith.select %parallel_loop3A_1283, %parallel_loop3A_1281, %parallel_loop3A_1273 : vector<16xi1>, vector<16xf32>
      %parallel_loop3A_1287 = arith.select %parallel_loop3A_1282, %parallel_loop3A_1278, %parallel_loop3A_1286 : vector<16xi1>, vector<16xf32>
      %parallel_loop3A_1288 = arith.select %parallel_loop3A_1283, %parallel_loop3A_1120, %parallel_loop3A_1275 : vector<16xi1>, vector<16xf32>
      %parallel_loop3A_1289 = arith.select %parallel_loop3A_1282, %parallel_loop3A_1279, %parallel_loop3A_1288 : vector<16xi1>, vector<16xf32>
      %parallel_loop3A_1290 = arith.select %parallel_loop3A_1283, %parallel_loop3A_1285, %parallel_loop3A_1277 : vector<16xi1>, vector<16xi32>
      %parallel_loop3A_1291 = arith.select %parallel_loop3A_1282, %parallel_loop3A_1280, %parallel_loop3A_1290 : vector<16xi1>, vector<16xi32>
      %parallel_loop3A_1292 = arith.select %parallel_loop3A_1282, %parallel_loop3A_1281, %parallel_loop3A_1278 : vector<16xi1>, vector<16xf32>
      %parallel_loop3A_1293 = arith.select %parallel_loop3A_1282, %parallel_loop3A_1120, %parallel_loop3A_1279 : vector<16xi1>, vector<16xf32>
      %parallel_loop3A_1294 = arith.select %parallel_loop3A_1282, %parallel_loop3A_1285, %parallel_loop3A_1280 : vector<16xi1>, vector<16xi32>
      %parallel_loop3A_1295 = arith.addf %parallel_loop3A_1125, %broadcast_in_dim3A_39 : vector<16xf32>
      %parallel_loop3A_1296 = arith.cmpf ogt, %parallel_loop3A_1295, %parallel_loop3A_1292 : vector<16xf32>
      %parallel_loop3A_1297 = arith.cmpf ogt, %parallel_loop3A_1295, %parallel_loop3A_1287 : vector<16xf32>
      %parallel_loop3A_1298 = arith.constant 11 : i32
      %parallel_loop3A_1299 = vector.broadcast %parallel_loop3A_1298 : i32 to vector<16xi32>
      %parallel_loop3A_1300 = arith.select %parallel_loop3A_1297, %parallel_loop3A_1295, %parallel_loop3A_1287 : vector<16xi1>, vector<16xf32>
      %parallel_loop3A_1301 = arith.select %parallel_loop3A_1296, %parallel_loop3A_1292, %parallel_loop3A_1300 : vector<16xi1>, vector<16xf32>
      %parallel_loop3A_1302 = arith.select %parallel_loop3A_1297, %parallel_loop3A_1125, %parallel_loop3A_1289 : vector<16xi1>, vector<16xf32>
      %parallel_loop3A_1303 = arith.select %parallel_loop3A_1296, %parallel_loop3A_1293, %parallel_loop3A_1302 : vector<16xi1>, vector<16xf32>
      %parallel_loop3A_1304 = arith.select %parallel_loop3A_1297, %parallel_loop3A_1299, %parallel_loop3A_1291 : vector<16xi1>, vector<16xi32>
      %parallel_loop3A_1305 = arith.select %parallel_loop3A_1296, %parallel_loop3A_1294, %parallel_loop3A_1304 : vector<16xi1>, vector<16xi32>
      %parallel_loop3A_1306 = arith.select %parallel_loop3A_1296, %parallel_loop3A_1295, %parallel_loop3A_1292 : vector<16xi1>, vector<16xf32>
      %parallel_loop3A_1307 = arith.select %parallel_loop3A_1296, %parallel_loop3A_1125, %parallel_loop3A_1293 : vector<16xi1>, vector<16xf32>
      %parallel_loop3A_1308 = arith.select %parallel_loop3A_1296, %parallel_loop3A_1299, %parallel_loop3A_1294 : vector<16xi1>, vector<16xi32>
      %parallel_loop3A_1309 = arith.addf %parallel_loop3A_1130, %broadcast_in_dim3A_42 : vector<16xf32>
      %parallel_loop3A_1310 = arith.cmpf ogt, %parallel_loop3A_1309, %parallel_loop3A_1306 : vector<16xf32>
      %parallel_loop3A_1311 = arith.cmpf ogt, %parallel_loop3A_1309, %parallel_loop3A_1301 : vector<16xf32>
      %parallel_loop3A_1312 = arith.constant 12 : i32
      %parallel_loop3A_1313 = vector.broadcast %parallel_loop3A_1312 : i32 to vector<16xi32>
      %parallel_loop3A_1314 = arith.select %parallel_loop3A_1311, %parallel_loop3A_1309, %parallel_loop3A_1301 : vector<16xi1>, vector<16xf32>
      %parallel_loop3A_1315 = arith.select %parallel_loop3A_1310, %parallel_loop3A_1306, %parallel_loop3A_1314 : vector<16xi1>, vector<16xf32>
      %parallel_loop3A_1316 = arith.select %parallel_loop3A_1311, %parallel_loop3A_1130, %parallel_loop3A_1303 : vector<16xi1>, vector<16xf32>
      %parallel_loop3A_1317 = arith.select %parallel_loop3A_1310, %parallel_loop3A_1307, %parallel_loop3A_1316 : vector<16xi1>, vector<16xf32>
      %parallel_loop3A_1318 = arith.select %parallel_loop3A_1311, %parallel_loop3A_1313, %parallel_loop3A_1305 : vector<16xi1>, vector<16xi32>
      %parallel_loop3A_1319 = arith.select %parallel_loop3A_1310, %parallel_loop3A_1308, %parallel_loop3A_1318 : vector<16xi1>, vector<16xi32>
      %parallel_loop3A_1320 = arith.select %parallel_loop3A_1310, %parallel_loop3A_1309, %parallel_loop3A_1306 : vector<16xi1>, vector<16xf32>
      %parallel_loop3A_1321 = arith.select %parallel_loop3A_1310, %parallel_loop3A_1130, %parallel_loop3A_1307 : vector<16xi1>, vector<16xf32>
      %parallel_loop3A_1322 = arith.select %parallel_loop3A_1310, %parallel_loop3A_1313, %parallel_loop3A_1308 : vector<16xi1>, vector<16xi32>
      %parallel_loop3A_1323 = arith.addf %parallel_loop3A_1135, %broadcast_in_dim3A_45 : vector<16xf32>
      %parallel_loop3A_1324 = arith.cmpf ogt, %parallel_loop3A_1323, %parallel_loop3A_1320 : vector<16xf32>
      %parallel_loop3A_1325 = arith.cmpf ogt, %parallel_loop3A_1323, %parallel_loop3A_1315 : vector<16xf32>
      %parallel_loop3A_1326 = arith.constant 13 : i32
      %parallel_loop3A_1327 = vector.broadcast %parallel_loop3A_1326 : i32 to vector<16xi32>
      %parallel_loop3A_1328 = arith.select %parallel_loop3A_1325, %parallel_loop3A_1323, %parallel_loop3A_1315 : vector<16xi1>, vector<16xf32>
      %parallel_loop3A_1329 = arith.select %parallel_loop3A_1324, %parallel_loop3A_1320, %parallel_loop3A_1328 : vector<16xi1>, vector<16xf32>
      %parallel_loop3A_1330 = arith.select %parallel_loop3A_1325, %parallel_loop3A_1135, %parallel_loop3A_1317 : vector<16xi1>, vector<16xf32>
      %parallel_loop3A_1331 = arith.select %parallel_loop3A_1324, %parallel_loop3A_1321, %parallel_loop3A_1330 : vector<16xi1>, vector<16xf32>
      %parallel_loop3A_1332 = arith.select %parallel_loop3A_1325, %parallel_loop3A_1327, %parallel_loop3A_1319 : vector<16xi1>, vector<16xi32>
      %parallel_loop3A_1333 = arith.select %parallel_loop3A_1324, %parallel_loop3A_1322, %parallel_loop3A_1332 : vector<16xi1>, vector<16xi32>
      %parallel_loop3A_1334 = arith.select %parallel_loop3A_1324, %parallel_loop3A_1323, %parallel_loop3A_1320 : vector<16xi1>, vector<16xf32>
      %parallel_loop3A_1335 = arith.select %parallel_loop3A_1324, %parallel_loop3A_1135, %parallel_loop3A_1321 : vector<16xi1>, vector<16xf32>
      %parallel_loop3A_1336 = arith.select %parallel_loop3A_1324, %parallel_loop3A_1327, %parallel_loop3A_1322 : vector<16xi1>, vector<16xi32>
      %parallel_loop3A_1337 = arith.addf %parallel_loop3A_1140, %broadcast_in_dim3A_48 : vector<16xf32>
      %parallel_loop3A_1338 = arith.cmpf ogt, %parallel_loop3A_1337, %parallel_loop3A_1334 : vector<16xf32>
      %parallel_loop3A_1339 = arith.cmpf ogt, %parallel_loop3A_1337, %parallel_loop3A_1329 : vector<16xf32>
      %parallel_loop3A_1340 = arith.constant 14 : i32
      %parallel_loop3A_1341 = vector.broadcast %parallel_loop3A_1340 : i32 to vector<16xi32>
      %parallel_loop3A_1342 = arith.select %parallel_loop3A_1339, %parallel_loop3A_1337, %parallel_loop3A_1329 : vector<16xi1>, vector<16xf32>
      %parallel_loop3A_1343 = arith.select %parallel_loop3A_1338, %parallel_loop3A_1334, %parallel_loop3A_1342 : vector<16xi1>, vector<16xf32>
      %parallel_loop3A_1344 = arith.select %parallel_loop3A_1339, %parallel_loop3A_1140, %parallel_loop3A_1331 : vector<16xi1>, vector<16xf32>
      %parallel_loop3A_1345 = arith.select %parallel_loop3A_1338, %parallel_loop3A_1335, %parallel_loop3A_1344 : vector<16xi1>, vector<16xf32>
      %parallel_loop3A_1346 = arith.select %parallel_loop3A_1339, %parallel_loop3A_1341, %parallel_loop3A_1333 : vector<16xi1>, vector<16xi32>
      %parallel_loop3A_1347 = arith.select %parallel_loop3A_1338, %parallel_loop3A_1336, %parallel_loop3A_1346 : vector<16xi1>, vector<16xi32>
      %parallel_loop3A_1348 = arith.select %parallel_loop3A_1338, %parallel_loop3A_1337, %parallel_loop3A_1334 : vector<16xi1>, vector<16xf32>
      %parallel_loop3A_1349 = arith.select %parallel_loop3A_1338, %parallel_loop3A_1140, %parallel_loop3A_1335 : vector<16xi1>, vector<16xf32>
      %parallel_loop3A_1350 = arith.select %parallel_loop3A_1338, %parallel_loop3A_1341, %parallel_loop3A_1336 : vector<16xi1>, vector<16xi32>
      %parallel_loop3A_1351 = arith.addf %parallel_loop3A_1145, %broadcast_in_dim3A_51 : vector<16xf32>
      %parallel_loop3A_1352 = arith.cmpf ogt, %parallel_loop3A_1351, %parallel_loop3A_1348 : vector<16xf32>
      %parallel_loop3A_1353 = arith.cmpf ogt, %parallel_loop3A_1351, %parallel_loop3A_1343 : vector<16xf32>
      %parallel_loop3A_1354 = arith.constant 15 : i32
      %parallel_loop3A_1355 = vector.broadcast %parallel_loop3A_1354 : i32 to vector<16xi32>
      %parallel_loop3A_1356 = arith.select %parallel_loop3A_1353, %parallel_loop3A_1351, %parallel_loop3A_1343 : vector<16xi1>, vector<16xf32>
      %parallel_loop3A_1357 = arith.select %parallel_loop3A_1352, %parallel_loop3A_1348, %parallel_loop3A_1356 : vector<16xi1>, vector<16xf32>
      %parallel_loop3A_1358 = arith.select %parallel_loop3A_1353, %parallel_loop3A_1145, %parallel_loop3A_1345 : vector<16xi1>, vector<16xf32>
      %parallel_loop3A_1359 = arith.select %parallel_loop3A_1352, %parallel_loop3A_1349, %parallel_loop3A_1358 : vector<16xi1>, vector<16xf32>
      %parallel_loop3A_1360 = arith.select %parallel_loop3A_1353, %parallel_loop3A_1355, %parallel_loop3A_1347 : vector<16xi1>, vector<16xi32>
      %parallel_loop3A_1361 = arith.select %parallel_loop3A_1352, %parallel_loop3A_1350, %parallel_loop3A_1360 : vector<16xi1>, vector<16xi32>
      %parallel_loop3A_1362 = arith.select %parallel_loop3A_1352, %parallel_loop3A_1351, %parallel_loop3A_1348 : vector<16xi1>, vector<16xf32>
      %parallel_loop3A_1363 = arith.select %parallel_loop3A_1352, %parallel_loop3A_1145, %parallel_loop3A_1349 : vector<16xi1>, vector<16xf32>
      %parallel_loop3A_1364 = arith.select %parallel_loop3A_1352, %parallel_loop3A_1355, %parallel_loop3A_1350 : vector<16xi1>, vector<16xi32>
      %parallel_loop3A_1365 = arith.subf %parallel_loop3A_1359, %parallel_loop3A_1363 : vector<16xf32>
      %parallel_loop3A_1366 = math.exp %parallel_loop3A_1365 : vector<16xf32>
      %parallel_loop3A_1367 = arith.constant 1.000000e+00 : f32
      %parallel_loop3A_1368 = vector.broadcast %parallel_loop3A_1367 : f32 to vector<16xf32>
      %parallel_loop3A_1369 = arith.addf %parallel_loop3A_1368, %parallel_loop3A_1366 : vector<16xf32>
      %parallel_loop3A_1370 = arith.constant 1.000000e+00 : f32
      %parallel_loop3A_1371 = vector.broadcast %parallel_loop3A_1370 : f32 to vector<16xf32>
      %parallel_loop3A_1372 = arith.divf %parallel_loop3A_1371, %parallel_loop3A_1369 : vector<16xf32>
      %parallel_loop3A_1373 = arith.constant 0 : i32
      %parallel_loop3A_1374 = arith.index_cast %parallel_loop3A_1373 : i32 to index
      %parallel_loop3A_1375 = arith.index_cast %parallel_loop3A_1049 : i32 to index
      %parallel_loop3A_1376 = tpu.vector_load %arg10[%parallel_loop3A_1374, %parallel_loop3A_1375] {strides = array<i32>} : memref<2x512xi32, #tpu.memory_space<vmem>>, vector<1x16xi32>,
      %parallel_loop3A_1377 = vector.shape_cast %parallel_loop3A_1376 : vector<1x16xi32> to vector<16xi32>
      %parallel_loop3A_1378 = vector.shape_cast %parallel_loop3A_1364 : vector<16xi32> to vector<1x16xi32>
      tpu.vector_store %arg10[%parallel_loop3A_1374, %parallel_loop3A_1375], %parallel_loop3A_1378 {strides = array<i32>} : memref<2x512xi32, #tpu.memory_space<vmem>>, vector<1x16xi32>,
      %parallel_loop3A_1379 = arith.constant 1 : i32
      %parallel_loop3A_1380 = arith.index_cast %parallel_loop3A_1379 : i32 to index
      %parallel_loop3A_1381 = arith.index_cast %parallel_loop3A_1049 : i32 to index
      %parallel_loop3A_1382 = tpu.vector_load %arg10[%parallel_loop3A_1380, %parallel_loop3A_1381] {strides = array<i32>} : memref<2x512xi32, #tpu.memory_space<vmem>>, vector<1x16xi32>,
      %parallel_loop3A_1383 = vector.shape_cast %parallel_loop3A_1382 : vector<1x16xi32> to vector<16xi32>
      %parallel_loop3A_1384 = vector.shape_cast %parallel_loop3A_1361 : vector<16xi32> to vector<1x16xi32>
      tpu.vector_store %arg10[%parallel_loop3A_1380, %parallel_loop3A_1381], %parallel_loop3A_1384 {strides = array<i32>} : memref<2x512xi32, #tpu.memory_space<vmem>>, vector<1x16xi32>,
      %parallel_loop3A_1385 = arith.constant 0 : i32
      %parallel_loop3A_1386 = arith.index_cast %parallel_loop3A_1385 : i32 to index
      %parallel_loop3A_1387 = arith.index_cast %parallel_loop3A_1049 : i32 to index
      %parallel_loop3A_1388 = tpu.vector_load %arg11[%parallel_loop3A_1386, %parallel_loop3A_1387] {strides = array<i32>} : memref<2x512xf32, #tpu.memory_space<vmem>>, vector<1x16xf32>,
      %parallel_loop3A_1389 = vector.shape_cast %parallel_loop3A_1388 : vector<1x16xf32> to vector<16xf32>
      %parallel_loop3A_1390 = vector.shape_cast %parallel_loop3A_1372 : vector<16xf32> to vector<1x16xf32>
      tpu.vector_store %arg11[%parallel_loop3A_1386, %parallel_loop3A_1387], %parallel_loop3A_1390 {strides = array<i32>} : memref<2x512xf32, #tpu.memory_space<vmem>>, vector<1x16xf32>,
      %parallel_loop3A_1391 = arith.mulf %parallel_loop3A_1366, %parallel_loop3A_1372 : vector<16xf32>
      %parallel_loop3A_1392 = arith.constant 1 : i32
      %parallel_loop3A_1393 = arith.index_cast %parallel_loop3A_1392 : i32 to index
      %parallel_loop3A_1394 = arith.index_cast %parallel_loop3A_1049 : i32 to index
      %parallel_loop3A_1395 = tpu.vector_load %arg11[%parallel_loop3A_1393, %parallel_loop3A_1394] {strides = array<i32>} : memref<2x512xf32, #tpu.memory_space<vmem>>, vector<1x16xf32>,
      %parallel_loop3A_1396 = vector.shape_cast %parallel_loop3A_1395 : vector<1x16xf32> to vector<16xf32>
      %parallel_loop3A_1397 = vector.shape_cast %parallel_loop3A_1391 : vector<16xf32> to vector<1x16xf32>
      tpu.vector_store %arg11[%parallel_loop3A_1393, %parallel_loop3A_1394], %parallel_loop3A_1397 {strides = array<i32>} : memref<2x512xf32, #tpu.memory_space<vmem>>, vector<1x16xf32>,
      %parallel_loop3A_1398 = arith.constant 0 : i32
      %parallel_loop3A_1399 = vector.broadcast %parallel_loop3A_1398 : i32 to vector<16xi32>
      %parallel_loop3A_1400 = arith.cmpi eq, %parallel_loop3A_1364, %parallel_loop3A_1399 : vector<16xi32>
      %parallel_loop3A_1401 = arith.select %parallel_loop3A_1400, %broadcast_in_dim3A_1, %broadcast_in_dim3A_3 : vector<16xi1>, vector<16xf32>
      %parallel_loop3A_1402 = arith.addf %parallel_loop3A_1050, %parallel_loop3A_1401 : vector<16xf32>
      %parallel_loop3A_1403 = arith.constant 0 : i32
      %parallel_loop3A_1404 = vector.broadcast %parallel_loop3A_1403 : i32 to vector<16xi32>
      %parallel_loop3A_1405 = arith.cmpi eq, %parallel_loop3A_1361, %parallel_loop3A_1404 : vector<16xi32>
      %parallel_loop3A_1406 = arith.select %parallel_loop3A_1405, %broadcast_in_dim3A_1, %broadcast_in_dim3A_3 : vector<16xi1>, vector<16xf32>
      %parallel_loop3A_1407 = arith.addf %parallel_loop3A_1402, %parallel_loop3A_1406 : vector<16xf32>
      %parallel_loop3A_1408 = arith.constant 1 : i32
      %parallel_loop3A_1409 = vector.broadcast %parallel_loop3A_1408 : i32 to vector<16xi32>
      %parallel_loop3A_1410 = arith.cmpi eq, %parallel_loop3A_1364, %parallel_loop3A_1409 : vector<16xi32>
      %parallel_loop3A_1411 = arith.select %parallel_loop3A_1410, %broadcast_in_dim3A_1, %broadcast_in_dim3A_3 : vector<16xi1>, vector<16xf32>
      %parallel_loop3A_1412 = arith.addf %parallel_loop3A_1051, %parallel_loop3A_1411 : vector<16xf32>
      %parallel_loop3A_1413 = arith.constant 1 : i32
      %parallel_loop3A_1414 = vector.broadcast %parallel_loop3A_1413 : i32 to vector<16xi32>
      %parallel_loop3A_1415 = arith.cmpi eq, %parallel_loop3A_1361, %parallel_loop3A_1414 : vector<16xi32>
      %parallel_loop3A_1416 = arith.select %parallel_loop3A_1415, %broadcast_in_dim3A_1, %broadcast_in_dim3A_3 : vector<16xi1>, vector<16xf32>
      %parallel_loop3A_1417 = arith.addf %parallel_loop3A_1412, %parallel_loop3A_1416 : vector<16xf32>
      %parallel_loop3A_1418 = arith.constant 2 : i32
      %parallel_loop3A_1419 = vector.broadcast %parallel_loop3A_1418 : i32 to vector<16xi32>
      %parallel_loop3A_1420 = arith.cmpi eq, %parallel_loop3A_1364, %parallel_loop3A_1419 : vector<16xi32>
      %parallel_loop3A_1421 = arith.select %parallel_loop3A_1420, %broadcast_in_dim3A_1, %broadcast_in_dim3A_3 : vector<16xi1>, vector<16xf32>
      %parallel_loop3A_1422 = arith.addf %parallel_loop3A_1052, %parallel_loop3A_1421 : vector<16xf32>
      %parallel_loop3A_1423 = arith.constant 2 : i32
      %parallel_loop3A_1424 = vector.broadcast %parallel_loop3A_1423 : i32 to vector<16xi32>
      %parallel_loop3A_1425 = arith.cmpi eq, %parallel_loop3A_1361, %parallel_loop3A_1424 : vector<16xi32>
      %parallel_loop3A_1426 = arith.select %parallel_loop3A_1425, %broadcast_in_dim3A_1, %broadcast_in_dim3A_3 : vector<16xi1>, vector<16xf32>
      %parallel_loop3A_1427 = arith.addf %parallel_loop3A_1422, %parallel_loop3A_1426 : vector<16xf32>
      %parallel_loop3A_1428 = arith.constant 3 : i32
      %parallel_loop3A_1429 = vector.broadcast %parallel_loop3A_1428 : i32 to vector<16xi32>
      %parallel_loop3A_1430 = arith.cmpi eq, %parallel_loop3A_1364, %parallel_loop3A_1429 : vector<16xi32>
      %parallel_loop3A_1431 = arith.select %parallel_loop3A_1430, %broadcast_in_dim3A_1, %broadcast_in_dim3A_3 : vector<16xi1>, vector<16xf32>
      %parallel_loop3A_1432 = arith.addf %parallel_loop3A_1053, %parallel_loop3A_1431 : vector<16xf32>
      %parallel_loop3A_1433 = arith.constant 3 : i32
      %parallel_loop3A_1434 = vector.broadcast %parallel_loop3A_1433 : i32 to vector<16xi32>
      %parallel_loop3A_1435 = arith.cmpi eq, %parallel_loop3A_1361, %parallel_loop3A_1434 : vector<16xi32>
      %parallel_loop3A_1436 = arith.select %parallel_loop3A_1435, %broadcast_in_dim3A_1, %broadcast_in_dim3A_3 : vector<16xi1>, vector<16xf32>
      %parallel_loop3A_1437 = arith.addf %parallel_loop3A_1432, %parallel_loop3A_1436 : vector<16xf32>
      %parallel_loop3A_1438 = arith.constant 4 : i32
      %parallel_loop3A_1439 = vector.broadcast %parallel_loop3A_1438 : i32 to vector<16xi32>
      %parallel_loop3A_1440 = arith.cmpi eq, %parallel_loop3A_1364, %parallel_loop3A_1439 : vector<16xi32>
      %parallel_loop3A_1441 = arith.select %parallel_loop3A_1440, %broadcast_in_dim3A_1, %broadcast_in_dim3A_3 : vector<16xi1>, vector<16xf32>
      %parallel_loop3A_1442 = arith.addf %parallel_loop3A_1054, %parallel_loop3A_1441 : vector<16xf32>
      %parallel_loop3A_1443 = arith.constant 4 : i32
      %parallel_loop3A_1444 = vector.broadcast %parallel_loop3A_1443 : i32 to vector<16xi32>
      %parallel_loop3A_1445 = arith.cmpi eq, %parallel_loop3A_1361, %parallel_loop3A_1444 : vector<16xi32>
      %parallel_loop3A_1446 = arith.select %parallel_loop3A_1445, %broadcast_in_dim3A_1, %broadcast_in_dim3A_3 : vector<16xi1>, vector<16xf32>
      %parallel_loop3A_1447 = arith.addf %parallel_loop3A_1442, %parallel_loop3A_1446 : vector<16xf32>
      %parallel_loop3A_1448 = arith.constant 5 : i32
      %parallel_loop3A_1449 = vector.broadcast %parallel_loop3A_1448 : i32 to vector<16xi32>
      %parallel_loop3A_1450 = arith.cmpi eq, %parallel_loop3A_1364, %parallel_loop3A_1449 : vector<16xi32>
      %parallel_loop3A_1451 = arith.select %parallel_loop3A_1450, %broadcast_in_dim3A_1, %broadcast_in_dim3A_3 : vector<16xi1>, vector<16xf32>
      %parallel_loop3A_1452 = arith.addf %parallel_loop3A_1055, %parallel_loop3A_1451 : vector<16xf32>
      %parallel_loop3A_1453 = arith.constant 5 : i32
      %parallel_loop3A_1454 = vector.broadcast %parallel_loop3A_1453 : i32 to vector<16xi32>
      %parallel_loop3A_1455 = arith.cmpi eq, %parallel_loop3A_1361, %parallel_loop3A_1454 : vector<16xi32>
      %parallel_loop3A_1456 = arith.select %parallel_loop3A_1455, %broadcast_in_dim3A_1, %broadcast_in_dim3A_3 : vector<16xi1>, vector<16xf32>
      %parallel_loop3A_1457 = arith.addf %parallel_loop3A_1452, %parallel_loop3A_1456 : vector<16xf32>
      %parallel_loop3A_1458 = arith.constant 6 : i32
      %parallel_loop3A_1459 = vector.broadcast %parallel_loop3A_1458 : i32 to vector<16xi32>
      %parallel_loop3A_1460 = arith.cmpi eq, %parallel_loop3A_1364, %parallel_loop3A_1459 : vector<16xi32>
      %parallel_loop3A_1461 = arith.select %parallel_loop3A_1460, %broadcast_in_dim3A_1, %broadcast_in_dim3A_3 : vector<16xi1>, vector<16xf32>
      %parallel_loop3A_1462 = arith.addf %parallel_loop3A_1056, %parallel_loop3A_1461 : vector<16xf32>
      %parallel_loop3A_1463 = arith.constant 6 : i32
      %parallel_loop3A_1464 = vector.broadcast %parallel_loop3A_1463 : i32 to vector<16xi32>
      %parallel_loop3A_1465 = arith.cmpi eq, %parallel_loop3A_1361, %parallel_loop3A_1464 : vector<16xi32>
      %parallel_loop3A_1466 = arith.select %parallel_loop3A_1465, %broadcast_in_dim3A_1, %broadcast_in_dim3A_3 : vector<16xi1>, vector<16xf32>
      %parallel_loop3A_1467 = arith.addf %parallel_loop3A_1462, %parallel_loop3A_1466 : vector<16xf32>
      %parallel_loop3A_1468 = arith.constant 7 : i32
      %parallel_loop3A_1469 = vector.broadcast %parallel_loop3A_1468 : i32 to vector<16xi32>
      %parallel_loop3A_1470 = arith.cmpi eq, %parallel_loop3A_1364, %parallel_loop3A_1469 : vector<16xi32>
      %parallel_loop3A_1471 = arith.select %parallel_loop3A_1470, %broadcast_in_dim3A_1, %broadcast_in_dim3A_3 : vector<16xi1>, vector<16xf32>
      %parallel_loop3A_1472 = arith.addf %parallel_loop3A_1057, %parallel_loop3A_1471 : vector<16xf32>
      %parallel_loop3A_1473 = arith.constant 7 : i32
      %parallel_loop3A_1474 = vector.broadcast %parallel_loop3A_1473 : i32 to vector<16xi32>
      %parallel_loop3A_1475 = arith.cmpi eq, %parallel_loop3A_1361, %parallel_loop3A_1474 : vector<16xi32>
      %parallel_loop3A_1476 = arith.select %parallel_loop3A_1475, %broadcast_in_dim3A_1, %broadcast_in_dim3A_3 : vector<16xi1>, vector<16xf32>
      %parallel_loop3A_1477 = arith.addf %parallel_loop3A_1472, %parallel_loop3A_1476 : vector<16xf32>
      %parallel_loop3A_1478 = arith.constant 8 : i32
      %parallel_loop3A_1479 = vector.broadcast %parallel_loop3A_1478 : i32 to vector<16xi32>
      %parallel_loop3A_1480 = arith.cmpi eq, %parallel_loop3A_1364, %parallel_loop3A_1479 : vector<16xi32>
      %parallel_loop3A_1481 = arith.select %parallel_loop3A_1480, %broadcast_in_dim3A_1, %broadcast_in_dim3A_3 : vector<16xi1>, vector<16xf32>
      %parallel_loop3A_1482 = arith.addf %parallel_loop3A_1058, %parallel_loop3A_1481 : vector<16xf32>
      %parallel_loop3A_1483 = arith.constant 8 : i32
      %parallel_loop3A_1484 = vector.broadcast %parallel_loop3A_1483 : i32 to vector<16xi32>
      %parallel_loop3A_1485 = arith.cmpi eq, %parallel_loop3A_1361, %parallel_loop3A_1484 : vector<16xi32>
      %parallel_loop3A_1486 = arith.select %parallel_loop3A_1485, %broadcast_in_dim3A_1, %broadcast_in_dim3A_3 : vector<16xi1>, vector<16xf32>
      %parallel_loop3A_1487 = arith.addf %parallel_loop3A_1482, %parallel_loop3A_1486 : vector<16xf32>
      %parallel_loop3A_1488 = arith.constant 9 : i32
      %parallel_loop3A_1489 = vector.broadcast %parallel_loop3A_1488 : i32 to vector<16xi32>
      %parallel_loop3A_1490 = arith.cmpi eq, %parallel_loop3A_1364, %parallel_loop3A_1489 : vector<16xi32>
      %parallel_loop3A_1491 = arith.select %parallel_loop3A_1490, %broadcast_in_dim3A_1, %broadcast_in_dim3A_3 : vector<16xi1>, vector<16xf32>
      %parallel_loop3A_1492 = arith.addf %parallel_loop3A_1059, %parallel_loop3A_1491 : vector<16xf32>
      %parallel_loop3A_1493 = arith.constant 9 : i32
      %parallel_loop3A_1494 = vector.broadcast %parallel_loop3A_1493 : i32 to vector<16xi32>
      %parallel_loop3A_1495 = arith.cmpi eq, %parallel_loop3A_1361, %parallel_loop3A_1494 : vector<16xi32>
      %parallel_loop3A_1496 = arith.select %parallel_loop3A_1495, %broadcast_in_dim3A_1, %broadcast_in_dim3A_3 : vector<16xi1>, vector<16xf32>
      %parallel_loop3A_1497 = arith.addf %parallel_loop3A_1492, %parallel_loop3A_1496 : vector<16xf32>
      %parallel_loop3A_1498 = arith.constant 10 : i32
      %parallel_loop3A_1499 = vector.broadcast %parallel_loop3A_1498 : i32 to vector<16xi32>
      %parallel_loop3A_1500 = arith.cmpi eq, %parallel_loop3A_1364, %parallel_loop3A_1499 : vector<16xi32>
      %parallel_loop3A_1501 = arith.select %parallel_loop3A_1500, %broadcast_in_dim3A_1, %broadcast_in_dim3A_3 : vector<16xi1>, vector<16xf32>
      %parallel_loop3A_1502 = arith.addf %parallel_loop3A_1060, %parallel_loop3A_1501 : vector<16xf32>
      %parallel_loop3A_1503 = arith.constant 10 : i32
      %parallel_loop3A_1504 = vector.broadcast %parallel_loop3A_1503 : i32 to vector<16xi32>
      %parallel_loop3A_1505 = arith.cmpi eq, %parallel_loop3A_1361, %parallel_loop3A_1504 : vector<16xi32>
      %parallel_loop3A_1506 = arith.select %parallel_loop3A_1505, %broadcast_in_dim3A_1, %broadcast_in_dim3A_3 : vector<16xi1>, vector<16xf32>
      %parallel_loop3A_1507 = arith.addf %parallel_loop3A_1502, %parallel_loop3A_1506 : vector<16xf32>
      %parallel_loop3A_1508 = arith.constant 11 : i32
      %parallel_loop3A_1509 = vector.broadcast %parallel_loop3A_1508 : i32 to vector<16xi32>
      %parallel_loop3A_1510 = arith.cmpi eq, %parallel_loop3A_1364, %parallel_loop3A_1509 : vector<16xi32>
      %parallel_loop3A_1511 = arith.select %parallel_loop3A_1510, %broadcast_in_dim3A_1, %broadcast_in_dim3A_3 : vector<16xi1>, vector<16xf32>
      %parallel_loop3A_1512 = arith.addf %parallel_loop3A_1061, %parallel_loop3A_1511 : vector<16xf32>
      %parallel_loop3A_1513 = arith.constant 11 : i32
      %parallel_loop3A_1514 = vector.broadcast %parallel_loop3A_1513 : i32 to vector<16xi32>
      %parallel_loop3A_1515 = arith.cmpi eq, %parallel_loop3A_1361, %parallel_loop3A_1514 : vector<16xi32>
      %parallel_loop3A_1516 = arith.select %parallel_loop3A_1515, %broadcast_in_dim3A_1, %broadcast_in_dim3A_3 : vector<16xi1>, vector<16xf32>
      %parallel_loop3A_1517 = arith.addf %parallel_loop3A_1512, %parallel_loop3A_1516 : vector<16xf32>
      %parallel_loop3A_1518 = arith.constant 12 : i32
      %parallel_loop3A_1519 = vector.broadcast %parallel_loop3A_1518 : i32 to vector<16xi32>
      %parallel_loop3A_1520 = arith.cmpi eq, %parallel_loop3A_1364, %parallel_loop3A_1519 : vector<16xi32>
      %parallel_loop3A_1521 = arith.select %parallel_loop3A_1520, %broadcast_in_dim3A_1, %broadcast_in_dim3A_3 : vector<16xi1>, vector<16xf32>
      %parallel_loop3A_1522 = arith.addf %parallel_loop3A_1062, %parallel_loop3A_1521 : vector<16xf32>
      %parallel_loop3A_1523 = arith.constant 12 : i32
      %parallel_loop3A_1524 = vector.broadcast %parallel_loop3A_1523 : i32 to vector<16xi32>
      %parallel_loop3A_1525 = arith.cmpi eq, %parallel_loop3A_1361, %parallel_loop3A_1524 : vector<16xi32>
      %parallel_loop3A_1526 = arith.select %parallel_loop3A_1525, %broadcast_in_dim3A_1, %broadcast_in_dim3A_3 : vector<16xi1>, vector<16xf32>
      %parallel_loop3A_1527 = arith.addf %parallel_loop3A_1522, %parallel_loop3A_1526 : vector<16xf32>
      %parallel_loop3A_1528 = arith.constant 13 : i32
      %parallel_loop3A_1529 = vector.broadcast %parallel_loop3A_1528 : i32 to vector<16xi32>
      %parallel_loop3A_1530 = arith.cmpi eq, %parallel_loop3A_1364, %parallel_loop3A_1529 : vector<16xi32>
      %parallel_loop3A_1531 = arith.select %parallel_loop3A_1530, %broadcast_in_dim3A_1, %broadcast_in_dim3A_3 : vector<16xi1>, vector<16xf32>
      %parallel_loop3A_1532 = arith.addf %parallel_loop3A_1063, %parallel_loop3A_1531 : vector<16xf32>
      %parallel_loop3A_1533 = arith.constant 13 : i32
      %parallel_loop3A_1534 = vector.broadcast %parallel_loop3A_1533 : i32 to vector<16xi32>
      %parallel_loop3A_1535 = arith.cmpi eq, %parallel_loop3A_1361, %parallel_loop3A_1534 : vector<16xi32>
      %parallel_loop3A_1536 = arith.select %parallel_loop3A_1535, %broadcast_in_dim3A_1, %broadcast_in_dim3A_3 : vector<16xi1>, vector<16xf32>
      %parallel_loop3A_1537 = arith.addf %parallel_loop3A_1532, %parallel_loop3A_1536 : vector<16xf32>
      %parallel_loop3A_1538 = arith.constant 14 : i32
      %parallel_loop3A_1539 = vector.broadcast %parallel_loop3A_1538 : i32 to vector<16xi32>
      %parallel_loop3A_1540 = arith.cmpi eq, %parallel_loop3A_1364, %parallel_loop3A_1539 : vector<16xi32>
      %parallel_loop3A_1541 = arith.select %parallel_loop3A_1540, %broadcast_in_dim3A_1, %broadcast_in_dim3A_3 : vector<16xi1>, vector<16xf32>
      %parallel_loop3A_1542 = arith.addf %parallel_loop3A_1064, %parallel_loop3A_1541 : vector<16xf32>
      %parallel_loop3A_1543 = arith.constant 14 : i32
      %parallel_loop3A_1544 = vector.broadcast %parallel_loop3A_1543 : i32 to vector<16xi32>
      %parallel_loop3A_1545 = arith.cmpi eq, %parallel_loop3A_1361, %parallel_loop3A_1544 : vector<16xi32>
      %parallel_loop3A_1546 = arith.select %parallel_loop3A_1545, %broadcast_in_dim3A_1, %broadcast_in_dim3A_3 : vector<16xi1>, vector<16xf32>
      %parallel_loop3A_1547 = arith.addf %parallel_loop3A_1542, %parallel_loop3A_1546 : vector<16xf32>
      %parallel_loop3A_1548 = arith.constant 15 : i32
      %parallel_loop3A_1549 = vector.broadcast %parallel_loop3A_1548 : i32 to vector<16xi32>
      %parallel_loop3A_1550 = arith.cmpi eq, %parallel_loop3A_1364, %parallel_loop3A_1549 : vector<16xi32>
      %parallel_loop3A_1551 = arith.select %parallel_loop3A_1550, %broadcast_in_dim3A_1, %broadcast_in_dim3A_3 : vector<16xi1>, vector<16xf32>
      %parallel_loop3A_1552 = arith.addf %parallel_loop3A_1065, %parallel_loop3A_1551 : vector<16xf32>
      %parallel_loop3A_1553 = arith.constant 15 : i32
      %parallel_loop3A_1554 = vector.broadcast %parallel_loop3A_1553 : i32 to vector<16xi32>
      %parallel_loop3A_1555 = arith.cmpi eq, %parallel_loop3A_1361, %parallel_loop3A_1554 : vector<16xi32>
      %parallel_loop3A_1556 = arith.select %parallel_loop3A_1555, %broadcast_in_dim3A_1, %broadcast_in_dim3A_3 : vector<16xi1>, vector<16xf32>
      %parallel_loop3A_1557 = arith.addf %parallel_loop3A_1552, %parallel_loop3A_1556 : vector<16xf32>
      scf.yield %parallel_loop3A_1407, %parallel_loop3A_1417, %parallel_loop3A_1427, %parallel_loop3A_1437, %parallel_loop3A_1447, %parallel_loop3A_1457, %parallel_loop3A_1467, %parallel_loop3A_1477, %parallel_loop3A_1487, %parallel_loop3A_1497, %parallel_loop3A_1507, %parallel_loop3A_1517, %parallel_loop3A_1527, %parallel_loop3A_1537, %parallel_loop3A_1547, %parallel_loop3A_1557 : vector<16xf32>, vector<16xf32>, vector<16xf32>, vector<16xf32>, vector<16xf32>, vector<16xf32>, vector<16xf32>, vector<16xf32>, vector<16xf32>, vector<16xf32>, vector<16xf32>, vector<16xf32>, vector<16xf32>, vector<16xf32>, vector<16xf32>, vector<16xf32>
    } {sc.loop_unroll_factor = 1 : i64, sc.parallel_access}
    %broadcast_in_dim3A_87 = arith.constant 0.000000e+00 : f32
    %broadcast_in_dim3A_88 = vector.broadcast %broadcast_in_dim3A_87 : f32 to vector<16xf32>
    %xor3A = arith.constant 8 : i32
    %xor3A_89 = vector.broadcast %xor3A : i32 to vector<16xi32>
    %xor3A_90 = arith.xori %iota3A, %xor3A_89 : vector<16xi32>
    %lt3A = arith.constant 0 : i32
    %lt3A_91 = vector.broadcast %lt3A : i32 to vector<16xi32>
    %lt3A_92 = arith.cmpi slt, %xor3A_90, %lt3A_91 : vector<16xi32>
    %add3A = arith.constant 16 : i32
    %add3A_93 = vector.broadcast %add3A : i32 to vector<16xi32>
    %add3A_94 = arith.addi %xor3A_90, %add3A_93 : vector<16xi32>
    %select_n3A = arith.select %lt3A_92, %add3A_94, %xor3A_90 : vector<16xi1>, vector<16xi32>
    %broadcast_in_dim3A_95 = vector.shape_cast %select_n3A : vector<16xi32> to vector<16x1xi32>
    %gather3A = vector.shape_cast %broadcast_in_dim3A_95 : vector<16x1xi32> to vector<16xi32>
    %gather3A_96 = tpu.dynamic_gather %parallel_loop3A_86#0[%gather3A] in [0] : vector<16xf32>, vector<16xi32> -> vector<16xf32>
    %add3A_97 = arith.addf %parallel_loop3A_86#0, %gather3A_96 : vector<16xf32>
    %xor3A_98 = arith.constant 4 : i32
    %xor3A_99 = vector.broadcast %xor3A_98 : i32 to vector<16xi32>
    %xor3A_100 = arith.xori %iota3A, %xor3A_99 : vector<16xi32>
    %lt3A_101 = arith.constant 0 : i32
    %lt3A_102 = vector.broadcast %lt3A_101 : i32 to vector<16xi32>
    %lt3A_103 = arith.cmpi slt, %xor3A_100, %lt3A_102 : vector<16xi32>
    %add3A_104 = arith.constant 16 : i32
    %add3A_105 = vector.broadcast %add3A_104 : i32 to vector<16xi32>
    %add3A_106 = arith.addi %xor3A_100, %add3A_105 : vector<16xi32>
    %select_n3A_107 = arith.select %lt3A_103, %add3A_106, %xor3A_100 : vector<16xi1>, vector<16xi32>
    %broadcast_in_dim3A_108 = vector.shape_cast %select_n3A_107 : vector<16xi32> to vector<16x1xi32>
    %gather3A_109 = vector.shape_cast %broadcast_in_dim3A_108 : vector<16x1xi32> to vector<16xi32>
    %gather3A_110 = tpu.dynamic_gather %add3A_97[%gather3A_109] in [0] : vector<16xf32>, vector<16xi32> -> vector<16xf32>
    %add3A_111 = arith.addf %add3A_97, %gather3A_110 : vector<16xf32>
    %xor3A_112 = arith.constant 2 : i32
    %xor3A_113 = vector.broadcast %xor3A_112 : i32 to vector<16xi32>
    %xor3A_114 = arith.xori %iota3A, %xor3A_113 : vector<16xi32>
    %lt3A_115 = arith.constant 0 : i32
    %lt3A_116 = vector.broadcast %lt3A_115 : i32 to vector<16xi32>
    %lt3A_117 = arith.cmpi slt, %xor3A_114, %lt3A_116 : vector<16xi32>
    %add3A_118 = arith.constant 16 : i32
    %add3A_119 = vector.broadcast %add3A_118 : i32 to vector<16xi32>
    %add3A_120 = arith.addi %xor3A_114, %add3A_119 : vector<16xi32>
    %select_n3A_121 = arith.select %lt3A_117, %add3A_120, %xor3A_114 : vector<16xi1>, vector<16xi32>
    %broadcast_in_dim3A_122 = vector.shape_cast %select_n3A_121 : vector<16xi32> to vector<16x1xi32>
    %gather3A_123 = vector.shape_cast %broadcast_in_dim3A_122 : vector<16x1xi32> to vector<16xi32>
    %gather3A_124 = tpu.dynamic_gather %add3A_111[%gather3A_123] in [0] : vector<16xf32>, vector<16xi32> -> vector<16xf32>
    %add3A_125 = arith.addf %add3A_111, %gather3A_124 : vector<16xf32>
    %xor3A_126 = arith.constant 1 : i32
    %xor3A_127 = vector.broadcast %xor3A_126 : i32 to vector<16xi32>
    %xor3A_128 = arith.xori %iota3A, %xor3A_127 : vector<16xi32>
    %lt3A_129 = arith.constant 0 : i32
    %lt3A_130 = vector.broadcast %lt3A_129 : i32 to vector<16xi32>
    %lt3A_131 = arith.cmpi slt, %xor3A_128, %lt3A_130 : vector<16xi32>
    %add3A_132 = arith.constant 16 : i32
    %add3A_133 = vector.broadcast %add3A_132 : i32 to vector<16xi32>
    %add3A_134 = arith.addi %xor3A_128, %add3A_133 : vector<16xi32>
    %select_n3A_135 = arith.select %lt3A_131, %add3A_134, %xor3A_128 : vector<16xi1>, vector<16xi32>
    %broadcast_in_dim3A_136 = vector.shape_cast %select_n3A_135 : vector<16xi32> to vector<16x1xi32>
    %gather3A_137 = vector.shape_cast %broadcast_in_dim3A_136 : vector<16x1xi32> to vector<16xi32>
    %gather3A_138 = tpu.dynamic_gather %add3A_125[%gather3A_137] in [0] : vector<16xf32>, vector<16xi32> -> vector<16xf32>
    %add3A_139 = arith.addf %add3A_125, %gather3A_138 : vector<16xf32>
    %eq3A = arith.constant 0 : i32
    %eq3A_140 = vector.broadcast %eq3A : i32 to vector<16xi32>
    %eq3A_141 = arith.cmpi eq, %iota3A, %eq3A_140 : vector<16xi32>
    %select_n3A_142 = arith.select %eq3A_141, %add3A_139, %broadcast_in_dim3A_88 : vector<16xi1>, vector<16xf32>
    %xor3A_143 = arith.constant 8 : i32
    %xor3A_144 = vector.broadcast %xor3A_143 : i32 to vector<16xi32>
    %xor3A_145 = arith.xori %iota3A, %xor3A_144 : vector<16xi32>
    %lt3A_146 = arith.constant 0 : i32
    %lt3A_147 = vector.broadcast %lt3A_146 : i32 to vector<16xi32>
    %lt3A_148 = arith.cmpi slt, %xor3A_145, %lt3A_147 : vector<16xi32>
    %add3A_149 = arith.constant 16 : i32
    %add3A_150 = vector.broadcast %add3A_149 : i32 to vector<16xi32>
    %add3A_151 = arith.addi %xor3A_145, %add3A_150 : vector<16xi32>
    %select_n3A_152 = arith.select %lt3A_148, %add3A_151, %xor3A_145 : vector<16xi1>, vector<16xi32>
    %broadcast_in_dim3A_153 = vector.shape_cast %select_n3A_152 : vector<16xi32> to vector<16x1xi32>
    %gather3A_154 = vector.shape_cast %broadcast_in_dim3A_153 : vector<16x1xi32> to vector<16xi32>
    %gather3A_155 = tpu.dynamic_gather %parallel_loop3A_86#1[%gather3A_154] in [0] : vector<16xf32>, vector<16xi32> -> vector<16xf32>
    %add3A_156 = arith.addf %parallel_loop3A_86#1, %gather3A_155 : vector<16xf32>
    %xor3A_157 = arith.constant 4 : i32
    %xor3A_158 = vector.broadcast %xor3A_157 : i32 to vector<16xi32>
    %xor3A_159 = arith.xori %iota3A, %xor3A_158 : vector<16xi32>
    %lt3A_160 = arith.constant 0 : i32
    %lt3A_161 = vector.broadcast %lt3A_160 : i32 to vector<16xi32>
    %lt3A_162 = arith.cmpi slt, %xor3A_159, %lt3A_161 : vector<16xi32>
    %add3A_163 = arith.constant 16 : i32
    %add3A_164 = vector.broadcast %add3A_163 : i32 to vector<16xi32>
    %add3A_165 = arith.addi %xor3A_159, %add3A_164 : vector<16xi32>
    %select_n3A_166 = arith.select %lt3A_162, %add3A_165, %xor3A_159 : vector<16xi1>, vector<16xi32>
    %broadcast_in_dim3A_167 = vector.shape_cast %select_n3A_166 : vector<16xi32> to vector<16x1xi32>
    %gather3A_168 = vector.shape_cast %broadcast_in_dim3A_167 : vector<16x1xi32> to vector<16xi32>
    %gather3A_169 = tpu.dynamic_gather %add3A_156[%gather3A_168] in [0] : vector<16xf32>, vector<16xi32> -> vector<16xf32>
    %add3A_170 = arith.addf %add3A_156, %gather3A_169 : vector<16xf32>
    %xor3A_171 = arith.constant 2 : i32
    %xor3A_172 = vector.broadcast %xor3A_171 : i32 to vector<16xi32>
    %xor3A_173 = arith.xori %iota3A, %xor3A_172 : vector<16xi32>
    %lt3A_174 = arith.constant 0 : i32
    %lt3A_175 = vector.broadcast %lt3A_174 : i32 to vector<16xi32>
    %lt3A_176 = arith.cmpi slt, %xor3A_173, %lt3A_175 : vector<16xi32>
    %add3A_177 = arith.constant 16 : i32
    %add3A_178 = vector.broadcast %add3A_177 : i32 to vector<16xi32>
    %add3A_179 = arith.addi %xor3A_173, %add3A_178 : vector<16xi32>
    %select_n3A_180 = arith.select %lt3A_176, %add3A_179, %xor3A_173 : vector<16xi1>, vector<16xi32>
    %broadcast_in_dim3A_181 = vector.shape_cast %select_n3A_180 : vector<16xi32> to vector<16x1xi32>
    %gather3A_182 = vector.shape_cast %broadcast_in_dim3A_181 : vector<16x1xi32> to vector<16xi32>
    %gather3A_183 = tpu.dynamic_gather %add3A_170[%gather3A_182] in [0] : vector<16xf32>, vector<16xi32> -> vector<16xf32>
    %add3A_184 = arith.addf %add3A_170, %gather3A_183 : vector<16xf32>
    %xor3A_185 = arith.constant 1 : i32
    %xor3A_186 = vector.broadcast %xor3A_185 : i32 to vector<16xi32>
    %xor3A_187 = arith.xori %iota3A, %xor3A_186 : vector<16xi32>
    %lt3A_188 = arith.constant 0 : i32
    %lt3A_189 = vector.broadcast %lt3A_188 : i32 to vector<16xi32>
    %lt3A_190 = arith.cmpi slt, %xor3A_187, %lt3A_189 : vector<16xi32>
    %add3A_191 = arith.constant 16 : i32
    %add3A_192 = vector.broadcast %add3A_191 : i32 to vector<16xi32>
    %add3A_193 = arith.addi %xor3A_187, %add3A_192 : vector<16xi32>
    %select_n3A_194 = arith.select %lt3A_190, %add3A_193, %xor3A_187 : vector<16xi1>, vector<16xi32>
    %broadcast_in_dim3A_195 = vector.shape_cast %select_n3A_194 : vector<16xi32> to vector<16x1xi32>
    %gather3A_196 = vector.shape_cast %broadcast_in_dim3A_195 : vector<16x1xi32> to vector<16xi32>
    %gather3A_197 = tpu.dynamic_gather %add3A_184[%gather3A_196] in [0] : vector<16xf32>, vector<16xi32> -> vector<16xf32>
    %add3A_198 = arith.addf %add3A_184, %gather3A_197 : vector<16xf32>
    %eq3A_199 = arith.constant 1 : i32
    %eq3A_200 = vector.broadcast %eq3A_199 : i32 to vector<16xi32>
    %eq3A_201 = arith.cmpi eq, %iota3A, %eq3A_200 : vector<16xi32>
    %select_n3A_202 = arith.select %eq3A_201, %add3A_198, %select_n3A_142 : vector<16xi1>, vector<16xf32>
    %xor3A_203 = arith.constant 8 : i32
    %xor3A_204 = vector.broadcast %xor3A_203 : i32 to vector<16xi32>
    %xor3A_205 = arith.xori %iota3A, %xor3A_204 : vector<16xi32>
    %lt3A_206 = arith.constant 0 : i32
    %lt3A_207 = vector.broadcast %lt3A_206 : i32 to vector<16xi32>
    %lt3A_208 = arith.cmpi slt, %xor3A_205, %lt3A_207 : vector<16xi32>
    %add3A_209 = arith.constant 16 : i32
    %add3A_210 = vector.broadcast %add3A_209 : i32 to vector<16xi32>
    %add3A_211 = arith.addi %xor3A_205, %add3A_210 : vector<16xi32>
    %select_n3A_212 = arith.select %lt3A_208, %add3A_211, %xor3A_205 : vector<16xi1>, vector<16xi32>
    %broadcast_in_dim3A_213 = vector.shape_cast %select_n3A_212 : vector<16xi32> to vector<16x1xi32>
    %gather3A_214 = vector.shape_cast %broadcast_in_dim3A_213 : vector<16x1xi32> to vector<16xi32>
    %gather3A_215 = tpu.dynamic_gather %parallel_loop3A_86#2[%gather3A_214] in [0] : vector<16xf32>, vector<16xi32> -> vector<16xf32>
    %add3A_216 = arith.addf %parallel_loop3A_86#2, %gather3A_215 : vector<16xf32>
    %xor3A_217 = arith.constant 4 : i32
    %xor3A_218 = vector.broadcast %xor3A_217 : i32 to vector<16xi32>
    %xor3A_219 = arith.xori %iota3A, %xor3A_218 : vector<16xi32>
    %lt3A_220 = arith.constant 0 : i32
    %lt3A_221 = vector.broadcast %lt3A_220 : i32 to vector<16xi32>
    %lt3A_222 = arith.cmpi slt, %xor3A_219, %lt3A_221 : vector<16xi32>
    %add3A_223 = arith.constant 16 : i32
    %add3A_224 = vector.broadcast %add3A_223 : i32 to vector<16xi32>
    %add3A_225 = arith.addi %xor3A_219, %add3A_224 : vector<16xi32>
    %select_n3A_226 = arith.select %lt3A_222, %add3A_225, %xor3A_219 : vector<16xi1>, vector<16xi32>
    %broadcast_in_dim3A_227 = vector.shape_cast %select_n3A_226 : vector<16xi32> to vector<16x1xi32>
    %gather3A_228 = vector.shape_cast %broadcast_in_dim3A_227 : vector<16x1xi32> to vector<16xi32>
    %gather3A_229 = tpu.dynamic_gather %add3A_216[%gather3A_228] in [0] : vector<16xf32>, vector<16xi32> -> vector<16xf32>
    %add3A_230 = arith.addf %add3A_216, %gather3A_229 : vector<16xf32>
    %xor3A_231 = arith.constant 2 : i32
    %xor3A_232 = vector.broadcast %xor3A_231 : i32 to vector<16xi32>
    %xor3A_233 = arith.xori %iota3A, %xor3A_232 : vector<16xi32>
    %lt3A_234 = arith.constant 0 : i32
    %lt3A_235 = vector.broadcast %lt3A_234 : i32 to vector<16xi32>
    %lt3A_236 = arith.cmpi slt, %xor3A_233, %lt3A_235 : vector<16xi32>
    %add3A_237 = arith.constant 16 : i32
    %add3A_238 = vector.broadcast %add3A_237 : i32 to vector<16xi32>
    %add3A_239 = arith.addi %xor3A_233, %add3A_238 : vector<16xi32>
    %select_n3A_240 = arith.select %lt3A_236, %add3A_239, %xor3A_233 : vector<16xi1>, vector<16xi32>
    %broadcast_in_dim3A_241 = vector.shape_cast %select_n3A_240 : vector<16xi32> to vector<16x1xi32>
    %gather3A_242 = vector.shape_cast %broadcast_in_dim3A_241 : vector<16x1xi32> to vector<16xi32>
    %gather3A_243 = tpu.dynamic_gather %add3A_230[%gather3A_242] in [0] : vector<16xf32>, vector<16xi32> -> vector<16xf32>
    %add3A_244 = arith.addf %add3A_230, %gather3A_243 : vector<16xf32>
    %xor3A_245 = arith.constant 1 : i32
    %xor3A_246 = vector.broadcast %xor3A_245 : i32 to vector<16xi32>
    %xor3A_247 = arith.xori %iota3A, %xor3A_246 : vector<16xi32>
    %lt3A_248 = arith.constant 0 : i32
    %lt3A_249 = vector.broadcast %lt3A_248 : i32 to vector<16xi32>
    %lt3A_250 = arith.cmpi slt, %xor3A_247, %lt3A_249 : vector<16xi32>
    %add3A_251 = arith.constant 16 : i32
    %add3A_252 = vector.broadcast %add3A_251 : i32 to vector<16xi32>
    %add3A_253 = arith.addi %xor3A_247, %add3A_252 : vector<16xi32>
    %select_n3A_254 = arith.select %lt3A_250, %add3A_253, %xor3A_247 : vector<16xi1>, vector<16xi32>
    %broadcast_in_dim3A_255 = vector.shape_cast %select_n3A_254 : vector<16xi32> to vector<16x1xi32>
    %gather3A_256 = vector.shape_cast %broadcast_in_dim3A_255 : vector<16x1xi32> to vector<16xi32>
    %gather3A_257 = tpu.dynamic_gather %add3A_244[%gather3A_256] in [0] : vector<16xf32>, vector<16xi32> -> vector<16xf32>
    %add3A_258 = arith.addf %add3A_244, %gather3A_257 : vector<16xf32>
    %eq3A_259 = arith.constant 2 : i32
    %eq3A_260 = vector.broadcast %eq3A_259 : i32 to vector<16xi32>
    %eq3A_261 = arith.cmpi eq, %iota3A, %eq3A_260 : vector<16xi32>
    %select_n3A_262 = arith.select %eq3A_261, %add3A_258, %select_n3A_202 : vector<16xi1>, vector<16xf32>
    %xor3A_263 = arith.constant 8 : i32
    %xor3A_264 = vector.broadcast %xor3A_263 : i32 to vector<16xi32>
    %xor3A_265 = arith.xori %iota3A, %xor3A_264 : vector<16xi32>
    %lt3A_266 = arith.constant 0 : i32
    %lt3A_267 = vector.broadcast %lt3A_266 : i32 to vector<16xi32>
    %lt3A_268 = arith.cmpi slt, %xor3A_265, %lt3A_267 : vector<16xi32>
    %add3A_269 = arith.constant 16 : i32
    %add3A_270 = vector.broadcast %add3A_269 : i32 to vector<16xi32>
    %add3A_271 = arith.addi %xor3A_265, %add3A_270 : vector<16xi32>
    %select_n3A_272 = arith.select %lt3A_268, %add3A_271, %xor3A_265 : vector<16xi1>, vector<16xi32>
    %broadcast_in_dim3A_273 = vector.shape_cast %select_n3A_272 : vector<16xi32> to vector<16x1xi32>
    %gather3A_274 = vector.shape_cast %broadcast_in_dim3A_273 : vector<16x1xi32> to vector<16xi32>
    %gather3A_275 = tpu.dynamic_gather %parallel_loop3A_86#3[%gather3A_274] in [0] : vector<16xf32>, vector<16xi32> -> vector<16xf32>
    %add3A_276 = arith.addf %parallel_loop3A_86#3, %gather3A_275 : vector<16xf32>
    %xor3A_277 = arith.constant 4 : i32
    %xor3A_278 = vector.broadcast %xor3A_277 : i32 to vector<16xi32>
    %xor3A_279 = arith.xori %iota3A, %xor3A_278 : vector<16xi32>
    %lt3A_280 = arith.constant 0 : i32
    %lt3A_281 = vector.broadcast %lt3A_280 : i32 to vector<16xi32>
    %lt3A_282 = arith.cmpi slt, %xor3A_279, %lt3A_281 : vector<16xi32>
    %add3A_283 = arith.constant 16 : i32
    %add3A_284 = vector.broadcast %add3A_283 : i32 to vector<16xi32>
    %add3A_285 = arith.addi %xor3A_279, %add3A_284 : vector<16xi32>
    %select_n3A_286 = arith.select %lt3A_282, %add3A_285, %xor3A_279 : vector<16xi1>, vector<16xi32>
    %broadcast_in_dim3A_287 = vector.shape_cast %select_n3A_286 : vector<16xi32> to vector<16x1xi32>
    %gather3A_288 = vector.shape_cast %broadcast_in_dim3A_287 : vector<16x1xi32> to vector<16xi32>
    %gather3A_289 = tpu.dynamic_gather %add3A_276[%gather3A_288] in [0] : vector<16xf32>, vector<16xi32> -> vector<16xf32>
    %add3A_290 = arith.addf %add3A_276, %gather3A_289 : vector<16xf32>
    %xor3A_291 = arith.constant 2 : i32
    %xor3A_292 = vector.broadcast %xor3A_291 : i32 to vector<16xi32>
    %xor3A_293 = arith.xori %iota3A, %xor3A_292 : vector<16xi32>
    %lt3A_294 = arith.constant 0 : i32
    %lt3A_295 = vector.broadcast %lt3A_294 : i32 to vector<16xi32>
    %lt3A_296 = arith.cmpi slt, %xor3A_293, %lt3A_295 : vector<16xi32>
    %add3A_297 = arith.constant 16 : i32
    %add3A_298 = vector.broadcast %add3A_297 : i32 to vector<16xi32>
    %add3A_299 = arith.addi %xor3A_293, %add3A_298 : vector<16xi32>
    %select_n3A_300 = arith.select %lt3A_296, %add3A_299, %xor3A_293 : vector<16xi1>, vector<16xi32>
    %broadcast_in_dim3A_301 = vector.shape_cast %select_n3A_300 : vector<16xi32> to vector<16x1xi32>
    %gather3A_302 = vector.shape_cast %broadcast_in_dim3A_301 : vector<16x1xi32> to vector<16xi32>
    %gather3A_303 = tpu.dynamic_gather %add3A_290[%gather3A_302] in [0] : vector<16xf32>, vector<16xi32> -> vector<16xf32>
    %add3A_304 = arith.addf %add3A_290, %gather3A_303 : vector<16xf32>
    %xor3A_305 = arith.constant 1 : i32
    %xor3A_306 = vector.broadcast %xor3A_305 : i32 to vector<16xi32>
    %xor3A_307 = arith.xori %iota3A, %xor3A_306 : vector<16xi32>
    %lt3A_308 = arith.constant 0 : i32
    %lt3A_309 = vector.broadcast %lt3A_308 : i32 to vector<16xi32>
    %lt3A_310 = arith.cmpi slt, %xor3A_307, %lt3A_309 : vector<16xi32>
    %add3A_311 = arith.constant 16 : i32
    %add3A_312 = vector.broadcast %add3A_311 : i32 to vector<16xi32>
    %add3A_313 = arith.addi %xor3A_307, %add3A_312 : vector<16xi32>
    %select_n3A_314 = arith.select %lt3A_310, %add3A_313, %xor3A_307 : vector<16xi1>, vector<16xi32>
    %broadcast_in_dim3A_315 = vector.shape_cast %select_n3A_314 : vector<16xi32> to vector<16x1xi32>
    %gather3A_316 = vector.shape_cast %broadcast_in_dim3A_315 : vector<16x1xi32> to vector<16xi32>
    %gather3A_317 = tpu.dynamic_gather %add3A_304[%gather3A_316] in [0] : vector<16xf32>, vector<16xi32> -> vector<16xf32>
    %add3A_318 = arith.addf %add3A_304, %gather3A_317 : vector<16xf32>
    %eq3A_319 = arith.constant 3 : i32
    %eq3A_320 = vector.broadcast %eq3A_319 : i32 to vector<16xi32>
    %eq3A_321 = arith.cmpi eq, %iota3A, %eq3A_320 : vector<16xi32>
    %select_n3A_322 = arith.select %eq3A_321, %add3A_318, %select_n3A_262 : vector<16xi1>, vector<16xf32>
    %xor3A_323 = arith.constant 8 : i32
    %xor3A_324 = vector.broadcast %xor3A_323 : i32 to vector<16xi32>
    %xor3A_325 = arith.xori %iota3A, %xor3A_324 : vector<16xi32>
    %lt3A_326 = arith.constant 0 : i32
    %lt3A_327 = vector.broadcast %lt3A_326 : i32 to vector<16xi32>
    %lt3A_328 = arith.cmpi slt, %xor3A_325, %lt3A_327 : vector<16xi32>
    %add3A_329 = arith.constant 16 : i32
    %add3A_330 = vector.broadcast %add3A_329 : i32 to vector<16xi32>
    %add3A_331 = arith.addi %xor3A_325, %add3A_330 : vector<16xi32>
    %select_n3A_332 = arith.select %lt3A_328, %add3A_331, %xor3A_325 : vector<16xi1>, vector<16xi32>
    %broadcast_in_dim3A_333 = vector.shape_cast %select_n3A_332 : vector<16xi32> to vector<16x1xi32>
    %gather3A_334 = vector.shape_cast %broadcast_in_dim3A_333 : vector<16x1xi32> to vector<16xi32>
    %gather3A_335 = tpu.dynamic_gather %parallel_loop3A_86#4[%gather3A_334] in [0] : vector<16xf32>, vector<16xi32> -> vector<16xf32>
    %add3A_336 = arith.addf %parallel_loop3A_86#4, %gather3A_335 : vector<16xf32>
    %xor3A_337 = arith.constant 4 : i32
    %xor3A_338 = vector.broadcast %xor3A_337 : i32 to vector<16xi32>
    %xor3A_339 = arith.xori %iota3A, %xor3A_338 : vector<16xi32>
    %lt3A_340 = arith.constant 0 : i32
    %lt3A_341 = vector.broadcast %lt3A_340 : i32 to vector<16xi32>
    %lt3A_342 = arith.cmpi slt, %xor3A_339, %lt3A_341 : vector<16xi32>
    %add3A_343 = arith.constant 16 : i32
    %add3A_344 = vector.broadcast %add3A_343 : i32 to vector<16xi32>
    %add3A_345 = arith.addi %xor3A_339, %add3A_344 : vector<16xi32>
    %select_n3A_346 = arith.select %lt3A_342, %add3A_345, %xor3A_339 : vector<16xi1>, vector<16xi32>
    %broadcast_in_dim3A_347 = vector.shape_cast %select_n3A_346 : vector<16xi32> to vector<16x1xi32>
    %gather3A_348 = vector.shape_cast %broadcast_in_dim3A_347 : vector<16x1xi32> to vector<16xi32>
    %gather3A_349 = tpu.dynamic_gather %add3A_336[%gather3A_348] in [0] : vector<16xf32>, vector<16xi32> -> vector<16xf32>
    %add3A_350 = arith.addf %add3A_336, %gather3A_349 : vector<16xf32>
    %xor3A_351 = arith.constant 2 : i32
    %xor3A_352 = vector.broadcast %xor3A_351 : i32 to vector<16xi32>
    %xor3A_353 = arith.xori %iota3A, %xor3A_352 : vector<16xi32>
    %lt3A_354 = arith.constant 0 : i32
    %lt3A_355 = vector.broadcast %lt3A_354 : i32 to vector<16xi32>
    %lt3A_356 = arith.cmpi slt, %xor3A_353, %lt3A_355 : vector<16xi32>
    %add3A_357 = arith.constant 16 : i32
    %add3A_358 = vector.broadcast %add3A_357 : i32 to vector<16xi32>
    %add3A_359 = arith.addi %xor3A_353, %add3A_358 : vector<16xi32>
    %select_n3A_360 = arith.select %lt3A_356, %add3A_359, %xor3A_353 : vector<16xi1>, vector<16xi32>
    %broadcast_in_dim3A_361 = vector.shape_cast %select_n3A_360 : vector<16xi32> to vector<16x1xi32>
    %gather3A_362 = vector.shape_cast %broadcast_in_dim3A_361 : vector<16x1xi32> to vector<16xi32>
    %gather3A_363 = tpu.dynamic_gather %add3A_350[%gather3A_362] in [0] : vector<16xf32>, vector<16xi32> -> vector<16xf32>
    %add3A_364 = arith.addf %add3A_350, %gather3A_363 : vector<16xf32>
    %xor3A_365 = arith.constant 1 : i32
    %xor3A_366 = vector.broadcast %xor3A_365 : i32 to vector<16xi32>
    %xor3A_367 = arith.xori %iota3A, %xor3A_366 : vector<16xi32>
    %lt3A_368 = arith.constant 0 : i32
    %lt3A_369 = vector.broadcast %lt3A_368 : i32 to vector<16xi32>
    %lt3A_370 = arith.cmpi slt, %xor3A_367, %lt3A_369 : vector<16xi32>
    %add3A_371 = arith.constant 16 : i32
    %add3A_372 = vector.broadcast %add3A_371 : i32 to vector<16xi32>
    %add3A_373 = arith.addi %xor3A_367, %add3A_372 : vector<16xi32>
    %select_n3A_374 = arith.select %lt3A_370, %add3A_373, %xor3A_367 : vector<16xi1>, vector<16xi32>
    %broadcast_in_dim3A_375 = vector.shape_cast %select_n3A_374 : vector<16xi32> to vector<16x1xi32>
    %gather3A_376 = vector.shape_cast %broadcast_in_dim3A_375 : vector<16x1xi32> to vector<16xi32>
    %gather3A_377 = tpu.dynamic_gather %add3A_364[%gather3A_376] in [0] : vector<16xf32>, vector<16xi32> -> vector<16xf32>
    %add3A_378 = arith.addf %add3A_364, %gather3A_377 : vector<16xf32>
    %eq3A_379 = arith.constant 4 : i32
    %eq3A_380 = vector.broadcast %eq3A_379 : i32 to vector<16xi32>
    %eq3A_381 = arith.cmpi eq, %iota3A, %eq3A_380 : vector<16xi32>
    %select_n3A_382 = arith.select %eq3A_381, %add3A_378, %select_n3A_322 : vector<16xi1>, vector<16xf32>
    %xor3A_383 = arith.constant 8 : i32
    %xor3A_384 = vector.broadcast %xor3A_383 : i32 to vector<16xi32>
    %xor3A_385 = arith.xori %iota3A, %xor3A_384 : vector<16xi32>
    %lt3A_386 = arith.constant 0 : i32
    %lt3A_387 = vector.broadcast %lt3A_386 : i32 to vector<16xi32>
    %lt3A_388 = arith.cmpi slt, %xor3A_385, %lt3A_387 : vector<16xi32>
    %add3A_389 = arith.constant 16 : i32
    %add3A_390 = vector.broadcast %add3A_389 : i32 to vector<16xi32>
    %add3A_391 = arith.addi %xor3A_385, %add3A_390 : vector<16xi32>
    %select_n3A_392 = arith.select %lt3A_388, %add3A_391, %xor3A_385 : vector<16xi1>, vector<16xi32>
    %broadcast_in_dim3A_393 = vector.shape_cast %select_n3A_392 : vector<16xi32> to vector<16x1xi32>
    %gather3A_394 = vector.shape_cast %broadcast_in_dim3A_393 : vector<16x1xi32> to vector<16xi32>
    %gather3A_395 = tpu.dynamic_gather %parallel_loop3A_86#5[%gather3A_394] in [0] : vector<16xf32>, vector<16xi32> -> vector<16xf32>
    %add3A_396 = arith.addf %parallel_loop3A_86#5, %gather3A_395 : vector<16xf32>
    %xor3A_397 = arith.constant 4 : i32
    %xor3A_398 = vector.broadcast %xor3A_397 : i32 to vector<16xi32>
    %xor3A_399 = arith.xori %iota3A, %xor3A_398 : vector<16xi32>
    %lt3A_400 = arith.constant 0 : i32
    %lt3A_401 = vector.broadcast %lt3A_400 : i32 to vector<16xi32>
    %lt3A_402 = arith.cmpi slt, %xor3A_399, %lt3A_401 : vector<16xi32>
    %add3A_403 = arith.constant 16 : i32
    %add3A_404 = vector.broadcast %add3A_403 : i32 to vector<16xi32>
    %add3A_405 = arith.addi %xor3A_399, %add3A_404 : vector<16xi32>
    %select_n3A_406 = arith.select %lt3A_402, %add3A_405, %xor3A_399 : vector<16xi1>, vector<16xi32>
    %broadcast_in_dim3A_407 = vector.shape_cast %select_n3A_406 : vector<16xi32> to vector<16x1xi32>
    %gather3A_408 = vector.shape_cast %broadcast_in_dim3A_407 : vector<16x1xi32> to vector<16xi32>
    %gather3A_409 = tpu.dynamic_gather %add3A_396[%gather3A_408] in [0] : vector<16xf32>, vector<16xi32> -> vector<16xf32>
    %add3A_410 = arith.addf %add3A_396, %gather3A_409 : vector<16xf32>
    %xor3A_411 = arith.constant 2 : i32
    %xor3A_412 = vector.broadcast %xor3A_411 : i32 to vector<16xi32>
    %xor3A_413 = arith.xori %iota3A, %xor3A_412 : vector<16xi32>
    %lt3A_414 = arith.constant 0 : i32
    %lt3A_415 = vector.broadcast %lt3A_414 : i32 to vector<16xi32>
    %lt3A_416 = arith.cmpi slt, %xor3A_413, %lt3A_415 : vector<16xi32>
    %add3A_417 = arith.constant 16 : i32
    %add3A_418 = vector.broadcast %add3A_417 : i32 to vector<16xi32>
    %add3A_419 = arith.addi %xor3A_413, %add3A_418 : vector<16xi32>
    %select_n3A_420 = arith.select %lt3A_416, %add3A_419, %xor3A_413 : vector<16xi1>, vector<16xi32>
    %broadcast_in_dim3A_421 = vector.shape_cast %select_n3A_420 : vector<16xi32> to vector<16x1xi32>
    %gather3A_422 = vector.shape_cast %broadcast_in_dim3A_421 : vector<16x1xi32> to vector<16xi32>
    %gather3A_423 = tpu.dynamic_gather %add3A_410[%gather3A_422] in [0] : vector<16xf32>, vector<16xi32> -> vector<16xf32>
    %add3A_424 = arith.addf %add3A_410, %gather3A_423 : vector<16xf32>
    %xor3A_425 = arith.constant 1 : i32
    %xor3A_426 = vector.broadcast %xor3A_425 : i32 to vector<16xi32>
    %xor3A_427 = arith.xori %iota3A, %xor3A_426 : vector<16xi32>
    %lt3A_428 = arith.constant 0 : i32
    %lt3A_429 = vector.broadcast %lt3A_428 : i32 to vector<16xi32>
    %lt3A_430 = arith.cmpi slt, %xor3A_427, %lt3A_429 : vector<16xi32>
    %add3A_431 = arith.constant 16 : i32
    %add3A_432 = vector.broadcast %add3A_431 : i32 to vector<16xi32>
    %add3A_433 = arith.addi %xor3A_427, %add3A_432 : vector<16xi32>
    %select_n3A_434 = arith.select %lt3A_430, %add3A_433, %xor3A_427 : vector<16xi1>, vector<16xi32>
    %broadcast_in_dim3A_435 = vector.shape_cast %select_n3A_434 : vector<16xi32> to vector<16x1xi32>
    %gather3A_436 = vector.shape_cast %broadcast_in_dim3A_435 : vector<16x1xi32> to vector<16xi32>
    %gather3A_437 = tpu.dynamic_gather %add3A_424[%gather3A_436] in [0] : vector<16xf32>, vector<16xi32> -> vector<16xf32>
    %add3A_438 = arith.addf %add3A_424, %gather3A_437 : vector<16xf32>
    %eq3A_439 = arith.constant 5 : i32
    %eq3A_440 = vector.broadcast %eq3A_439 : i32 to vector<16xi32>
    %eq3A_441 = arith.cmpi eq, %iota3A, %eq3A_440 : vector<16xi32>
    %select_n3A_442 = arith.select %eq3A_441, %add3A_438, %select_n3A_382 : vector<16xi1>, vector<16xf32>
    %xor3A_443 = arith.constant 8 : i32
    %xor3A_444 = vector.broadcast %xor3A_443 : i32 to vector<16xi32>
    %xor3A_445 = arith.xori %iota3A, %xor3A_444 : vector<16xi32>
    %lt3A_446 = arith.constant 0 : i32
    %lt3A_447 = vector.broadcast %lt3A_446 : i32 to vector<16xi32>
    %lt3A_448 = arith.cmpi slt, %xor3A_445, %lt3A_447 : vector<16xi32>
    %add3A_449 = arith.constant 16 : i32
    %add3A_450 = vector.broadcast %add3A_449 : i32 to vector<16xi32>
    %add3A_451 = arith.addi %xor3A_445, %add3A_450 : vector<16xi32>
    %select_n3A_452 = arith.select %lt3A_448, %add3A_451, %xor3A_445 : vector<16xi1>, vector<16xi32>
    %broadcast_in_dim3A_453 = vector.shape_cast %select_n3A_452 : vector<16xi32> to vector<16x1xi32>
    %gather3A_454 = vector.shape_cast %broadcast_in_dim3A_453 : vector<16x1xi32> to vector<16xi32>
    %gather3A_455 = tpu.dynamic_gather %parallel_loop3A_86#6[%gather3A_454] in [0] : vector<16xf32>, vector<16xi32> -> vector<16xf32>
    %add3A_456 = arith.addf %parallel_loop3A_86#6, %gather3A_455 : vector<16xf32>
    %xor3A_457 = arith.constant 4 : i32
    %xor3A_458 = vector.broadcast %xor3A_457 : i32 to vector<16xi32>
    %xor3A_459 = arith.xori %iota3A, %xor3A_458 : vector<16xi32>
    %lt3A_460 = arith.constant 0 : i32
    %lt3A_461 = vector.broadcast %lt3A_460 : i32 to vector<16xi32>
    %lt3A_462 = arith.cmpi slt, %xor3A_459, %lt3A_461 : vector<16xi32>
    %add3A_463 = arith.constant 16 : i32
    %add3A_464 = vector.broadcast %add3A_463 : i32 to vector<16xi32>
    %add3A_465 = arith.addi %xor3A_459, %add3A_464 : vector<16xi32>
    %select_n3A_466 = arith.select %lt3A_462, %add3A_465, %xor3A_459 : vector<16xi1>, vector<16xi32>
    %broadcast_in_dim3A_467 = vector.shape_cast %select_n3A_466 : vector<16xi32> to vector<16x1xi32>
    %gather3A_468 = vector.shape_cast %broadcast_in_dim3A_467 : vector<16x1xi32> to vector<16xi32>
    %gather3A_469 = tpu.dynamic_gather %add3A_456[%gather3A_468] in [0] : vector<16xf32>, vector<16xi32> -> vector<16xf32>
    %add3A_470 = arith.addf %add3A_456, %gather3A_469 : vector<16xf32>
    %xor3A_471 = arith.constant 2 : i32
    %xor3A_472 = vector.broadcast %xor3A_471 : i32 to vector<16xi32>
    %xor3A_473 = arith.xori %iota3A, %xor3A_472 : vector<16xi32>
    %lt3A_474 = arith.constant 0 : i32
    %lt3A_475 = vector.broadcast %lt3A_474 : i32 to vector<16xi32>
    %lt3A_476 = arith.cmpi slt, %xor3A_473, %lt3A_475 : vector<16xi32>
    %add3A_477 = arith.constant 16 : i32
    %add3A_478 = vector.broadcast %add3A_477 : i32 to vector<16xi32>
    %add3A_479 = arith.addi %xor3A_473, %add3A_478 : vector<16xi32>
    %select_n3A_480 = arith.select %lt3A_476, %add3A_479, %xor3A_473 : vector<16xi1>, vector<16xi32>
    %broadcast_in_dim3A_481 = vector.shape_cast %select_n3A_480 : vector<16xi32> to vector<16x1xi32>
    %gather3A_482 = vector.shape_cast %broadcast_in_dim3A_481 : vector<16x1xi32> to vector<16xi32>
    %gather3A_483 = tpu.dynamic_gather %add3A_470[%gather3A_482] in [0] : vector<16xf32>, vector<16xi32> -> vector<16xf32>
    %add3A_484 = arith.addf %add3A_470, %gather3A_483 : vector<16xf32>
    %xor3A_485 = arith.constant 1 : i32
    %xor3A_486 = vector.broadcast %xor3A_485 : i32 to vector<16xi32>
    %xor3A_487 = arith.xori %iota3A, %xor3A_486 : vector<16xi32>
    %lt3A_488 = arith.constant 0 : i32
    %lt3A_489 = vector.broadcast %lt3A_488 : i32 to vector<16xi32>
    %lt3A_490 = arith.cmpi slt, %xor3A_487, %lt3A_489 : vector<16xi32>
    %add3A_491 = arith.constant 16 : i32
    %add3A_492 = vector.broadcast %add3A_491 : i32 to vector<16xi32>
    %add3A_493 = arith.addi %xor3A_487, %add3A_492 : vector<16xi32>
    %select_n3A_494 = arith.select %lt3A_490, %add3A_493, %xor3A_487 : vector<16xi1>, vector<16xi32>
    %broadcast_in_dim3A_495 = vector.shape_cast %select_n3A_494 : vector<16xi32> to vector<16x1xi32>
    %gather3A_496 = vector.shape_cast %broadcast_in_dim3A_495 : vector<16x1xi32> to vector<16xi32>
    %gather3A_497 = tpu.dynamic_gather %add3A_484[%gather3A_496] in [0] : vector<16xf32>, vector<16xi32> -> vector<16xf32>
    %add3A_498 = arith.addf %add3A_484, %gather3A_497 : vector<16xf32>
    %eq3A_499 = arith.constant 6 : i32
    %eq3A_500 = vector.broadcast %eq3A_499 : i32 to vector<16xi32>
    %eq3A_501 = arith.cmpi eq, %iota3A, %eq3A_500 : vector<16xi32>
    %select_n3A_502 = arith.select %eq3A_501, %add3A_498, %select_n3A_442 : vector<16xi1>, vector<16xf32>
    %xor3A_503 = arith.constant 8 : i32
    %xor3A_504 = vector.broadcast %xor3A_503 : i32 to vector<16xi32>
    %xor3A_505 = arith.xori %iota3A, %xor3A_504 : vector<16xi32>
    %lt3A_506 = arith.constant 0 : i32
    %lt3A_507 = vector.broadcast %lt3A_506 : i32 to vector<16xi32>
    %lt3A_508 = arith.cmpi slt, %xor3A_505, %lt3A_507 : vector<16xi32>
    %add3A_509 = arith.constant 16 : i32
    %add3A_510 = vector.broadcast %add3A_509 : i32 to vector<16xi32>
    %add3A_511 = arith.addi %xor3A_505, %add3A_510 : vector<16xi32>
    %select_n3A_512 = arith.select %lt3A_508, %add3A_511, %xor3A_505 : vector<16xi1>, vector<16xi32>
    %broadcast_in_dim3A_513 = vector.shape_cast %select_n3A_512 : vector<16xi32> to vector<16x1xi32>
    %gather3A_514 = vector.shape_cast %broadcast_in_dim3A_513 : vector<16x1xi32> to vector<16xi32>
    %gather3A_515 = tpu.dynamic_gather %parallel_loop3A_86#7[%gather3A_514] in [0] : vector<16xf32>, vector<16xi32> -> vector<16xf32>
    %add3A_516 = arith.addf %parallel_loop3A_86#7, %gather3A_515 : vector<16xf32>
    %xor3A_517 = arith.constant 4 : i32
    %xor3A_518 = vector.broadcast %xor3A_517 : i32 to vector<16xi32>
    %xor3A_519 = arith.xori %iota3A, %xor3A_518 : vector<16xi32>
    %lt3A_520 = arith.constant 0 : i32
    %lt3A_521 = vector.broadcast %lt3A_520 : i32 to vector<16xi32>
    %lt3A_522 = arith.cmpi slt, %xor3A_519, %lt3A_521 : vector<16xi32>
    %add3A_523 = arith.constant 16 : i32
    %add3A_524 = vector.broadcast %add3A_523 : i32 to vector<16xi32>
    %add3A_525 = arith.addi %xor3A_519, %add3A_524 : vector<16xi32>
    %select_n3A_526 = arith.select %lt3A_522, %add3A_525, %xor3A_519 : vector<16xi1>, vector<16xi32>
    %broadcast_in_dim3A_527 = vector.shape_cast %select_n3A_526 : vector<16xi32> to vector<16x1xi32>
    %gather3A_528 = vector.shape_cast %broadcast_in_dim3A_527 : vector<16x1xi32> to vector<16xi32>
    %gather3A_529 = tpu.dynamic_gather %add3A_516[%gather3A_528] in [0] : vector<16xf32>, vector<16xi32> -> vector<16xf32>
    %add3A_530 = arith.addf %add3A_516, %gather3A_529 : vector<16xf32>
    %xor3A_531 = arith.constant 2 : i32
    %xor3A_532 = vector.broadcast %xor3A_531 : i32 to vector<16xi32>
    %xor3A_533 = arith.xori %iota3A, %xor3A_532 : vector<16xi32>
    %lt3A_534 = arith.constant 0 : i32
    %lt3A_535 = vector.broadcast %lt3A_534 : i32 to vector<16xi32>
    %lt3A_536 = arith.cmpi slt, %xor3A_533, %lt3A_535 : vector<16xi32>
    %add3A_537 = arith.constant 16 : i32
    %add3A_538 = vector.broadcast %add3A_537 : i32 to vector<16xi32>
    %add3A_539 = arith.addi %xor3A_533, %add3A_538 : vector<16xi32>
    %select_n3A_540 = arith.select %lt3A_536, %add3A_539, %xor3A_533 : vector<16xi1>, vector<16xi32>
    %broadcast_in_dim3A_541 = vector.shape_cast %select_n3A_540 : vector<16xi32> to vector<16x1xi32>
    %gather3A_542 = vector.shape_cast %broadcast_in_dim3A_541 : vector<16x1xi32> to vector<16xi32>
    %gather3A_543 = tpu.dynamic_gather %add3A_530[%gather3A_542] in [0] : vector<16xf32>, vector<16xi32> -> vector<16xf32>
    %add3A_544 = arith.addf %add3A_530, %gather3A_543 : vector<16xf32>
    %xor3A_545 = arith.constant 1 : i32
    %xor3A_546 = vector.broadcast %xor3A_545 : i32 to vector<16xi32>
    %xor3A_547 = arith.xori %iota3A, %xor3A_546 : vector<16xi32>
    %lt3A_548 = arith.constant 0 : i32
    %lt3A_549 = vector.broadcast %lt3A_548 : i32 to vector<16xi32>
    %lt3A_550 = arith.cmpi slt, %xor3A_547, %lt3A_549 : vector<16xi32>
    %add3A_551 = arith.constant 16 : i32
    %add3A_552 = vector.broadcast %add3A_551 : i32 to vector<16xi32>
    %add3A_553 = arith.addi %xor3A_547, %add3A_552 : vector<16xi32>
    %select_n3A_554 = arith.select %lt3A_550, %add3A_553, %xor3A_547 : vector<16xi1>, vector<16xi32>
    %broadcast_in_dim3A_555 = vector.shape_cast %select_n3A_554 : vector<16xi32> to vector<16x1xi32>
    %gather3A_556 = vector.shape_cast %broadcast_in_dim3A_555 : vector<16x1xi32> to vector<16xi32>
    %gather3A_557 = tpu.dynamic_gather %add3A_544[%gather3A_556] in [0] : vector<16xf32>, vector<16xi32> -> vector<16xf32>
    %add3A_558 = arith.addf %add3A_544, %gather3A_557 : vector<16xf32>
    %eq3A_559 = arith.constant 7 : i32
    %eq3A_560 = vector.broadcast %eq3A_559 : i32 to vector<16xi32>
    %eq3A_561 = arith.cmpi eq, %iota3A, %eq3A_560 : vector<16xi32>
    %select_n3A_562 = arith.select %eq3A_561, %add3A_558, %select_n3A_502 : vector<16xi1>, vector<16xf32>
    %xor3A_563 = arith.constant 8 : i32
    %xor3A_564 = vector.broadcast %xor3A_563 : i32 to vector<16xi32>
    %xor3A_565 = arith.xori %iota3A, %xor3A_564 : vector<16xi32>
    %lt3A_566 = arith.constant 0 : i32
    %lt3A_567 = vector.broadcast %lt3A_566 : i32 to vector<16xi32>
    %lt3A_568 = arith.cmpi slt, %xor3A_565, %lt3A_567 : vector<16xi32>
    %add3A_569 = arith.constant 16 : i32
    %add3A_570 = vector.broadcast %add3A_569 : i32 to vector<16xi32>
    %add3A_571 = arith.addi %xor3A_565, %add3A_570 : vector<16xi32>
    %select_n3A_572 = arith.select %lt3A_568, %add3A_571, %xor3A_565 : vector<16xi1>, vector<16xi32>
    %broadcast_in_dim3A_573 = vector.shape_cast %select_n3A_572 : vector<16xi32> to vector<16x1xi32>
    %gather3A_574 = vector.shape_cast %broadcast_in_dim3A_573 : vector<16x1xi32> to vector<16xi32>
    %gather3A_575 = tpu.dynamic_gather %parallel_loop3A_86#8[%gather3A_574] in [0] : vector<16xf32>, vector<16xi32> -> vector<16xf32>
    %add3A_576 = arith.addf %parallel_loop3A_86#8, %gather3A_575 : vector<16xf32>
    %xor3A_577 = arith.constant 4 : i32
    %xor3A_578 = vector.broadcast %xor3A_577 : i32 to vector<16xi32>
    %xor3A_579 = arith.xori %iota3A, %xor3A_578 : vector<16xi32>
    %lt3A_580 = arith.constant 0 : i32
    %lt3A_581 = vector.broadcast %lt3A_580 : i32 to vector<16xi32>
    %lt3A_582 = arith.cmpi slt, %xor3A_579, %lt3A_581 : vector<16xi32>
    %add3A_583 = arith.constant 16 : i32
    %add3A_584 = vector.broadcast %add3A_583 : i32 to vector<16xi32>
    %add3A_585 = arith.addi %xor3A_579, %add3A_584 : vector<16xi32>
    %select_n3A_586 = arith.select %lt3A_582, %add3A_585, %xor3A_579 : vector<16xi1>, vector<16xi32>
    %broadcast_in_dim3A_587 = vector.shape_cast %select_n3A_586 : vector<16xi32> to vector<16x1xi32>
    %gather3A_588 = vector.shape_cast %broadcast_in_dim3A_587 : vector<16x1xi32> to vector<16xi32>
    %gather3A_589 = tpu.dynamic_gather %add3A_576[%gather3A_588] in [0] : vector<16xf32>, vector<16xi32> -> vector<16xf32>
    %add3A_590 = arith.addf %add3A_576, %gather3A_589 : vector<16xf32>
    %xor3A_591 = arith.constant 2 : i32
    %xor3A_592 = vector.broadcast %xor3A_591 : i32 to vector<16xi32>
    %xor3A_593 = arith.xori %iota3A, %xor3A_592 : vector<16xi32>
    %lt3A_594 = arith.constant 0 : i32
    %lt3A_595 = vector.broadcast %lt3A_594 : i32 to vector<16xi32>
    %lt3A_596 = arith.cmpi slt, %xor3A_593, %lt3A_595 : vector<16xi32>
    %add3A_597 = arith.constant 16 : i32
    %add3A_598 = vector.broadcast %add3A_597 : i32 to vector<16xi32>
    %add3A_599 = arith.addi %xor3A_593, %add3A_598 : vector<16xi32>
    %select_n3A_600 = arith.select %lt3A_596, %add3A_599, %xor3A_593 : vector<16xi1>, vector<16xi32>
    %broadcast_in_dim3A_601 = vector.shape_cast %select_n3A_600 : vector<16xi32> to vector<16x1xi32>
    %gather3A_602 = vector.shape_cast %broadcast_in_dim3A_601 : vector<16x1xi32> to vector<16xi32>
    %gather3A_603 = tpu.dynamic_gather %add3A_590[%gather3A_602] in [0] : vector<16xf32>, vector<16xi32> -> vector<16xf32>
    %add3A_604 = arith.addf %add3A_590, %gather3A_603 : vector<16xf32>
    %xor3A_605 = arith.constant 1 : i32
    %xor3A_606 = vector.broadcast %xor3A_605 : i32 to vector<16xi32>
    %xor3A_607 = arith.xori %iota3A, %xor3A_606 : vector<16xi32>
    %lt3A_608 = arith.constant 0 : i32
    %lt3A_609 = vector.broadcast %lt3A_608 : i32 to vector<16xi32>
    %lt3A_610 = arith.cmpi slt, %xor3A_607, %lt3A_609 : vector<16xi32>
    %add3A_611 = arith.constant 16 : i32
    %add3A_612 = vector.broadcast %add3A_611 : i32 to vector<16xi32>
    %add3A_613 = arith.addi %xor3A_607, %add3A_612 : vector<16xi32>
    %select_n3A_614 = arith.select %lt3A_610, %add3A_613, %xor3A_607 : vector<16xi1>, vector<16xi32>
    %broadcast_in_dim3A_615 = vector.shape_cast %select_n3A_614 : vector<16xi32> to vector<16x1xi32>
    %gather3A_616 = vector.shape_cast %broadcast_in_dim3A_615 : vector<16x1xi32> to vector<16xi32>
    %gather3A_617 = tpu.dynamic_gather %add3A_604[%gather3A_616] in [0] : vector<16xf32>, vector<16xi32> -> vector<16xf32>
    %add3A_618 = arith.addf %add3A_604, %gather3A_617 : vector<16xf32>
    %eq3A_619 = arith.constant 8 : i32
    %eq3A_620 = vector.broadcast %eq3A_619 : i32 to vector<16xi32>
    %eq3A_621 = arith.cmpi eq, %iota3A, %eq3A_620 : vector<16xi32>
    %select_n3A_622 = arith.select %eq3A_621, %add3A_618, %select_n3A_562 : vector<16xi1>, vector<16xf32>
    %xor3A_623 = arith.constant 8 : i32
    %xor3A_624 = vector.broadcast %xor3A_623 : i32 to vector<16xi32>
    %xor3A_625 = arith.xori %iota3A, %xor3A_624 : vector<16xi32>
    %lt3A_626 = arith.constant 0 : i32
    %lt3A_627 = vector.broadcast %lt3A_626 : i32 to vector<16xi32>
    %lt3A_628 = arith.cmpi slt, %xor3A_625, %lt3A_627 : vector<16xi32>
    %add3A_629 = arith.constant 16 : i32
    %add3A_630 = vector.broadcast %add3A_629 : i32 to vector<16xi32>
    %add3A_631 = arith.addi %xor3A_625, %add3A_630 : vector<16xi32>
    %select_n3A_632 = arith.select %lt3A_628, %add3A_631, %xor3A_625 : vector<16xi1>, vector<16xi32>
    %broadcast_in_dim3A_633 = vector.shape_cast %select_n3A_632 : vector<16xi32> to vector<16x1xi32>
    %gather3A_634 = vector.shape_cast %broadcast_in_dim3A_633 : vector<16x1xi32> to vector<16xi32>
    %gather3A_635 = tpu.dynamic_gather %parallel_loop3A_86#9[%gather3A_634] in [0] : vector<16xf32>, vector<16xi32> -> vector<16xf32>
    %add3A_636 = arith.addf %parallel_loop3A_86#9, %gather3A_635 : vector<16xf32>
    %xor3A_637 = arith.constant 4 : i32
    %xor3A_638 = vector.broadcast %xor3A_637 : i32 to vector<16xi32>
    %xor3A_639 = arith.xori %iota3A, %xor3A_638 : vector<16xi32>
    %lt3A_640 = arith.constant 0 : i32
    %lt3A_641 = vector.broadcast %lt3A_640 : i32 to vector<16xi32>
    %lt3A_642 = arith.cmpi slt, %xor3A_639, %lt3A_641 : vector<16xi32>
    %add3A_643 = arith.constant 16 : i32
    %add3A_644 = vector.broadcast %add3A_643 : i32 to vector<16xi32>
    %add3A_645 = arith.addi %xor3A_639, %add3A_644 : vector<16xi32>
    %select_n3A_646 = arith.select %lt3A_642, %add3A_645, %xor3A_639 : vector<16xi1>, vector<16xi32>
    %broadcast_in_dim3A_647 = vector.shape_cast %select_n3A_646 : vector<16xi32> to vector<16x1xi32>
    %gather3A_648 = vector.shape_cast %broadcast_in_dim3A_647 : vector<16x1xi32> to vector<16xi32>
    %gather3A_649 = tpu.dynamic_gather %add3A_636[%gather3A_648] in [0] : vector<16xf32>, vector<16xi32> -> vector<16xf32>
    %add3A_650 = arith.addf %add3A_636, %gather3A_649 : vector<16xf32>
    %xor3A_651 = arith.constant 2 : i32
    %xor3A_652 = vector.broadcast %xor3A_651 : i32 to vector<16xi32>
    %xor3A_653 = arith.xori %iota3A, %xor3A_652 : vector<16xi32>
    %lt3A_654 = arith.constant 0 : i32
    %lt3A_655 = vector.broadcast %lt3A_654 : i32 to vector<16xi32>
    %lt3A_656 = arith.cmpi slt, %xor3A_653, %lt3A_655 : vector<16xi32>
    %add3A_657 = arith.constant 16 : i32
    %add3A_658 = vector.broadcast %add3A_657 : i32 to vector<16xi32>
    %add3A_659 = arith.addi %xor3A_653, %add3A_658 : vector<16xi32>
    %select_n3A_660 = arith.select %lt3A_656, %add3A_659, %xor3A_653 : vector<16xi1>, vector<16xi32>
    %broadcast_in_dim3A_661 = vector.shape_cast %select_n3A_660 : vector<16xi32> to vector<16x1xi32>
    %gather3A_662 = vector.shape_cast %broadcast_in_dim3A_661 : vector<16x1xi32> to vector<16xi32>
    %gather3A_663 = tpu.dynamic_gather %add3A_650[%gather3A_662] in [0] : vector<16xf32>, vector<16xi32> -> vector<16xf32>
    %add3A_664 = arith.addf %add3A_650, %gather3A_663 : vector<16xf32>
    %xor3A_665 = arith.constant 1 : i32
    %xor3A_666 = vector.broadcast %xor3A_665 : i32 to vector<16xi32>
    %xor3A_667 = arith.xori %iota3A, %xor3A_666 : vector<16xi32>
    %lt3A_668 = arith.constant 0 : i32
    %lt3A_669 = vector.broadcast %lt3A_668 : i32 to vector<16xi32>
    %lt3A_670 = arith.cmpi slt, %xor3A_667, %lt3A_669 : vector<16xi32>
    %add3A_671 = arith.constant 16 : i32
    %add3A_672 = vector.broadcast %add3A_671 : i32 to vector<16xi32>
    %add3A_673 = arith.addi %xor3A_667, %add3A_672 : vector<16xi32>
    %select_n3A_674 = arith.select %lt3A_670, %add3A_673, %xor3A_667 : vector<16xi1>, vector<16xi32>
    %broadcast_in_dim3A_675 = vector.shape_cast %select_n3A_674 : vector<16xi32> to vector<16x1xi32>
    %gather3A_676 = vector.shape_cast %broadcast_in_dim3A_675 : vector<16x1xi32> to vector<16xi32>
    %gather3A_677 = tpu.dynamic_gather %add3A_664[%gather3A_676] in [0] : vector<16xf32>, vector<16xi32> -> vector<16xf32>
    %add3A_678 = arith.addf %add3A_664, %gather3A_677 : vector<16xf32>
    %eq3A_679 = arith.constant 9 : i32
    %eq3A_680 = vector.broadcast %eq3A_679 : i32 to vector<16xi32>
    %eq3A_681 = arith.cmpi eq, %iota3A, %eq3A_680 : vector<16xi32>
    %select_n3A_682 = arith.select %eq3A_681, %add3A_678, %select_n3A_622 : vector<16xi1>, vector<16xf32>
    %xor3A_683 = arith.constant 8 : i32
    %xor3A_684 = vector.broadcast %xor3A_683 : i32 to vector<16xi32>
    %xor3A_685 = arith.xori %iota3A, %xor3A_684 : vector<16xi32>
    %lt3A_686 = arith.constant 0 : i32
    %lt3A_687 = vector.broadcast %lt3A_686 : i32 to vector<16xi32>
    %lt3A_688 = arith.cmpi slt, %xor3A_685, %lt3A_687 : vector<16xi32>
    %add3A_689 = arith.constant 16 : i32
    %add3A_690 = vector.broadcast %add3A_689 : i32 to vector<16xi32>
    %add3A_691 = arith.addi %xor3A_685, %add3A_690 : vector<16xi32>
    %select_n3A_692 = arith.select %lt3A_688, %add3A_691, %xor3A_685 : vector<16xi1>, vector<16xi32>
    %broadcast_in_dim3A_693 = vector.shape_cast %select_n3A_692 : vector<16xi32> to vector<16x1xi32>
    %gather3A_694 = vector.shape_cast %broadcast_in_dim3A_693 : vector<16x1xi32> to vector<16xi32>
    %gather3A_695 = tpu.dynamic_gather %parallel_loop3A_86#10[%gather3A_694] in [0] : vector<16xf32>, vector<16xi32> -> vector<16xf32>
    %add3A_696 = arith.addf %parallel_loop3A_86#10, %gather3A_695 : vector<16xf32>
    %xor3A_697 = arith.constant 4 : i32
    %xor3A_698 = vector.broadcast %xor3A_697 : i32 to vector<16xi32>
    %xor3A_699 = arith.xori %iota3A, %xor3A_698 : vector<16xi32>
    %lt3A_700 = arith.constant 0 : i32
    %lt3A_701 = vector.broadcast %lt3A_700 : i32 to vector<16xi32>
    %lt3A_702 = arith.cmpi slt, %xor3A_699, %lt3A_701 : vector<16xi32>
    %add3A_703 = arith.constant 16 : i32
    %add3A_704 = vector.broadcast %add3A_703 : i32 to vector<16xi32>
    %add3A_705 = arith.addi %xor3A_699, %add3A_704 : vector<16xi32>
    %select_n3A_706 = arith.select %lt3A_702, %add3A_705, %xor3A_699 : vector<16xi1>, vector<16xi32>
    %broadcast_in_dim3A_707 = vector.shape_cast %select_n3A_706 : vector<16xi32> to vector<16x1xi32>
    %gather3A_708 = vector.shape_cast %broadcast_in_dim3A_707 : vector<16x1xi32> to vector<16xi32>
    %gather3A_709 = tpu.dynamic_gather %add3A_696[%gather3A_708] in [0] : vector<16xf32>, vector<16xi32> -> vector<16xf32>
    %add3A_710 = arith.addf %add3A_696, %gather3A_709 : vector<16xf32>
    %xor3A_711 = arith.constant 2 : i32
    %xor3A_712 = vector.broadcast %xor3A_711 : i32 to vector<16xi32>
    %xor3A_713 = arith.xori %iota3A, %xor3A_712 : vector<16xi32>
    %lt3A_714 = arith.constant 0 : i32
    %lt3A_715 = vector.broadcast %lt3A_714 : i32 to vector<16xi32>
    %lt3A_716 = arith.cmpi slt, %xor3A_713, %lt3A_715 : vector<16xi32>
    %add3A_717 = arith.constant 16 : i32
    %add3A_718 = vector.broadcast %add3A_717 : i32 to vector<16xi32>
    %add3A_719 = arith.addi %xor3A_713, %add3A_718 : vector<16xi32>
    %select_n3A_720 = arith.select %lt3A_716, %add3A_719, %xor3A_713 : vector<16xi1>, vector<16xi32>
    %broadcast_in_dim3A_721 = vector.shape_cast %select_n3A_720 : vector<16xi32> to vector<16x1xi32>
    %gather3A_722 = vector.shape_cast %broadcast_in_dim3A_721 : vector<16x1xi32> to vector<16xi32>
    %gather3A_723 = tpu.dynamic_gather %add3A_710[%gather3A_722] in [0] : vector<16xf32>, vector<16xi32> -> vector<16xf32>
    %add3A_724 = arith.addf %add3A_710, %gather3A_723 : vector<16xf32>
    %xor3A_725 = arith.constant 1 : i32
    %xor3A_726 = vector.broadcast %xor3A_725 : i32 to vector<16xi32>
    %xor3A_727 = arith.xori %iota3A, %xor3A_726 : vector<16xi32>
    %lt3A_728 = arith.constant 0 : i32
    %lt3A_729 = vector.broadcast %lt3A_728 : i32 to vector<16xi32>
    %lt3A_730 = arith.cmpi slt, %xor3A_727, %lt3A_729 : vector<16xi32>
    %add3A_731 = arith.constant 16 : i32
    %add3A_732 = vector.broadcast %add3A_731 : i32 to vector<16xi32>
    %add3A_733 = arith.addi %xor3A_727, %add3A_732 : vector<16xi32>
    %select_n3A_734 = arith.select %lt3A_730, %add3A_733, %xor3A_727 : vector<16xi1>, vector<16xi32>
    %broadcast_in_dim3A_735 = vector.shape_cast %select_n3A_734 : vector<16xi32> to vector<16x1xi32>
    %gather3A_736 = vector.shape_cast %broadcast_in_dim3A_735 : vector<16x1xi32> to vector<16xi32>
    %gather3A_737 = tpu.dynamic_gather %add3A_724[%gather3A_736] in [0] : vector<16xf32>, vector<16xi32> -> vector<16xf32>
    %add3A_738 = arith.addf %add3A_724, %gather3A_737 : vector<16xf32>
    %eq3A_739 = arith.constant 10 : i32
    %eq3A_740 = vector.broadcast %eq3A_739 : i32 to vector<16xi32>
    %eq3A_741 = arith.cmpi eq, %iota3A, %eq3A_740 : vector<16xi32>
    %select_n3A_742 = arith.select %eq3A_741, %add3A_738, %select_n3A_682 : vector<16xi1>, vector<16xf32>
    %xor3A_743 = arith.constant 8 : i32
    %xor3A_744 = vector.broadcast %xor3A_743 : i32 to vector<16xi32>
    %xor3A_745 = arith.xori %iota3A, %xor3A_744 : vector<16xi32>
    %lt3A_746 = arith.constant 0 : i32
    %lt3A_747 = vector.broadcast %lt3A_746 : i32 to vector<16xi32>
    %lt3A_748 = arith.cmpi slt, %xor3A_745, %lt3A_747 : vector<16xi32>
    %add3A_749 = arith.constant 16 : i32
    %add3A_750 = vector.broadcast %add3A_749 : i32 to vector<16xi32>
    %add3A_751 = arith.addi %xor3A_745, %add3A_750 : vector<16xi32>
    %select_n3A_752 = arith.select %lt3A_748, %add3A_751, %xor3A_745 : vector<16xi1>, vector<16xi32>
    %broadcast_in_dim3A_753 = vector.shape_cast %select_n3A_752 : vector<16xi32> to vector<16x1xi32>
    %gather3A_754 = vector.shape_cast %broadcast_in_dim3A_753 : vector<16x1xi32> to vector<16xi32>
    %gather3A_755 = tpu.dynamic_gather %parallel_loop3A_86#11[%gather3A_754] in [0] : vector<16xf32>, vector<16xi32> -> vector<16xf32>
    %add3A_756 = arith.addf %parallel_loop3A_86#11, %gather3A_755 : vector<16xf32>
    %xor3A_757 = arith.constant 4 : i32
    %xor3A_758 = vector.broadcast %xor3A_757 : i32 to vector<16xi32>
    %xor3A_759 = arith.xori %iota3A, %xor3A_758 : vector<16xi32>
    %lt3A_760 = arith.constant 0 : i32
    %lt3A_761 = vector.broadcast %lt3A_760 : i32 to vector<16xi32>
    %lt3A_762 = arith.cmpi slt, %xor3A_759, %lt3A_761 : vector<16xi32>
    %add3A_763 = arith.constant 16 : i32
    %add3A_764 = vector.broadcast %add3A_763 : i32 to vector<16xi32>
    %add3A_765 = arith.addi %xor3A_759, %add3A_764 : vector<16xi32>
    %select_n3A_766 = arith.select %lt3A_762, %add3A_765, %xor3A_759 : vector<16xi1>, vector<16xi32>
    %broadcast_in_dim3A_767 = vector.shape_cast %select_n3A_766 : vector<16xi32> to vector<16x1xi32>
    %gather3A_768 = vector.shape_cast %broadcast_in_dim3A_767 : vector<16x1xi32> to vector<16xi32>
    %gather3A_769 = tpu.dynamic_gather %add3A_756[%gather3A_768] in [0] : vector<16xf32>, vector<16xi32> -> vector<16xf32>
    %add3A_770 = arith.addf %add3A_756, %gather3A_769 : vector<16xf32>
    %xor3A_771 = arith.constant 2 : i32
    %xor3A_772 = vector.broadcast %xor3A_771 : i32 to vector<16xi32>
    %xor3A_773 = arith.xori %iota3A, %xor3A_772 : vector<16xi32>
    %lt3A_774 = arith.constant 0 : i32
    %lt3A_775 = vector.broadcast %lt3A_774 : i32 to vector<16xi32>
    %lt3A_776 = arith.cmpi slt, %xor3A_773, %lt3A_775 : vector<16xi32>
    %add3A_777 = arith.constant 16 : i32
    %add3A_778 = vector.broadcast %add3A_777 : i32 to vector<16xi32>
    %add3A_779 = arith.addi %xor3A_773, %add3A_778 : vector<16xi32>
    %select_n3A_780 = arith.select %lt3A_776, %add3A_779, %xor3A_773 : vector<16xi1>, vector<16xi32>
    %broadcast_in_dim3A_781 = vector.shape_cast %select_n3A_780 : vector<16xi32> to vector<16x1xi32>
    %gather3A_782 = vector.shape_cast %broadcast_in_dim3A_781 : vector<16x1xi32> to vector<16xi32>
    %gather3A_783 = tpu.dynamic_gather %add3A_770[%gather3A_782] in [0] : vector<16xf32>, vector<16xi32> -> vector<16xf32>
    %add3A_784 = arith.addf %add3A_770, %gather3A_783 : vector<16xf32>
    %xor3A_785 = arith.constant 1 : i32
    %xor3A_786 = vector.broadcast %xor3A_785 : i32 to vector<16xi32>
    %xor3A_787 = arith.xori %iota3A, %xor3A_786 : vector<16xi32>
    %lt3A_788 = arith.constant 0 : i32
    %lt3A_789 = vector.broadcast %lt3A_788 : i32 to vector<16xi32>
    %lt3A_790 = arith.cmpi slt, %xor3A_787, %lt3A_789 : vector<16xi32>
    %add3A_791 = arith.constant 16 : i32
    %add3A_792 = vector.broadcast %add3A_791 : i32 to vector<16xi32>
    %add3A_793 = arith.addi %xor3A_787, %add3A_792 : vector<16xi32>
    %select_n3A_794 = arith.select %lt3A_790, %add3A_793, %xor3A_787 : vector<16xi1>, vector<16xi32>
    %broadcast_in_dim3A_795 = vector.shape_cast %select_n3A_794 : vector<16xi32> to vector<16x1xi32>
    %gather3A_796 = vector.shape_cast %broadcast_in_dim3A_795 : vector<16x1xi32> to vector<16xi32>
    %gather3A_797 = tpu.dynamic_gather %add3A_784[%gather3A_796] in [0] : vector<16xf32>, vector<16xi32> -> vector<16xf32>
    %add3A_798 = arith.addf %add3A_784, %gather3A_797 : vector<16xf32>
    %eq3A_799 = arith.constant 11 : i32
    %eq3A_800 = vector.broadcast %eq3A_799 : i32 to vector<16xi32>
    %eq3A_801 = arith.cmpi eq, %iota3A, %eq3A_800 : vector<16xi32>
    %select_n3A_802 = arith.select %eq3A_801, %add3A_798, %select_n3A_742 : vector<16xi1>, vector<16xf32>
    %xor3A_803 = arith.constant 8 : i32
    %xor3A_804 = vector.broadcast %xor3A_803 : i32 to vector<16xi32>
    %xor3A_805 = arith.xori %iota3A, %xor3A_804 : vector<16xi32>
    %lt3A_806 = arith.constant 0 : i32
    %lt3A_807 = vector.broadcast %lt3A_806 : i32 to vector<16xi32>
    %lt3A_808 = arith.cmpi slt, %xor3A_805, %lt3A_807 : vector<16xi32>
    %add3A_809 = arith.constant 16 : i32
    %add3A_810 = vector.broadcast %add3A_809 : i32 to vector<16xi32>
    %add3A_811 = arith.addi %xor3A_805, %add3A_810 : vector<16xi32>
    %select_n3A_812 = arith.select %lt3A_808, %add3A_811, %xor3A_805 : vector<16xi1>, vector<16xi32>
    %broadcast_in_dim3A_813 = vector.shape_cast %select_n3A_812 : vector<16xi32> to vector<16x1xi32>
    %gather3A_814 = vector.shape_cast %broadcast_in_dim3A_813 : vector<16x1xi32> to vector<16xi32>
    %gather3A_815 = tpu.dynamic_gather %parallel_loop3A_86#12[%gather3A_814] in [0] : vector<16xf32>, vector<16xi32> -> vector<16xf32>
    %add3A_816 = arith.addf %parallel_loop3A_86#12, %gather3A_815 : vector<16xf32>
    %xor3A_817 = arith.constant 4 : i32
    %xor3A_818 = vector.broadcast %xor3A_817 : i32 to vector<16xi32>
    %xor3A_819 = arith.xori %iota3A, %xor3A_818 : vector<16xi32>
    %lt3A_820 = arith.constant 0 : i32
    %lt3A_821 = vector.broadcast %lt3A_820 : i32 to vector<16xi32>
    %lt3A_822 = arith.cmpi slt, %xor3A_819, %lt3A_821 : vector<16xi32>
    %add3A_823 = arith.constant 16 : i32
    %add3A_824 = vector.broadcast %add3A_823 : i32 to vector<16xi32>
    %add3A_825 = arith.addi %xor3A_819, %add3A_824 : vector<16xi32>
    %select_n3A_826 = arith.select %lt3A_822, %add3A_825, %xor3A_819 : vector<16xi1>, vector<16xi32>
    %broadcast_in_dim3A_827 = vector.shape_cast %select_n3A_826 : vector<16xi32> to vector<16x1xi32>
    %gather3A_828 = vector.shape_cast %broadcast_in_dim3A_827 : vector<16x1xi32> to vector<16xi32>
    %gather3A_829 = tpu.dynamic_gather %add3A_816[%gather3A_828] in [0] : vector<16xf32>, vector<16xi32> -> vector<16xf32>
    %add3A_830 = arith.addf %add3A_816, %gather3A_829 : vector<16xf32>
    %xor3A_831 = arith.constant 2 : i32
    %xor3A_832 = vector.broadcast %xor3A_831 : i32 to vector<16xi32>
    %xor3A_833 = arith.xori %iota3A, %xor3A_832 : vector<16xi32>
    %lt3A_834 = arith.constant 0 : i32
    %lt3A_835 = vector.broadcast %lt3A_834 : i32 to vector<16xi32>
    %lt3A_836 = arith.cmpi slt, %xor3A_833, %lt3A_835 : vector<16xi32>
    %add3A_837 = arith.constant 16 : i32
    %add3A_838 = vector.broadcast %add3A_837 : i32 to vector<16xi32>
    %add3A_839 = arith.addi %xor3A_833, %add3A_838 : vector<16xi32>
    %select_n3A_840 = arith.select %lt3A_836, %add3A_839, %xor3A_833 : vector<16xi1>, vector<16xi32>
    %broadcast_in_dim3A_841 = vector.shape_cast %select_n3A_840 : vector<16xi32> to vector<16x1xi32>
    %gather3A_842 = vector.shape_cast %broadcast_in_dim3A_841 : vector<16x1xi32> to vector<16xi32>
    %gather3A_843 = tpu.dynamic_gather %add3A_830[%gather3A_842] in [0] : vector<16xf32>, vector<16xi32> -> vector<16xf32>
    %add3A_844 = arith.addf %add3A_830, %gather3A_843 : vector<16xf32>
    %xor3A_845 = arith.constant 1 : i32
    %xor3A_846 = vector.broadcast %xor3A_845 : i32 to vector<16xi32>
    %xor3A_847 = arith.xori %iota3A, %xor3A_846 : vector<16xi32>
    %lt3A_848 = arith.constant 0 : i32
    %lt3A_849 = vector.broadcast %lt3A_848 : i32 to vector<16xi32>
    %lt3A_850 = arith.cmpi slt, %xor3A_847, %lt3A_849 : vector<16xi32>
    %add3A_851 = arith.constant 16 : i32
    %add3A_852 = vector.broadcast %add3A_851 : i32 to vector<16xi32>
    %add3A_853 = arith.addi %xor3A_847, %add3A_852 : vector<16xi32>
    %select_n3A_854 = arith.select %lt3A_850, %add3A_853, %xor3A_847 : vector<16xi1>, vector<16xi32>
    %broadcast_in_dim3A_855 = vector.shape_cast %select_n3A_854 : vector<16xi32> to vector<16x1xi32>
    %gather3A_856 = vector.shape_cast %broadcast_in_dim3A_855 : vector<16x1xi32> to vector<16xi32>
    %gather3A_857 = tpu.dynamic_gather %add3A_844[%gather3A_856] in [0] : vector<16xf32>, vector<16xi32> -> vector<16xf32>
    %add3A_858 = arith.addf %add3A_844, %gather3A_857 : vector<16xf32>
    %eq3A_859 = arith.constant 12 : i32
    %eq3A_860 = vector.broadcast %eq3A_859 : i32 to vector<16xi32>
    %eq3A_861 = arith.cmpi eq, %iota3A, %eq3A_860 : vector<16xi32>
    %select_n3A_862 = arith.select %eq3A_861, %add3A_858, %select_n3A_802 : vector<16xi1>, vector<16xf32>
    %xor3A_863 = arith.constant 8 : i32
    %xor3A_864 = vector.broadcast %xor3A_863 : i32 to vector<16xi32>
    %xor3A_865 = arith.xori %iota3A, %xor3A_864 : vector<16xi32>
    %lt3A_866 = arith.constant 0 : i32
    %lt3A_867 = vector.broadcast %lt3A_866 : i32 to vector<16xi32>
    %lt3A_868 = arith.cmpi slt, %xor3A_865, %lt3A_867 : vector<16xi32>
    %add3A_869 = arith.constant 16 : i32
    %add3A_870 = vector.broadcast %add3A_869 : i32 to vector<16xi32>
    %add3A_871 = arith.addi %xor3A_865, %add3A_870 : vector<16xi32>
    %select_n3A_872 = arith.select %lt3A_868, %add3A_871, %xor3A_865 : vector<16xi1>, vector<16xi32>
    %broadcast_in_dim3A_873 = vector.shape_cast %select_n3A_872 : vector<16xi32> to vector<16x1xi32>
    %gather3A_874 = vector.shape_cast %broadcast_in_dim3A_873 : vector<16x1xi32> to vector<16xi32>
    %gather3A_875 = tpu.dynamic_gather %parallel_loop3A_86#13[%gather3A_874] in [0] : vector<16xf32>, vector<16xi32> -> vector<16xf32>
    %add3A_876 = arith.addf %parallel_loop3A_86#13, %gather3A_875 : vector<16xf32>
    %xor3A_877 = arith.constant 4 : i32
    %xor3A_878 = vector.broadcast %xor3A_877 : i32 to vector<16xi32>
    %xor3A_879 = arith.xori %iota3A, %xor3A_878 : vector<16xi32>
    %lt3A_880 = arith.constant 0 : i32
    %lt3A_881 = vector.broadcast %lt3A_880 : i32 to vector<16xi32>
    %lt3A_882 = arith.cmpi slt, %xor3A_879, %lt3A_881 : vector<16xi32>
    %add3A_883 = arith.constant 16 : i32
    %add3A_884 = vector.broadcast %add3A_883 : i32 to vector<16xi32>
    %add3A_885 = arith.addi %xor3A_879, %add3A_884 : vector<16xi32>
    %select_n3A_886 = arith.select %lt3A_882, %add3A_885, %xor3A_879 : vector<16xi1>, vector<16xi32>
    %broadcast_in_dim3A_887 = vector.shape_cast %select_n3A_886 : vector<16xi32> to vector<16x1xi32>
    %gather3A_888 = vector.shape_cast %broadcast_in_dim3A_887 : vector<16x1xi32> to vector<16xi32>
    %gather3A_889 = tpu.dynamic_gather %add3A_876[%gather3A_888] in [0] : vector<16xf32>, vector<16xi32> -> vector<16xf32>
    %add3A_890 = arith.addf %add3A_876, %gather3A_889 : vector<16xf32>
    %xor3A_891 = arith.constant 2 : i32
    %xor3A_892 = vector.broadcast %xor3A_891 : i32 to vector<16xi32>
    %xor3A_893 = arith.xori %iota3A, %xor3A_892 : vector<16xi32>
    %lt3A_894 = arith.constant 0 : i32
    %lt3A_895 = vector.broadcast %lt3A_894 : i32 to vector<16xi32>
    %lt3A_896 = arith.cmpi slt, %xor3A_893, %lt3A_895 : vector<16xi32>
    %add3A_897 = arith.constant 16 : i32
    %add3A_898 = vector.broadcast %add3A_897 : i32 to vector<16xi32>
    %add3A_899 = arith.addi %xor3A_893, %add3A_898 : vector<16xi32>
    %select_n3A_900 = arith.select %lt3A_896, %add3A_899, %xor3A_893 : vector<16xi1>, vector<16xi32>
    %broadcast_in_dim3A_901 = vector.shape_cast %select_n3A_900 : vector<16xi32> to vector<16x1xi32>
    %gather3A_902 = vector.shape_cast %broadcast_in_dim3A_901 : vector<16x1xi32> to vector<16xi32>
    %gather3A_903 = tpu.dynamic_gather %add3A_890[%gather3A_902] in [0] : vector<16xf32>, vector<16xi32> -> vector<16xf32>
    %add3A_904 = arith.addf %add3A_890, %gather3A_903 : vector<16xf32>
    %xor3A_905 = arith.constant 1 : i32
    %xor3A_906 = vector.broadcast %xor3A_905 : i32 to vector<16xi32>
    %xor3A_907 = arith.xori %iota3A, %xor3A_906 : vector<16xi32>
    %lt3A_908 = arith.constant 0 : i32
    %lt3A_909 = vector.broadcast %lt3A_908 : i32 to vector<16xi32>
    %lt3A_910 = arith.cmpi slt, %xor3A_907, %lt3A_909 : vector<16xi32>
    %add3A_911 = arith.constant 16 : i32
    %add3A_912 = vector.broadcast %add3A_911 : i32 to vector<16xi32>
    %add3A_913 = arith.addi %xor3A_907, %add3A_912 : vector<16xi32>
    %select_n3A_914 = arith.select %lt3A_910, %add3A_913, %xor3A_907 : vector<16xi1>, vector<16xi32>
    %broadcast_in_dim3A_915 = vector.shape_cast %select_n3A_914 : vector<16xi32> to vector<16x1xi32>
    %gather3A_916 = vector.shape_cast %broadcast_in_dim3A_915 : vector<16x1xi32> to vector<16xi32>
    %gather3A_917 = tpu.dynamic_gather %add3A_904[%gather3A_916] in [0] : vector<16xf32>, vector<16xi32> -> vector<16xf32>
    %add3A_918 = arith.addf %add3A_904, %gather3A_917 : vector<16xf32>
    %eq3A_919 = arith.constant 13 : i32
    %eq3A_920 = vector.broadcast %eq3A_919 : i32 to vector<16xi32>
    %eq3A_921 = arith.cmpi eq, %iota3A, %eq3A_920 : vector<16xi32>
    %select_n3A_922 = arith.select %eq3A_921, %add3A_918, %select_n3A_862 : vector<16xi1>, vector<16xf32>
    %xor3A_923 = arith.constant 8 : i32
    %xor3A_924 = vector.broadcast %xor3A_923 : i32 to vector<16xi32>
    %xor3A_925 = arith.xori %iota3A, %xor3A_924 : vector<16xi32>
    %lt3A_926 = arith.constant 0 : i32
    %lt3A_927 = vector.broadcast %lt3A_926 : i32 to vector<16xi32>
    %lt3A_928 = arith.cmpi slt, %xor3A_925, %lt3A_927 : vector<16xi32>
    %add3A_929 = arith.constant 16 : i32
    %add3A_930 = vector.broadcast %add3A_929 : i32 to vector<16xi32>
    %add3A_931 = arith.addi %xor3A_925, %add3A_930 : vector<16xi32>
    %select_n3A_932 = arith.select %lt3A_928, %add3A_931, %xor3A_925 : vector<16xi1>, vector<16xi32>
    %broadcast_in_dim3A_933 = vector.shape_cast %select_n3A_932 : vector<16xi32> to vector<16x1xi32>
    %gather3A_934 = vector.shape_cast %broadcast_in_dim3A_933 : vector<16x1xi32> to vector<16xi32>
    %gather3A_935 = tpu.dynamic_gather %parallel_loop3A_86#14[%gather3A_934] in [0] : vector<16xf32>, vector<16xi32> -> vector<16xf32>
    %add3A_936 = arith.addf %parallel_loop3A_86#14, %gather3A_935 : vector<16xf32>
    %xor3A_937 = arith.constant 4 : i32
    %xor3A_938 = vector.broadcast %xor3A_937 : i32 to vector<16xi32>
    %xor3A_939 = arith.xori %iota3A, %xor3A_938 : vector<16xi32>
    %lt3A_940 = arith.constant 0 : i32
    %lt3A_941 = vector.broadcast %lt3A_940 : i32 to vector<16xi32>
    %lt3A_942 = arith.cmpi slt, %xor3A_939, %lt3A_941 : vector<16xi32>
    %add3A_943 = arith.constant 16 : i32
    %add3A_944 = vector.broadcast %add3A_943 : i32 to vector<16xi32>
    %add3A_945 = arith.addi %xor3A_939, %add3A_944 : vector<16xi32>
    %select_n3A_946 = arith.select %lt3A_942, %add3A_945, %xor3A_939 : vector<16xi1>, vector<16xi32>
    %broadcast_in_dim3A_947 = vector.shape_cast %select_n3A_946 : vector<16xi32> to vector<16x1xi32>
    %gather3A_948 = vector.shape_cast %broadcast_in_dim3A_947 : vector<16x1xi32> to vector<16xi32>
    %gather3A_949 = tpu.dynamic_gather %add3A_936[%gather3A_948] in [0] : vector<16xf32>, vector<16xi32> -> vector<16xf32>
    %add3A_950 = arith.addf %add3A_936, %gather3A_949 : vector<16xf32>
    %xor3A_951 = arith.constant 2 : i32
    %xor3A_952 = vector.broadcast %xor3A_951 : i32 to vector<16xi32>
    %xor3A_953 = arith.xori %iota3A, %xor3A_952 : vector<16xi32>
    %lt3A_954 = arith.constant 0 : i32
    %lt3A_955 = vector.broadcast %lt3A_954 : i32 to vector<16xi32>
    %lt3A_956 = arith.cmpi slt, %xor3A_953, %lt3A_955 : vector<16xi32>
    %add3A_957 = arith.constant 16 : i32
    %add3A_958 = vector.broadcast %add3A_957 : i32 to vector<16xi32>
    %add3A_959 = arith.addi %xor3A_953, %add3A_958 : vector<16xi32>
    %select_n3A_960 = arith.select %lt3A_956, %add3A_959, %xor3A_953 : vector<16xi1>, vector<16xi32>
    %broadcast_in_dim3A_961 = vector.shape_cast %select_n3A_960 : vector<16xi32> to vector<16x1xi32>
    %gather3A_962 = vector.shape_cast %broadcast_in_dim3A_961 : vector<16x1xi32> to vector<16xi32>
    %gather3A_963 = tpu.dynamic_gather %add3A_950[%gather3A_962] in [0] : vector<16xf32>, vector<16xi32> -> vector<16xf32>
    %add3A_964 = arith.addf %add3A_950, %gather3A_963 : vector<16xf32>
    %xor3A_965 = arith.constant 1 : i32
    %xor3A_966 = vector.broadcast %xor3A_965 : i32 to vector<16xi32>
    %xor3A_967 = arith.xori %iota3A, %xor3A_966 : vector<16xi32>
    %lt3A_968 = arith.constant 0 : i32
    %lt3A_969 = vector.broadcast %lt3A_968 : i32 to vector<16xi32>
    %lt3A_970 = arith.cmpi slt, %xor3A_967, %lt3A_969 : vector<16xi32>
    %add3A_971 = arith.constant 16 : i32
    %add3A_972 = vector.broadcast %add3A_971 : i32 to vector<16xi32>
    %add3A_973 = arith.addi %xor3A_967, %add3A_972 : vector<16xi32>
    %select_n3A_974 = arith.select %lt3A_970, %add3A_973, %xor3A_967 : vector<16xi1>, vector<16xi32>
    %broadcast_in_dim3A_975 = vector.shape_cast %select_n3A_974 : vector<16xi32> to vector<16x1xi32>
    %gather3A_976 = vector.shape_cast %broadcast_in_dim3A_975 : vector<16x1xi32> to vector<16xi32>
    %gather3A_977 = tpu.dynamic_gather %add3A_964[%gather3A_976] in [0] : vector<16xf32>, vector<16xi32> -> vector<16xf32>
    %add3A_978 = arith.addf %add3A_964, %gather3A_977 : vector<16xf32>
    %eq3A_979 = arith.constant 14 : i32
    %eq3A_980 = vector.broadcast %eq3A_979 : i32 to vector<16xi32>
    %eq3A_981 = arith.cmpi eq, %iota3A, %eq3A_980 : vector<16xi32>
    %select_n3A_982 = arith.select %eq3A_981, %add3A_978, %select_n3A_922 : vector<16xi1>, vector<16xf32>
    %xor3A_983 = arith.constant 8 : i32
    %xor3A_984 = vector.broadcast %xor3A_983 : i32 to vector<16xi32>
    %xor3A_985 = arith.xori %iota3A, %xor3A_984 : vector<16xi32>
    %lt3A_986 = arith.constant 0 : i32
    %lt3A_987 = vector.broadcast %lt3A_986 : i32 to vector<16xi32>
    %lt3A_988 = arith.cmpi slt, %xor3A_985, %lt3A_987 : vector<16xi32>
    %add3A_989 = arith.constant 16 : i32
    %add3A_990 = vector.broadcast %add3A_989 : i32 to vector<16xi32>
    %add3A_991 = arith.addi %xor3A_985, %add3A_990 : vector<16xi32>
    %select_n3A_992 = arith.select %lt3A_988, %add3A_991, %xor3A_985 : vector<16xi1>, vector<16xi32>
    %broadcast_in_dim3A_993 = vector.shape_cast %select_n3A_992 : vector<16xi32> to vector<16x1xi32>
    %gather3A_994 = vector.shape_cast %broadcast_in_dim3A_993 : vector<16x1xi32> to vector<16xi32>
    %gather3A_995 = tpu.dynamic_gather %parallel_loop3A_86#15[%gather3A_994] in [0] : vector<16xf32>, vector<16xi32> -> vector<16xf32>
    %add3A_996 = arith.addf %parallel_loop3A_86#15, %gather3A_995 : vector<16xf32>
    %xor3A_997 = arith.constant 4 : i32
    %xor3A_998 = vector.broadcast %xor3A_997 : i32 to vector<16xi32>
    %xor3A_999 = arith.xori %iota3A, %xor3A_998 : vector<16xi32>
    %lt3A_1000 = arith.constant 0 : i32
    %lt3A_1001 = vector.broadcast %lt3A_1000 : i32 to vector<16xi32>
    %lt3A_1002 = arith.cmpi slt, %xor3A_999, %lt3A_1001 : vector<16xi32>
    %add3A_1003 = arith.constant 16 : i32
    %add3A_1004 = vector.broadcast %add3A_1003 : i32 to vector<16xi32>
    %add3A_1005 = arith.addi %xor3A_999, %add3A_1004 : vector<16xi32>
    %select_n3A_1006 = arith.select %lt3A_1002, %add3A_1005, %xor3A_999 : vector<16xi1>, vector<16xi32>
    %broadcast_in_dim3A_1007 = vector.shape_cast %select_n3A_1006 : vector<16xi32> to vector<16x1xi32>
    %gather3A_1008 = vector.shape_cast %broadcast_in_dim3A_1007 : vector<16x1xi32> to vector<16xi32>
    %gather3A_1009 = tpu.dynamic_gather %add3A_996[%gather3A_1008] in [0] : vector<16xf32>, vector<16xi32> -> vector<16xf32>
    %add3A_1010 = arith.addf %add3A_996, %gather3A_1009 : vector<16xf32>
    %xor3A_1011 = arith.constant 2 : i32
    %xor3A_1012 = vector.broadcast %xor3A_1011 : i32 to vector<16xi32>
    %xor3A_1013 = arith.xori %iota3A, %xor3A_1012 : vector<16xi32>
    %lt3A_1014 = arith.constant 0 : i32
    %lt3A_1015 = vector.broadcast %lt3A_1014 : i32 to vector<16xi32>
    %lt3A_1016 = arith.cmpi slt, %xor3A_1013, %lt3A_1015 : vector<16xi32>
    %add3A_1017 = arith.constant 16 : i32
    %add3A_1018 = vector.broadcast %add3A_1017 : i32 to vector<16xi32>
    %add3A_1019 = arith.addi %xor3A_1013, %add3A_1018 : vector<16xi32>
    %select_n3A_1020 = arith.select %lt3A_1016, %add3A_1019, %xor3A_1013 : vector<16xi1>, vector<16xi32>
    %broadcast_in_dim3A_1021 = vector.shape_cast %select_n3A_1020 : vector<16xi32> to vector<16x1xi32>
    %gather3A_1022 = vector.shape_cast %broadcast_in_dim3A_1021 : vector<16x1xi32> to vector<16xi32>
    %gather3A_1023 = tpu.dynamic_gather %add3A_1010[%gather3A_1022] in [0] : vector<16xf32>, vector<16xi32> -> vector<16xf32>
    %add3A_1024 = arith.addf %add3A_1010, %gather3A_1023 : vector<16xf32>
    %xor3A_1025 = arith.constant 1 : i32
    %xor3A_1026 = vector.broadcast %xor3A_1025 : i32 to vector<16xi32>
    %xor3A_1027 = arith.xori %iota3A, %xor3A_1026 : vector<16xi32>
    %lt3A_1028 = arith.constant 0 : i32
    %lt3A_1029 = vector.broadcast %lt3A_1028 : i32 to vector<16xi32>
    %lt3A_1030 = arith.cmpi slt, %xor3A_1027, %lt3A_1029 : vector<16xi32>
    %add3A_1031 = arith.constant 16 : i32
    %add3A_1032 = vector.broadcast %add3A_1031 : i32 to vector<16xi32>
    %add3A_1033 = arith.addi %xor3A_1027, %add3A_1032 : vector<16xi32>
    %select_n3A_1034 = arith.select %lt3A_1030, %add3A_1033, %xor3A_1027 : vector<16xi1>, vector<16xi32>
    %broadcast_in_dim3A_1035 = vector.shape_cast %select_n3A_1034 : vector<16xi32> to vector<16x1xi32>
    %gather3A_1036 = vector.shape_cast %broadcast_in_dim3A_1035 : vector<16x1xi32> to vector<16xi32>
    %gather3A_1037 = tpu.dynamic_gather %add3A_1024[%gather3A_1036] in [0] : vector<16xf32>, vector<16xi32> -> vector<16xf32>
    %add3A_1038 = arith.addf %add3A_1024, %gather3A_1037 : vector<16xf32>
    %eq3A_1039 = arith.constant 15 : i32
    %eq3A_1040 = vector.broadcast %eq3A_1039 : i32 to vector<16xi32>
    %eq3A_1041 = arith.cmpi eq, %iota3A, %eq3A_1040 : vector<16xi32>
    %select_n3A_1042 = arith.select %eq3A_1041, %add3A_1038, %select_n3A_982 : vector<16xi1>, vector<16xf32>
    %swap3A = arith.constant 0 : index
    %swap3A_1043 = tpu.vector_load %arg12[%swap3A] {strides = array<i32>} : memref<16xf32, #tpu.memory_space<vmem>>, vector<16xf32>,
    %swap3A_1044 = vector.shape_cast %swap3A_1043 : vector<16xf32> to vector<16xf32>
    %swap3A_1045 = vector.shape_cast %select_n3A_1042 : vector<16xf32> to vector<16xf32>
    tpu.vector_store %arg12[%swap3A], %swap3A_1045 {strides = array<i32>} : memref<16xf32, #tpu.memory_space<vmem>>, vector<16xf32>,
    "tpu.region"() ({
      %run_scoped3A = tpu.sem_alloc : memref<!tpu.dma_semaphore, #tpu.memory_space<semaphore_mem>>
      %dma_start3A = arith.constant 0 : i32
      %dma_start3A_1049 = tpu.memref_slice %arg4[%dma_start3A, %mul3A_0] : memref<2x8192xi32, #tpu.memory_space<hbm>> -> memref<2x512xi32, #tpu.memory_space<hbm>>
      %dma_start3A_1050 = arith.constant 0 : i32
      %dma_start3A_1051 = tpu.memref_slice %arg4[%dma_start3A_1050, %mul3A_0] : memref<2x8192xi32, #tpu.memory_space<hbm>> -> memref<2x512xi32, #tpu.memory_space<hbm>>
      tpu.enqueue_dma source(%arg10 : memref<2x512xi32, #tpu.memory_space<vmem>>) target(%dma_start3A_1051 : memref<2x512xi32, #tpu.memory_space<hbm>>) target_semaphore(%run_scoped3A : memref<!tpu.dma_semaphore, #tpu.memory_space<semaphore_mem>>)
      %dma_wait3A = arith.constant 0 : i32
      %dma_wait3A_1052 = tpu.memref_slice %arg4[%dma_wait3A, %mul3A_0] : memref<2x8192xi32, #tpu.memory_space<hbm>> -> memref<2x512xi32, #tpu.memory_space<hbm>>
      %dma_wait3A_1053 = arith.constant 0 : i32
      %dma_wait3A_1054 = tpu.memref_slice %arg4[%dma_wait3A_1053, %mul3A_0] : memref<2x8192xi32, #tpu.memory_space<hbm>> -> memref<2x512xi32, #tpu.memory_space<hbm>>
      tpu.wait_dma2 semaphore(%run_scoped3A : memref<!tpu.dma_semaphore, #tpu.memory_space<semaphore_mem>>) src(%arg10 : memref<2x512xi32, #tpu.memory_space<vmem>>) dst(%dma_wait3A_1054 : memref<2x512xi32, #tpu.memory_space<hbm>>)
      tpu.yield
    }) : () -> ()
    "tpu.region"() ({
      %run_scoped3A = tpu.sem_alloc : memref<!tpu.dma_semaphore, #tpu.memory_space<semaphore_mem>>
      %dma_start3A = arith.constant 0 : i32
      %dma_start3A_1049 = tpu.memref_slice %arg5[%dma_start3A, %mul3A_0] : memref<2x8192xf32, #tpu.memory_space<hbm>> -> memref<2x512xf32, #tpu.memory_space<hbm>>
      %dma_start3A_1050 = arith.constant 0 : i32
      %dma_start3A_1051 = tpu.memref_slice %arg5[%dma_start3A_1050, %mul3A_0] : memref<2x8192xf32, #tpu.memory_space<hbm>> -> memref<2x512xf32, #tpu.memory_space<hbm>>
      tpu.enqueue_dma source(%arg11 : memref<2x512xf32, #tpu.memory_space<vmem>>) target(%dma_start3A_1051 : memref<2x512xf32, #tpu.memory_space<hbm>>) target_semaphore(%run_scoped3A : memref<!tpu.dma_semaphore, #tpu.memory_space<semaphore_mem>>)
      %dma_wait3A = arith.constant 0 : i32
      %dma_wait3A_1052 = tpu.memref_slice %arg5[%dma_wait3A, %mul3A_0] : memref<2x8192xf32, #tpu.memory_space<hbm>> -> memref<2x512xf32, #tpu.memory_space<hbm>>
      %dma_wait3A_1053 = arith.constant 0 : i32
      %dma_wait3A_1054 = tpu.memref_slice %arg5[%dma_wait3A_1053, %mul3A_0] : memref<2x8192xf32, #tpu.memory_space<hbm>> -> memref<2x512xf32, #tpu.memory_space<hbm>>
      tpu.wait_dma2 semaphore(%run_scoped3A : memref<!tpu.dma_semaphore, #tpu.memory_space<semaphore_mem>>) src(%arg11 : memref<2x512xf32, #tpu.memory_space<vmem>>) dst(%dma_wait3A_1054 : memref<2x512xf32, #tpu.memory_space<hbm>>)
      tpu.yield
    }) : () -> ()
    "tpu.region"() ({
      %run_scoped3A = tpu.sem_alloc : memref<!tpu.dma_semaphore, #tpu.memory_space<semaphore_mem>>
      %dma_start3A = arith.constant 0 : i32
      %dma_start3A_1049 = tpu.memref_slice %arg7[%arg1, %dma_start3A] : memref<16x16xf32, #tpu.memory_space<hbm>> -> memref<1x16xf32, #tpu.memory_space<hbm>>
      %dma_start3A_1050 = tpu.memref_squeeze %dma_start3A_1049 : memref<1x16xf32, #tpu.memory_space<hbm>> -> memref<16xf32, #tpu.memory_space<hbm>>
      %dma_start3A_1051 = arith.constant 0 : i32
      %dma_start3A_1052 = tpu.memref_slice %arg7[%arg1, %dma_start3A_1051] : memref<16x16xf32, #tpu.memory_space<hbm>> -> memref<1x16xf32, #tpu.memory_space<hbm>>
      %dma_start3A_1053 = tpu.memref_squeeze %dma_start3A_1052 : memref<1x16xf32, #tpu.memory_space<hbm>> -> memref<16xf32, #tpu.memory_space<hbm>>
      tpu.enqueue_dma source(%arg12 : memref<16xf32, #tpu.memory_space<vmem>>) target(%dma_start3A_1053 : memref<16xf32, #tpu.memory_space<hbm>>) target_semaphore(%run_scoped3A : memref<!tpu.dma_semaphore, #tpu.memory_space<semaphore_mem>>)
      %dma_wait3A = arith.constant 0 : i32
      %dma_wait3A_1054 = tpu.memref_slice %arg7[%arg1, %dma_wait3A] : memref<16x16xf32, #tpu.memory_space<hbm>> -> memref<1x16xf32, #tpu.memory_space<hbm>>
      %dma_wait3A_1055 = tpu.memref_squeeze %dma_wait3A_1054 : memref<1x16xf32, #tpu.memory_space<hbm>> -> memref<16xf32, #tpu.memory_space<hbm>>
      %dma_wait3A_1056 = arith.constant 0 : i32
      %dma_wait3A_1057 = tpu.memref_slice %arg7[%arg1, %dma_wait3A_1056] : memref<16x16xf32, #tpu.memory_space<hbm>> -> memref<1x16xf32, #tpu.memory_space<hbm>>
      %dma_wait3A_1058 = tpu.memref_squeeze %dma_wait3A_1057 : memref<1x16xf32, #tpu.memory_space<hbm>> -> memref<16xf32, #tpu.memory_space<hbm>>
      tpu.wait_dma2 semaphore(%run_scoped3A : memref<!tpu.dma_semaphore, #tpu.memory_space<semaphore_mem>>) src(%arg12 : memref<16xf32, #tpu.memory_space<vmem>>) dst(%dma_wait3A_1058 : memref<16xf32, #tpu.memory_space<hbm>>)
      tpu.yield
    }) : () -> ()
    %barrier3A = arith.constant 0 : index
    tpu.barrier barrier_id(%barrier3A)
    %eq3A_1046 = arith.constant 0 : i32
    %eq3A_1047 = arith.cmpi eq, %arg1, %eq3A_1046 : i32
    %convert_element_type3A = arith.extui %eq3A_1047 : i1 to i32
    %cond3A = arith.constant 0 : i32
    %cond3A_1048 = arith.cmpi ne, %convert_element_type3A, %cond3A : i32
    scf.if %cond3A_1048 {
      "tpu.region"() ({
        %run_scoped3A = tpu.sem_alloc : memref<!tpu.dma_semaphore, #tpu.memory_space<semaphore_mem>>
        tpu.enqueue_dma source(%arg7 : memref<16x16xf32, #tpu.memory_space<hbm>>) target(%arg13 : memref<16x16xf32, #tpu.memory_space<vmem>>) target_semaphore(%run_scoped3A : memref<!tpu.dma_semaphore, #tpu.memory_space<semaphore_mem>>)
        tpu.wait_dma2 semaphore(%run_scoped3A : memref<!tpu.dma_semaphore, #tpu.memory_space<semaphore_mem>>) src(%arg7 : memref<16x16xf32, #tpu.memory_space<hbm>>) dst(%arg13 : memref<16x16xf32, #tpu.memory_space<vmem>>)
        tpu.yield
      }) : () -> ()
      %get3A_1049 = arith.constant 0 : i32
      %get3A_1050 = arith.index_cast %get3A_1049 : i32 to index
      %get3A_1051 = arith.constant 0 : index
      %get3A_1052 = tpu.vector_load %arg13[%get3A_1050, %get3A_1051] {strides = array<i32>} : memref<16x16xf32, #tpu.memory_space<vmem>>, vector<1x16xf32>,
      %get3A_1053 = vector.shape_cast %get3A_1052 : vector<1x16xf32> to vector<16xf32>
      %get3A_1054 = arith.constant 1 : i32
      %get3A_1055 = arith.index_cast %get3A_1054 : i32 to index
      %get3A_1056 = arith.constant 0 : index
      %get3A_1057 = tpu.vector_load %arg13[%get3A_1055, %get3A_1056] {strides = array<i32>} : memref<16x16xf32, #tpu.memory_space<vmem>>, vector<1x16xf32>,
      %get3A_1058 = vector.shape_cast %get3A_1057 : vector<1x16xf32> to vector<16xf32>
      %add3A_1059 = arith.addf %get3A_1053, %get3A_1058 : vector<16xf32>
      %get3A_1060 = arith.constant 2 : i32
      %get3A_1061 = arith.index_cast %get3A_1060 : i32 to index
      %get3A_1062 = arith.constant 0 : index
      %get3A_1063 = tpu.vector_load %arg13[%get3A_1061, %get3A_1062] {strides = array<i32>} : memref<16x16xf32, #tpu.memory_space<vmem>>, vector<1x16xf32>,
      %get3A_1064 = vector.shape_cast %get3A_1063 : vector<1x16xf32> to vector<16xf32>
      %add3A_1065 = arith.addf %add3A_1059, %get3A_1064 : vector<16xf32>
      %get3A_1066 = arith.constant 3 : i32
      %get3A_1067 = arith.index_cast %get3A_1066 : i32 to index
      %get3A_1068 = arith.constant 0 : index
      %get3A_1069 = tpu.vector_load %arg13[%get3A_1067, %get3A_1068] {strides = array<i32>} : memref<16x16xf32, #tpu.memory_space<vmem>>, vector<1x16xf32>,
      %get3A_1070 = vector.shape_cast %get3A_1069 : vector<1x16xf32> to vector<16xf32>
      %add3A_1071 = arith.addf %add3A_1065, %get3A_1070 : vector<16xf32>
      %get3A_1072 = arith.constant 4 : i32
      %get3A_1073 = arith.index_cast %get3A_1072 : i32 to index
      %get3A_1074 = arith.constant 0 : index
      %get3A_1075 = tpu.vector_load %arg13[%get3A_1073, %get3A_1074] {strides = array<i32>} : memref<16x16xf32, #tpu.memory_space<vmem>>, vector<1x16xf32>,
      %get3A_1076 = vector.shape_cast %get3A_1075 : vector<1x16xf32> to vector<16xf32>
      %add3A_1077 = arith.addf %add3A_1071, %get3A_1076 : vector<16xf32>
      %get3A_1078 = arith.constant 5 : i32
      %get3A_1079 = arith.index_cast %get3A_1078 : i32 to index
      %get3A_1080 = arith.constant 0 : index
      %get3A_1081 = tpu.vector_load %arg13[%get3A_1079, %get3A_1080] {strides = array<i32>} : memref<16x16xf32, #tpu.memory_space<vmem>>, vector<1x16xf32>,
      %get3A_1082 = vector.shape_cast %get3A_1081 : vector<1x16xf32> to vector<16xf32>
      %add3A_1083 = arith.addf %add3A_1077, %get3A_1082 : vector<16xf32>
      %get3A_1084 = arith.constant 6 : i32
      %get3A_1085 = arith.index_cast %get3A_1084 : i32 to index
      %get3A_1086 = arith.constant 0 : index
      %get3A_1087 = tpu.vector_load %arg13[%get3A_1085, %get3A_1086] {strides = array<i32>} : memref<16x16xf32, #tpu.memory_space<vmem>>, vector<1x16xf32>,
      %get3A_1088 = vector.shape_cast %get3A_1087 : vector<1x16xf32> to vector<16xf32>
      %add3A_1089 = arith.addf %add3A_1083, %get3A_1088 : vector<16xf32>
      %get3A_1090 = arith.constant 7 : i32
      %get3A_1091 = arith.index_cast %get3A_1090 : i32 to index
      %get3A_1092 = arith.constant 0 : index
      %get3A_1093 = tpu.vector_load %arg13[%get3A_1091, %get3A_1092] {strides = array<i32>} : memref<16x16xf32, #tpu.memory_space<vmem>>, vector<1x16xf32>,
      %get3A_1094 = vector.shape_cast %get3A_1093 : vector<1x16xf32> to vector<16xf32>
      %add3A_1095 = arith.addf %add3A_1089, %get3A_1094 : vector<16xf32>
      %get3A_1096 = arith.constant 8 : i32
      %get3A_1097 = arith.index_cast %get3A_1096 : i32 to index
      %get3A_1098 = arith.constant 0 : index
      %get3A_1099 = tpu.vector_load %arg13[%get3A_1097, %get3A_1098] {strides = array<i32>} : memref<16x16xf32, #tpu.memory_space<vmem>>, vector<1x16xf32>,
      %get3A_1100 = vector.shape_cast %get3A_1099 : vector<1x16xf32> to vector<16xf32>
      %add3A_1101 = arith.addf %add3A_1095, %get3A_1100 : vector<16xf32>
      %get3A_1102 = arith.constant 9 : i32
      %get3A_1103 = arith.index_cast %get3A_1102 : i32 to index
      %get3A_1104 = arith.constant 0 : index
      %get3A_1105 = tpu.vector_load %arg13[%get3A_1103, %get3A_1104] {strides = array<i32>} : memref<16x16xf32, #tpu.memory_space<vmem>>, vector<1x16xf32>,
      %get3A_1106 = vector.shape_cast %get3A_1105 : vector<1x16xf32> to vector<16xf32>
      %add3A_1107 = arith.addf %add3A_1101, %get3A_1106 : vector<16xf32>
      %get3A_1108 = arith.constant 10 : i32
      %get3A_1109 = arith.index_cast %get3A_1108 : i32 to index
      %get3A_1110 = arith.constant 0 : index
      %get3A_1111 = tpu.vector_load %arg13[%get3A_1109, %get3A_1110] {strides = array<i32>} : memref<16x16xf32, #tpu.memory_space<vmem>>, vector<1x16xf32>,
      %get3A_1112 = vector.shape_cast %get3A_1111 : vector<1x16xf32> to vector<16xf32>
      %add3A_1113 = arith.addf %add3A_1107, %get3A_1112 : vector<16xf32>
      %get3A_1114 = arith.constant 11 : i32
      %get3A_1115 = arith.index_cast %get3A_1114 : i32 to index
      %get3A_1116 = arith.constant 0 : index
      %get3A_1117 = tpu.vector_load %arg13[%get3A_1115, %get3A_1116] {strides = array<i32>} : memref<16x16xf32, #tpu.memory_space<vmem>>, vector<1x16xf32>,
      %get3A_1118 = vector.shape_cast %get3A_1117 : vector<1x16xf32> to vector<16xf32>
      %add3A_1119 = arith.addf %add3A_1113, %get3A_1118 : vector<16xf32>
      %get3A_1120 = arith.constant 12 : i32
      %get3A_1121 = arith.index_cast %get3A_1120 : i32 to index
      %get3A_1122 = arith.constant 0 : index
      %get3A_1123 = tpu.vector_load %arg13[%get3A_1121, %get3A_1122] {strides = array<i32>} : memref<16x16xf32, #tpu.memory_space<vmem>>, vector<1x16xf32>,
      %get3A_1124 = vector.shape_cast %get3A_1123 : vector<1x16xf32> to vector<16xf32>
      %add3A_1125 = arith.addf %add3A_1119, %get3A_1124 : vector<16xf32>
      %get3A_1126 = arith.constant 13 : i32
      %get3A_1127 = arith.index_cast %get3A_1126 : i32 to index
      %get3A_1128 = arith.constant 0 : index
      %get3A_1129 = tpu.vector_load %arg13[%get3A_1127, %get3A_1128] {strides = array<i32>} : memref<16x16xf32, #tpu.memory_space<vmem>>, vector<1x16xf32>,
      %get3A_1130 = vector.shape_cast %get3A_1129 : vector<1x16xf32> to vector<16xf32>
      %add3A_1131 = arith.addf %add3A_1125, %get3A_1130 : vector<16xf32>
      %get3A_1132 = arith.constant 14 : i32
      %get3A_1133 = arith.index_cast %get3A_1132 : i32 to index
      %get3A_1134 = arith.constant 0 : index
      %get3A_1135 = tpu.vector_load %arg13[%get3A_1133, %get3A_1134] {strides = array<i32>} : memref<16x16xf32, #tpu.memory_space<vmem>>, vector<1x16xf32>,
      %get3A_1136 = vector.shape_cast %get3A_1135 : vector<1x16xf32> to vector<16xf32>
      %add3A_1137 = arith.addf %add3A_1131, %get3A_1136 : vector<16xf32>
      %get3A_1138 = arith.constant 15 : i32
      %get3A_1139 = arith.index_cast %get3A_1138 : i32 to index
      %get3A_1140 = arith.constant 0 : index
      %get3A_1141 = tpu.vector_load %arg13[%get3A_1139, %get3A_1140] {strides = array<i32>} : memref<16x16xf32, #tpu.memory_space<vmem>>, vector<1x16xf32>,
      %get3A_1142 = vector.shape_cast %get3A_1141 : vector<1x16xf32> to vector<16xf32>
      %add3A_1143 = arith.addf %add3A_1137, %get3A_1142 : vector<16xf32>
      %mul3A_1144 = arith.constant 6.10351563E-5 : f32
      %mul3A_1145 = vector.broadcast %mul3A_1144 : f32 to vector<16xf32>
      %mul3A_1146 = arith.mulf %add3A_1143, %mul3A_1145 : vector<16xf32>
      %sub3A = arith.constant 6.250000e-02 : f32
      %sub3A_1147 = vector.broadcast %sub3A : f32 to vector<16xf32>
      %sub3A_1148 = arith.subf %mul3A_1146, %sub3A_1147 : vector<16xf32>
      %mul3A_1149 = arith.mulf %sub3A_1148, %sub3A_1148 : vector<16xf32>
      %xor3A_1150 = arith.constant 8 : i32
      %xor3A_1151 = vector.broadcast %xor3A_1150 : i32 to vector<16xi32>
      %xor3A_1152 = arith.xori %iota3A, %xor3A_1151 : vector<16xi32>
      %lt3A_1153 = arith.constant 0 : i32
      %lt3A_1154 = vector.broadcast %lt3A_1153 : i32 to vector<16xi32>
      %lt3A_1155 = arith.cmpi slt, %xor3A_1152, %lt3A_1154 : vector<16xi32>
      %add3A_1156 = arith.constant 16 : i32
      %add3A_1157 = vector.broadcast %add3A_1156 : i32 to vector<16xi32>
      %add3A_1158 = arith.addi %xor3A_1152, %add3A_1157 : vector<16xi32>
      %select_n3A_1159 = arith.select %lt3A_1155, %add3A_1158, %xor3A_1152 : vector<16xi1>, vector<16xi32>
      %broadcast_in_dim3A_1160 = vector.shape_cast %select_n3A_1159 : vector<16xi32> to vector<16x1xi32>
      %gather3A_1161 = vector.shape_cast %broadcast_in_dim3A_1160 : vector<16x1xi32> to vector<16xi32>
      %gather3A_1162 = tpu.dynamic_gather %mul3A_1149[%gather3A_1161] in [0] : vector<16xf32>, vector<16xi32> -> vector<16xf32>
      %add3A_1163 = arith.addf %mul3A_1149, %gather3A_1162 : vector<16xf32>
      %xor3A_1164 = arith.constant 4 : i32
      %xor3A_1165 = vector.broadcast %xor3A_1164 : i32 to vector<16xi32>
      %xor3A_1166 = arith.xori %iota3A, %xor3A_1165 : vector<16xi32>
      %lt3A_1167 = arith.constant 0 : i32
      %lt3A_1168 = vector.broadcast %lt3A_1167 : i32 to vector<16xi32>
      %lt3A_1169 = arith.cmpi slt, %xor3A_1166, %lt3A_1168 : vector<16xi32>
      %add3A_1170 = arith.constant 16 : i32
      %add3A_1171 = vector.broadcast %add3A_1170 : i32 to vector<16xi32>
      %add3A_1172 = arith.addi %xor3A_1166, %add3A_1171 : vector<16xi32>
      %select_n3A_1173 = arith.select %lt3A_1169, %add3A_1172, %xor3A_1166 : vector<16xi1>, vector<16xi32>
      %broadcast_in_dim3A_1174 = vector.shape_cast %select_n3A_1173 : vector<16xi32> to vector<16x1xi32>
      %gather3A_1175 = vector.shape_cast %broadcast_in_dim3A_1174 : vector<16x1xi32> to vector<16xi32>
      %gather3A_1176 = tpu.dynamic_gather %add3A_1163[%gather3A_1175] in [0] : vector<16xf32>, vector<16xi32> -> vector<16xf32>
      %add3A_1177 = arith.addf %add3A_1163, %gather3A_1176 : vector<16xf32>
      %xor3A_1178 = arith.constant 2 : i32
      %xor3A_1179 = vector.broadcast %xor3A_1178 : i32 to vector<16xi32>
      %xor3A_1180 = arith.xori %iota3A, %xor3A_1179 : vector<16xi32>
      %lt3A_1181 = arith.constant 0 : i32
      %lt3A_1182 = vector.broadcast %lt3A_1181 : i32 to vector<16xi32>
      %lt3A_1183 = arith.cmpi slt, %xor3A_1180, %lt3A_1182 : vector<16xi32>
      %add3A_1184 = arith.constant 16 : i32
      %add3A_1185 = vector.broadcast %add3A_1184 : i32 to vector<16xi32>
      %add3A_1186 = arith.addi %xor3A_1180, %add3A_1185 : vector<16xi32>
      %select_n3A_1187 = arith.select %lt3A_1183, %add3A_1186, %xor3A_1180 : vector<16xi1>, vector<16xi32>
      %broadcast_in_dim3A_1188 = vector.shape_cast %select_n3A_1187 : vector<16xi32> to vector<16x1xi32>
      %gather3A_1189 = vector.shape_cast %broadcast_in_dim3A_1188 : vector<16x1xi32> to vector<16xi32>
      %gather3A_1190 = tpu.dynamic_gather %add3A_1177[%gather3A_1189] in [0] : vector<16xf32>, vector<16xi32> -> vector<16xf32>
      %add3A_1191 = arith.addf %add3A_1177, %gather3A_1190 : vector<16xf32>
      %xor3A_1192 = arith.constant 1 : i32
      %xor3A_1193 = vector.broadcast %xor3A_1192 : i32 to vector<16xi32>
      %xor3A_1194 = arith.xori %iota3A, %xor3A_1193 : vector<16xi32>
      %lt3A_1195 = arith.constant 0 : i32
      %lt3A_1196 = vector.broadcast %lt3A_1195 : i32 to vector<16xi32>
      %lt3A_1197 = arith.cmpi slt, %xor3A_1194, %lt3A_1196 : vector<16xi32>
      %add3A_1198 = arith.constant 16 : i32
      %add3A_1199 = vector.broadcast %add3A_1198 : i32 to vector<16xi32>
      %add3A_1200 = arith.addi %xor3A_1194, %add3A_1199 : vector<16xi32>
      %select_n3A_1201 = arith.select %lt3A_1197, %add3A_1200, %xor3A_1194 : vector<16xi1>, vector<16xi32>
      %broadcast_in_dim3A_1202 = vector.shape_cast %select_n3A_1201 : vector<16xi32> to vector<16x1xi32>
      %gather3A_1203 = vector.shape_cast %broadcast_in_dim3A_1202 : vector<16x1xi32> to vector<16xi32>
      %gather3A_1204 = tpu.dynamic_gather %add3A_1191[%gather3A_1203] in [0] : vector<16xf32>, vector<16xi32> -> vector<16xf32>
      %add3A_1205 = arith.addf %add3A_1191, %gather3A_1204 : vector<16xf32>
      %eq3A_1206 = arith.constant 0 : i32
      %eq3A_1207 = vector.broadcast %eq3A_1206 : i32 to vector<16xi32>
      %eq3A_1208 = arith.cmpi eq, %iota3A, %eq3A_1207 : vector<16xi32>
      %select_n3A_1209 = arith.select %eq3A_1208, %add3A_1205, %broadcast_in_dim3A_3 : vector<16xi1>, vector<16xf32>
      %swap3A_1210 = arith.constant 0 : index
      %swap3A_1211 = tpu.vector_load %arg14[%swap3A_1210] {strides = array<i32>} : memref<16xf32, #tpu.memory_space<vmem>>, vector<16xf32>,
      %swap3A_1212 = vector.shape_cast %swap3A_1211 : vector<16xf32> to vector<16xf32>
      %swap3A_1213 = vector.shape_cast %select_n3A_1209 : vector<16xf32> to vector<16xf32>
      tpu.vector_store %arg14[%swap3A_1210], %swap3A_1213 {strides = array<i32>} : memref<16xf32, #tpu.memory_space<vmem>>, vector<16xf32>,
      "tpu.region"() ({
        %run_scoped3A = tpu.sem_alloc : memref<!tpu.dma_semaphore, #tpu.memory_space<semaphore_mem>>
        tpu.enqueue_dma source(%arg14 : memref<16xf32, #tpu.memory_space<vmem>>) target(%arg6 : memref<16xf32, #tpu.memory_space<hbm>>) target_semaphore(%run_scoped3A : memref<!tpu.dma_semaphore, #tpu.memory_space<semaphore_mem>>)
        tpu.wait_dma2 semaphore(%run_scoped3A : memref<!tpu.dma_semaphore, #tpu.memory_space<semaphore_mem>>) src(%arg14 : memref<16xf32, #tpu.memory_space<vmem>>) dst(%arg6 : memref<16xf32, #tpu.memory_space<hbm>>)
        tpu.yield
      }) : () -> ()
    } else {
    }
    return
  }
}

module attributes {stable_mosaic.version = 14 : i64} {
  func.func @_logits_kernel(%arg0: i32, %arg1: memref<1024x2048xf32, #tpu.memory_space<vmem>>, %arg2: memref<16x2048xf32, #tpu.memory_space<vmem>>, %arg3: memref<16x1024xf32, #tpu.memory_space<vmem>>) attributes {dimension_semantics = [#tpu.dimension_semantics<arbitrary>], iteration_bounds = array<i64: 8>, scalar_prefetch = 0 : i64, scratch_operands = 0 : i64, tpu.core_type = #tpu.core_type<tc>, window_params = [{transform_indices = @transform_0, window_bounds = array<i64: 1024, 2048>}, {pipeline_mode = #tpu.pipeline_mode<synchronous>, transform_indices = @transform_1, window_bounds = array<i64: 16, 2048>}, {transform_indices = @transform_2, window_bounds = array<i64: 16, 1024>}]} {
    %get3A = arith.constant 0 : index
    %get3A_0 = arith.constant 0 : index
    %get3A_1 = vector.load %arg2[%get3A, %get3A_0] : memref<16x2048xf32, #tpu.memory_space<vmem>>, vector<16x2048xf32>
    %get3A_2 = arith.constant 0 : index
    %get3A_3 = arith.constant 0 : index
    %get3A_4 = vector.load %arg1[%get3A_2, %get3A_3] : memref<1024x2048xf32, #tpu.memory_space<vmem>>, vector<1024x2048xf32>
    %dot_general3A = arith.constant dense<0.000000e+00> : vector<16x1024xf32>
    %dot_general3A_5 = tpu.matmul %get3A_1, %get3A_4, %dot_general3A {dimension_numbers = #tpu.dot_dimension_numbers<[1], [1], [0], [0], [0, 0, 1, 0], [], []>, transpose_lhs_hint = false} : vector<16x2048xf32>, vector<1024x2048xf32>, vector<16x1024xf32> -> vector<16x1024xf32>
    %swap3A = arith.constant 0 : index
    %swap3A_6 = arith.constant 0 : index
    %swap3A_7 = vector.load %arg3[%swap3A, %swap3A_6] : memref<16x1024xf32, #tpu.memory_space<vmem>>, vector<16x1024xf32>
    tpu.vector_store %arg3[%swap3A, %swap3A_6], %dot_general3A_5 {strides = array<i32>} : memref<16x1024xf32, #tpu.memory_space<vmem>>, vector<16x1024xf32>,
    return
  }
  func.func @transform_0(%arg0: i32) -> (i32, i32) {
    %c0_i32 = arith.constant 0 : i32
    %c0_i32_0 = arith.constant 0 : i32
    return %arg0, %c0_i32 : i32, i32
  }
  func.func @transform_1(%arg0: i32) -> (i32, i32) {
    %c0_i32 = arith.constant 0 : i32
    %c0_i32_0 = arith.constant 0 : i32
    %c0_i32_1 = arith.constant 0 : i32
    return %c0_i32, %c0_i32_0 : i32, i32
  }
  func.func @transform_2(%arg0: i32) -> (i32, i32) {
    %c0_i32 = arith.constant 0 : i32
    %c0_i32_0 = arith.constant 0 : i32
    return %c0_i32, %arg0 : i32, i32
  }
}

</mosaic_0001>

<sc_bundles>
// kernel: kernel.4.cloned.1.call-start
scs
__scs_entry_jumppad:
0x0: {  	(pc) =	sbr.rel $0x88, $3  }
0x1: {  	(tag) =	ssettag $0x0;
	lr =	simm.s32 $0x1  }
0x2: {  	[smem:$0x3F9E] =	sst lr;
	_ =	strace $0xD0000000  }
0x3: {  	_ = 	snop  }
0x4: {  	_ = 	snop  }
0x5: {  	_ = 	snop  }
0x6: {  	_ = 	snop  }
0x7: {  	_ = 	snop  }
__scs_overlays_trampoline_lowered:
0x8: {  	[smem:$0x3FAD] =	sst s0  }
0x9: {  	[smem:$0x3FAE] =	sst s1  }
0xa: {  	[smem:$0x3FAF] =	sst s2  }
0xb: {  	[smem:$0x3FB0] =	sst s3  }
0xc: {  	[smem:$0x3FB1] =	sst s4  }
0xd: {  	[smem:$0x3FB2] =	sst s5  }
0xe: {  	[smem:$0x3FB3] =	sst s6  }
0xf: {  	[smem:$0x3FB4] =	sst s7  }
0x10: {  	[smem:$0x3FB5] =	sst s8  }
0x11: {  	[smem:$0x3FB6] =	sst s9;
	s0 =	simm.s32 @!p0 $0x0  }
0x12: {  	s1 =	sld [smem:$0x3F9C];
	s0 =	simm.s32 @p0 $0x1  }
0x13: {  	[smem:$0x3FB7] =	sst s0;
	s0 =	simm.s32 @!p1 $0x0  }
0x14: {  	s2 =	sld [smem:$0x3F9B];
	s0 =	simm.s32 @p1 $0x1  }
0x15: {  	[smem:$0x3FB8] =	sst s0;
	s0 =	simm.s32 @!p2 $0x0  }
0x16: {  	s3 =	sld [smem:$0x3FDB];
	s0 =	simm.s32 @p2 $0x1  }
0x17: {  	s4 =	simm.s32 $0x1BF5;
	[smem:$0x3FBA] =	sst s0  }
0x18: {  	s0 =	sld [smem:$0x3F9D];
	_ =	swait.ge [sflag:s4], $0x0  }
0x19: {  	s7 =	sld [smem:$0x3F9E]  }
0x1a: {  	s8 =	sadd.s32 $0xFFFFE003, lr  }
0x1b: {  	s9 =	sadd.s32 $0xFFFFFEF7, lr;
	s5 =	simm.s32 $0xFFFFFFFF;
	p2 =	slt.u32 s8, $0xFFFFF086  }
0x1c: {  	p1 =	slt.u32 s9, $0xF7A;
	s5 =	simm.s32 @!p2 $0x0  }
0x1d: {  	s5 =	simm.s32 @p1 $0x1;
	p0 =	seq.s32 s7, s2  }
0x1e: {  	s7 =	smul.u32 @!p0 $0xF7A, s2;
	p2 =	seq.s32 @!p0 s5, $0x0  }
0x1f: {  	s9 =	smul.u32 $0xF7A, s1;
	s8 =	simm.s32 @!p0 $0x1BF5;
	p2 =	por !p2, p0  }
0x20: {  	[sflag:s8] =	ssyncset.s32 @!p0 $0xFFFFF086;
	s6 =	sadd.s32 @!p0 s3, s7;
	s7 =	simm.s32 @!p0 $0x108  }
0x21: {  	s3 =	sadd.s32 s3, s9;
	s6 =	sadd.s32 @!p0 $0x88, s6;
	s7 =	simm.s32 @p2 $0x1082  }
0x22: {  	[simem:s7], [sflag:s8] =	dma.local @!p0 [hbm:s6], $0xF7A  }
0x23: {  	s9 =	sor.u32 $0xD0000000, s2;
	s6 =	simm.s32 $0x108;
	_ =	swait.ge @!p0 [sflag:s8], $0x0  }
0x24: {  	s3 =	sadd.s32 $0x88, s3;
	s6 =	simm.s32 @!p1 $0x1082;
	[sflag:s4] =	ssyncset.s32 $0xFFFFF086  }
0x25: {  	[simem:s6], [sflag:s4] =	dma.local [hbm:s3], $0xF7A  }
0x26: {  	[smem:$0x3F9E] =	sst s1;
	(tag) =	ssettag s2;
	_ =	strace s9  }
0x27: {  	s1 =	sld [smem:$0x3FAE]  }
0x28: {  	s2 =	sld [smem:$0x3FAF]  }
0x29: {  	s4 =	sld [smem:$0x3FB1]  }
0x2a: {  	p0 =	seq.s32 s5, $0x0;
	s5 =	sld [smem:$0x3FB2]  }
0x2b: {  	s6 =	sld [smem:$0x3FB3]  }
0x2c: {  	s7 =	sld [smem:$0x3FB4]  }
0x2d: {  	s3 =	simm.s32 $0x108;
	s8 =	sld [smem:$0x3FB5]  }
0x2e: {  	s3 =	simm.s32 @!p0 $0x1082;
	s9 =	sld [smem:$0x3FB6]  }
0x2f: {  	lr =	sadd.s32 s0, s3;
	s0 =	sld [smem:$0x3FAD]  }
0x30: {  	s3 =	sld [smem:$0x3FB0]  }
0x31: {  	[smem:$0x3FB9] =	sst s10  }
0x32: {  	s10 =	sld [smem:$0x3FB7];
	_ =	sdelay $0x3  }
0x33: {  	p0 =	seq.s32 s10, $0x1;
	s10 =	sld [smem:$0x3FB9];
	_ =	sdelay $0x3  }
0x34: {  	[smem:$0x3FB9] =	sst s10  }
0x35: {  	s10 =	sld [smem:$0x3FB8];
	_ =	sdelay $0x3  }
0x36: {  	p1 =	seq.s32 s10, $0x1;
	s10 =	sld [smem:$0x3FB9];
	_ =	sdelay $0x3  }
0x37: {  	[smem:$0x3FB9] =	sst s10  }
0x38: {  	s10 =	sld [smem:$0x3FBA]  }
0x39: {  	_ = 	snop;
	(pc) =	sbr.ind lr, $3  }
0x3a: {  	_ = 	snop  }
0x3b: {  	_ = 	snop  }
0x3c: {  	p2 =	seq.s32 s10, $0x1;
	s10 =	sld [smem:$0x3FB9]  }
0x3d: {  	_ =	shalt  }
0x3e: {  	_ =	shalt  }
0x3f: {  	_ =	shalt  }
0x40: {  	_ =	shalt  }
0x41: {  	_ =	shalt  }
0x42: {  	_ =	shalt  }
0x43: {  	_ =	shalt  }
0x44: {  	_ =	shalt  }
0x45: {  	_ =	shalt  }
0x46: {  	_ =	shalt  }
0x47: {  	_ =	shalt  }
0x48: {  	_ =	shalt  }
0x49: {  	_ =	shalt  }
0x4a: {  	_ =	shalt  }
0x4b: {  	_ =	shalt  }
0x4c: {  	_ =	shalt  }
0x4d: {  	_ =	shalt  }
0x4e: {  	_ =	shalt  }
0x4f: {  	_ =	shalt  }
0x50: {  	_ =	shalt  }
0x51: {  	_ =	shalt  }
0x52: {  	_ =	shalt  }
0x53: {  	_ =	shalt  }
0x54: {  	_ =	shalt  }
0x55: {  	_ =	shalt  }
0x56: {  	_ =	shalt  }
0x57: {  	_ =	shalt  }
0x58: {  	_ =	shalt  }
0x59: {  	_ =	shalt  }
0x5a: {  	_ =	shalt  }
0x5b: {  	_ =	shalt  }
0x5c: {  	_ =	shalt  }
0x5d: {  	_ =	shalt  }
0x5e: {  	_ =	shalt  }
0x5f: {  	_ =	shalt  }
0x60: {  	_ =	shalt  }
0x61: {  	_ =	shalt  }
0x62: {  	_ =	shalt  }
0x63: {  	_ =	shalt  }
0x64: {  	_ =	shalt  }
0x65: {  	_ =	shalt  }
0x66: {  	_ =	shalt  }
0x67: {  	_ =	shalt  }
0x68: {  	_ =	shalt  }
0x69: {  	_ =	shalt  }
0x6a: {  	_ =	shalt  }
0x6b: {  	_ =	shalt  }
0x6c: {  	_ =	shalt  }
0x6d: {  	_ =	shalt  }
0x6e: {  	_ =	shalt  }
0x6f: {  	_ =	shalt  }
0x70: {  	_ =	shalt  }
0x71: {  	_ =	shalt  }
0x72: {  	_ =	shalt  }
0x73: {  	_ =	shalt  }
0x74: {  	_ =	shalt  }
0x75: {  	_ =	shalt  }
0x76: {  	_ =	shalt  }
0x77: {  	_ =	shalt  }
0x78: {  	_ =	shalt  }
0x79: {  	_ =	shalt  }
0x7a: {  	_ =	shalt  }
0x7b: {  	_ =	shalt  }
0x7c: {  	_ =	shalt  }
0x7d: {  	_ =	shalt  }
0x7e: {  	_ =	shalt  }
0x7f: {  	_ =	shalt  }
0x80: {  	_ =	shalt  }
0x81: {  	_ =	shalt  }
0x82: {  	_ =	shalt  }
0x83: {  	_ =	shalt  }
0x84: {  	_ =	shalt  }
0x85: {  	_ =	shalt  }
0x86: {  	_ =	shalt  }
0x87: {  	_ =	shalt  }
.Lfunc_end0:
.L_simem_size_0:
called_computation_lowered:
.L_overlay_start_0:
0x88: {  	s0 =	sld [smem:$0x3FD9]  }
0x89: {  	s1 =	sld [smem:$0x3FFE];
	_ =	sdelay $0x3  }
0x8a: {  	s0 =	sadd.s32 s1, s0  }
0x8b: {  	[smem:$0x3FC5] =	sst s0  }
0x8c: {  	_ = 	snop  }
0x8d: {  	s0 =	sld [smem:$0x3FD0];
	_ =	sdelay $0x2  }
0x8e: {  	s2 =	simm.s32 $0xA;
	s3 =	simm.s32 $0x10;
	s13 =	sld [smem:$0x3FC7]  }
0x8f: {  	[smem:s3], [sflag:s2] =	dma.local [hbm:s0], $0x1  }
0x90: {  	_ =	swait.eq [sflag:s2], $0x1  }
0x91: {  	s14 =	sld [smem:$0x10];
	[sflag:s2] =	ssyncset.done $0x0  }
0x92: {  	s15 =	sld [smem:$0x11];
	[sflag:s2] =	ssyncadd.s32 $0xFFFFFFFF  }
0x93: {  	s16 =	sld [smem:$0x12];
	(tm) =	ssettm $0x1  }
0x94: {  	s4 =	sld [smem:$0x3FFB];
	_ =	sdelay $0x3  }
0x95: {  	_ =	strace s4  }
0x96: {  	s4 =	sld [smem:$0x3FFC];
	_ =	sdelay $0x3  }
0x97: {  	_ =	strace s4  }
0x98: {  	s4 =	sld [smem:$0x3FFD];
	_ =	sdelay $0x3  }
0x99: {  	_ =	strace s4  }
0x9a: {  	_ =	strace $0x8FFFFFFF  }
0x9b: {  	s17 =	sld [smem:$0x3FDB];
	_ =	sdelay $0x1  }
0x9c: {  	s5 =	simm.s32 $_scs_section_size  }
0x9d: {  	s6 =	simm.s32 $_size__tile_overlayer_lowered;
	s7 =	simm.s32 $_tile_overlayer_lowered  }
0x9e: {  	s20 =	simm.s32 $0x1BFF;
	s19 =	sshll.u32 s7, $0x1;
	s4 =	sadd.s32 s5, s17  }
0x9f: {  	s8 =	simm.s32 $0x0;
	s18 =	sshll.u32 s6, $0x1;
	s6 =	sadd.s32 s19, s4  }
0xa0: {  	[timem:s8], [sflag:s20] =	dma.local [hbm:s6], s18  }
0xa1: {  	_ =	swait.ge [sflag:s20], s18  }
0xa2: {  	s5 =	ssub.s32 $0x0, s18;
	[sflag:s20] =	ssyncset.done $0x0  }
0xa3: {  	[sflag:s20] =	ssyncadd.s32 s5;
	_ =	sdelay $0x1  }
0xa4: {  	s21 =	simm.s32 $0x1B8B  }
0xa5: {  	_ =	swait.ge [sflag:s21], $0x1  }
0xa6: {  	[sflag:s21] =	ssyncset.done $0x0  }
0xa7: {  	s23 =	simm.s32 $0x1B8E;
	s22 =	sld [smem:$0x3FFE];
	[sflag:s21] =	ssyncadd.s32 $0xFFFFFFFF  }
0xa8: {  	s24 =	simm.s32 $execute0_lowered;
	[smem:$0x3FD2] =	sst s23  }
0xa9: {  	s6 =	sshll.u32 s24, $0x1;
	_ =	strace $0x80000046;
	[dreg:$0x1] =	wrdreg $0xFFFFFFFF  }
0xaa: {  	s25 =	simm.s32 $_size_execute0_lowered;
	s4 =	sadd.s32 s4, s6;
	[dreg:$0x0] =	wrdreg $0x0  }
0xab: {  	s6 =	sshll.u32 s25, $0x1;
	[dreg:$0x2] =	wrdreg s4  }
0xac: {  	[dreg:$0x3] =	wrdreg s6  }
0xad: {  	[dreg:$0x4] =	wrdreg $0xC0  }
0xae: {  	_ =	task [dreg:s8], $0x5FFFF  }
0xaf: {  	[dreg:$0x1] =	wrdreg $0xFFFFFFFF  }
0xb0: {  	[dreg:$0x0] =	wrdreg $0x60  }
0xb1: {  	[dreg:$0x2] =	wrdreg s22  }
0xb2: {  	[dreg:$0x3] =	wrdreg s13  }
0xb3: {  	[dreg:$0x4] =	wrdreg s14  }
0xb4: {  	[dreg:$0x5] =	wrdreg s15  }
0xb5: {  	[dreg:$0x6] =	wrdreg s16  }
0xb6: {  	[dreg:$0x7] =	wrdreg $0x9  }
0xb7: {  	_ =	task.clear_ibuf [dreg:s8], $0x8FFFF;
	_ =	strace $0x90000046  }
0xb8: {  	s26 =	simm.s32 $0x9;
	_ =	strace $0x80000048  }
0xb9: {  	_ =	swait.ge [sflag:s26], $0x1  }
0xba: {  	[sflag:s26] =	ssyncadd.s32 $0xFFFFFFFF  }
0xbb: {  	_ =	strace $0x90000048  }
0xbc: {  	_ =	sfence  }
0xbd: {  	s28 =	sld [smem:$0x0];
	_ =	sdelay $0x1  }
0xbe: {  	s29 =	srdreg.scid  }
0xbf: {  	s30 =	sshll.u32 s29, $0xD;
	s31 =	sshrl.u32 s29, $0x2  }
0xc0: {  	s1 =	sand.u32 $0x1, s29;
	s2 =	sand.u32 $0x4000, s30;
	s0 =	sadd.s32 s31, s28  }
0xc1: {  	s1 =	sor.u32 s2, s1;
	s0 =	sshll.u32 s0, $0x11  }
0xc2: {  	s0 =	sor.u32 s0, s1  }
0xc3: {  	s0 =	sadd.s32 $0x8F2B, s0  }
0xc4: {  	[sflag:s0] =	ssyncadd.remote.s32 $0x1  }
0xc5: {  	_ =	sfence.sel $0xFFFF  }
0xc6: {  	[dreg:$0x0] =	wrdreg $0xFFFFFFFF;
	(pc) =	sbr.abs _section_cstart, $3  }
0xc7: {  	[dreg:$0x1] =	wrdreg $0xFFFFFFFF  }
0xc8: {  	_ =	task.clear_ibuf [dreg:s8], $0x2FFFF;
	_ =	strace $0x9FFFFFFF  }
0xc9: {  	(tm) =	ssettm $0x7FFFFFFF  }
tec
execute0_lowered:
.L_overlay_start_1:
0x0: {  	(tag) =	ssettag $0x1  }
0x1: {  	s6 =	rddreg [dreg:$0x0]  }
0x2: {  	s5 =	rddreg [dreg:$0x1]  }
0x3: {  	s4 =	rddreg [dreg:$0x2]  }
0x4: {  	s3 =	rddreg [dreg:$0x3]  }
0x5: {  	s1 =	rddreg [dreg:$0x4]  }
0x6: {  	s0 =	rddreg [dreg:$0x5];
	s2 =	stileid.u32  }
0x7: {  	s7 =	simm.s32 $0x0;
	s9 =	simm.s32 $0x1000;
	s8 =	sshll.u32 s2, $0x9  }
0x8: {  	s10 =	simm.s32 $0x10000;
	[smem:$0x7FF] =	sst s7;
	s8 =	sadd.s32 s8, s6  }
0x9: {  	s26 =	simm.s32 $0x1;
	_ =	strace $0x80000047;
	s8 =	sadd.s32 $0xC00, s8  }
0xa: {  	[tilespmem:s7], [sflag:$0x1] =	stream.strided.gather [hbm4b:s8+s9], $0x2000, s10, s9, $0x38;
	[tilespmem:$0x3180] =	vst v63  }
0xb: {  	_ =	swait.ge [sflag:s26], $0x2000  }
0xc: {  	[sflag:s26] =	ssyncset.done $0x0  }
0xd: {  	s28 =	simm.s32 $0x2000;
	[sflag:s26] =	ssyncadd.s32 $0xFFFFE000  }
0xe: {  	[tilespmem:s28], [sflag:$0x1] =	stream.linear.gather [hbm4b:s5+s7], $0x80, $0x38;
	[tilespmem:$0x3180] =	vst v63  }
0xf: {  	_ =	swait.ge [sflag:s26], $0x80  }
0x10: {  	[sflag:s26] =	ssyncset.done $0x0  }
0x11: {  	[sflag:s26] =	ssyncadd.s32 $0xFFFFFF80  }
0x12: {  	v15 =	vld [tilespmem:$0x2000];
	_ =	sdelay $0x1  }
0x13: {  	s29 =	simm.s32 $0x0;
	s5 =	simm.s32 $0x0  }
0x14: {  	s8 =	sand.u32 $0x3FFFFC00, s29;
	s30 =	sand.u32 $0x70, s5  }
0x15: {  	s8 =	sor.u32 s30, s8  }
0x16: {  	v18 =	vld [tilespmem:s8+$0x80];
	v0 =	vbroadcast v15, $0x0;
	v1 =	vbroadcast v15, $0x1  }
0x17: {  	v19 =	vld [tilespmem:s8+$0x0];
	v2 =	vbroadcast v15, $0x2;
	v3 =	vbroadcast v15, $0x3  }
0x18: {  	v20 =	vld [tilespmem:s8+$0x180];
	v4 =	vbroadcast v15, $0x4;
	v5 =	vbroadcast v15, $0x5  }
0x19: {  	v21 =	vld [tilespmem:s8+$0x100];
	v6 =	vbroadcast v15, $0x6;
	v7 =	vbroadcast v15, $0x7  }
0x1a: {  	v36 =	vld [tilespmem:s8+$0x1100];
	v8 =	vbroadcast v15, $0x8;
	v9 =	vbroadcast v15, $0x9  }
0x1b: {  	v16 =	vimm.f32 $0.0e+00;
	v40 =	vld [tilespmem:s8+$0x1200];
	v10 =	vbroadcast v15, $0xA;
	v11 =	vbroadcast v15, $0xB  }
0x1c: {  	v17 =	vimm.s32 $0x0;
	v62 =	vld [tilespmem:s8+$0x1300];
	v12 =	vbroadcast v15, $0xC;
	v13 =	vbroadcast v15, $0xD  }
0x1d: {  	v42 =	vld [tilespmem:s8+$0x1380];
	v14 =	vbroadcast v15, $0xE;
	v22 =	vadd.f32 v18, v1;
	v23 =	vadd.f32 v19, v0  }
0x1e: {  	v15 =	vbroadcast v15, $0xF;
	v24 =	vadd.f32 v20, v3;
	v26 =	vadd.f32 v21, v2  }
0x1f: {  	v61 =	vadd.f32 v36, v10;
	vm0 =	vlt.f32 v22, $-Inf;
	vm1 =	vgt.f32 v22, $-Inf  }
0x20: {  	v63 =	vadd.f32 v40, v12;
	vm2 =	vgt.f32 v22, v23;
	vm0 =	vmor vm1, vm0  }
0x21: {  	v44 =	vadd.f32 v62, v14;
	vm11 =	vmneg vm2;
	v25 =	vnsel vm0, $0xFF800000, v22  }
0x22: {  	v27 =	vld [tilespmem:s8+$0x200];
	v47 =	vadd.f32 v42, v15;
	v28 =	vnsel vm0, $0x0, v18;
	v25 =	vsel vm11, v25, v23  }
0x23: {  	vm0 =	vmand vm11, vm0;
	v22 =	vsel vm11, v23, v22;
	vm3 =	vgt.f32 v26, v25  }
0x24: {  	v18 =	vsel vm11, v19, v18;
	vm7 =	vgt.f32 v26, v22;
	v25 =	vsel vm3, v26, v25  }
0x25: {  	v28 =	vsel vm11, v28, v19;
	v23 =	vsel vm0, $0x1, v17;
	v19 =	vsel vm7, v22, v25  }
0x26: {  	v22 =	vsel vm7, v26, v22;
	v26 =	vsel vm3, v21, v28;
	v21 =	vsel vm7, v21, v18  }
0x27: {  	v25 =	vld [tilespmem:s8+$0x280];
	v28 =	vadd.f32 v27, v4;
	vm4 =	vgt.f32 v24, v22;
	vm6 =	vgt.f32 v24, v19  }
0x28: {  	v18 =	vsel vm7, v18, v26;
	v19 =	vsel vm6, v24, v19;
	v26 =	vsel vm4, v20, v21  }
0x29: {  	v29 =	vld [tilespmem:s8+$0x300];
	v18 =	vsel vm6, v20, v18;
	v20 =	vsel vm4, v24, v22;
	v19 =	vsel vm4, v22, v19  }
0x2a: {  	v23 =	vsel vm3, $0x2, v23;
	vm1 =	vgt.f32 v28, v20;
	vm5 =	vgt.f32 v28, v19  }
0x2b: {  	v18 =	vsel vm4, v21, v18;
	v24 =	vsel vm1, v27, v26;
	v19 =	vsel vm5, v28, v19  }
0x2c: {  	v21 =	vld [tilespmem:s8+$0x380];
	v22 =	vadd.f32 v25, v5;
	v18 =	vsel vm5, v27, v18;
	v19 =	vsel vm1, v20, v19  }
0x2d: {  	v20 =	vsel vm1, v28, v20;
	v18 =	vsel vm1, v26, v18;
	v26 =	vsel vm2, $0x1, v17  }
0x2e: {  	v28 =	vadd.f32 v29, v6;
	vm12 =	vgt.f32 v22, v20;
	vm13 =	vgt.f32 v22, v19  }
0x2f: {  	v31 =	vsel vm7, $0x2, v26;
	v23 =	vsel vm7, v26, v23;
	v27 =	vsel vm12, v22, v20  }
0x30: {  	v19 =	vsel vm13, v22, v19;
	v22 =	vsel vm12, v25, v24;
	v26 =	vsel vm4, $0x3, v31  }
0x31: {  	v30 =	vld [tilespmem:s8+$0x1000];
	v32 =	vadd.f32 v21, v7;
	v18 =	vsel vm13, v25, v18;
	v23 =	vsel vm6, $0x3, v23  }
0x32: {  	v33 =	vsel vm1, $0x4, v26;
	v19 =	vsel vm12, v20, v19;
	vm14 =	vgt.f32 v28, v27  }
0x33: {  	v23 =	vsel vm4, v31, v23;
	v18 =	vsel vm12, v24, v18;
	v34 =	vsel vm12, $0x5, v33  }
0x34: {  	v20 =	vld [tilespmem:s8+$0x1080];
	vm9 =	vgt.f32 v28, v19;
	v35 =	vsel vm14, v29, v22;
	v25 =	vsel vm14, v28, v27  }
0x35: {  	v23 =	vsel vm5, $0x4, v23;
	v19 =	vsel vm9, v28, v19;
	vm8 =	vgt.f32 v32, v25  }
0x36: {  	v28 =	vadd.f32 v30, v8;
	v18 =	vsel vm9, v29, v18;
	v29 =	vsel vm14, $0x6, v34  }
0x37: {  	v19 =	vsel vm14, v27, v19;
	v27 =	vsel vm8, v32, v25;
	v37 =	vsel vm8, v21, v35  }
0x38: {  	v18 =	vsel vm14, v22, v18;
	v22 =	vsel vm1, v26, v23;
	vm10 =	vgt.f32 v32, v19  }
0x39: {  	v39 =	vld [tilespmem:s8+$0x1180];
	vm15 =	vgt.f32 v28, v27;
	v22 =	vsel vm13, $0x5, v22;
	v31 =	vadd.f32 v20, v9  }
0x3a: {  	v26 =	vld [tilespmem:s8+$0x1280];
	v24 =	vsel vm15, v28, v27;
	v38 =	vsel vm15, v30, v37;
	v19 =	vsel vm10, v32, v19  }
0x3b: {  	v18 =	vsel vm10, v21, v18;
	v22 =	vsel vm12, v33, v22;
	v19 =	vsel vm8, v25, v19  }
0x3c: {  	v25 =	vsel vm8, $0x7, v29;
	v18 =	vsel vm8, v35, v18;
	v22 =	vsel vm9, $0x6, v22  }
0x3d: {  	vm4 =	vgt.f32 v31, v24;
	vm11 =	vgt.f32 v28, v19;
	v23 =	vsel vm15, $0x8, v25  }
0x3e: {  	v22 =	vsel vm14, v34, v22;
	v19 =	vsel vm11, v28, v19;
	v21 =	vsel vm4, v31, v24  }
0x3f: {  	v28 =	vadd.f32 v39, v11;
	v18 =	vsel vm11, v30, v18;
	v52 =	vadd.f32 v26, v13  }
0x40: {  	v22 =	vsel vm10, $0x7, v22;
	v54 =	vsel vm4, v20, v38;
	vm6 =	vgt.f32 v61, v21  }
0x41: {  	v19 =	vsel vm15, v27, v19;
	v27 =	vsel vm4, $0x9, v23;
	v22 =	vsel vm8, v29, v22  }
0x42: {  	v18 =	vsel vm15, v37, v18;
	v30 =	vsel vm6, v61, v21;
	vm12 =	vgt.f32 v31, v19  }
0x43: {  	v43 =	vsel vm6, $0xA, v27;
	v22 =	vsel vm11, $0x8, v22;
	vm5 =	vgt.f32 v28, v30  }
0x44: {  	v19 =	vsel vm12, v31, v19;
	v18 =	vsel vm12, v20, v18;
	v41 =	vsel vm5, v28, v30  }
0x45: {  	v20 =	vsel vm15, v25, v22;
	v29 =	vsel vm5, $0xB, v43;
	vm3 =	vgt.f32 v63, v41  }
0x46: {  	v24 =	vsel vm4, v24, v19;
	v20 =	vsel vm12, $0x9, v20;
	v31 =	vsel vm3, v63, v41  }
0x47: {  	v18 =	vsel vm4, v38, v18;
	vm15 =	vgt.f32 v61, v24;
	vm2 =	vgt.f32 v52, v31  }
0x48: {  	v20 =	vsel vm4, v23, v20;
	v46 =	vsel vm3, $0xC, v29;
	v45 =	vsel vm2, v52, v31  }
0x49: {  	v24 =	vsel vm15, v61, v24;
	v18 =	vsel vm15, v36, v18;
	vm1 =	vgt.f32 v44, v45  }
0x4a: {  	v20 =	vsel vm15, $0xA, v20;
	v48 =	vsel vm2, $0xD, v46;
	v53 =	vsel vm1, v44, v45  }
0x4b: {  	v21 =	vsel vm6, v21, v24;
	v49 =	vsel vm1, $0xE, v48;
	vm0 =	vgt.f32 v47, v53  }
0x4c: {  	v18 =	vsel vm6, v54, v18;
	v20 =	vsel vm6, v27, v20;
	v19 =	vsel vm0, $0xF, v49  }
0x4d: {  	vm13 =	veq.s32 v19, $0x3;
	vm14 =	veq.s32 v19, $0x5;
	vm9 =	veq.s32 v19, $0x6  }
0x4e: {  	vm10 =	veq.s32 v19, $0x7;
	vm11 =	veq.s32 v19, $0xA;
	vm12 =	veq.s32 v19, $0x8  }
0x4f: {  	vm15 =	veq.s32 v19, $0xE;
	vm8 =	veq.s32 v19, $0xB;
	v22 =	vsel vm13, $0x3F800000, v16  }
0x50: {  	v25 =	vsel vm14, $0x3F800000, v16;
	v55 =	vsel vm9, $0x3F800000, v16;
	v24 =	vsel vm10, $0x3F800000, v16  }
0x51: {  	v56 =	vsel vm11, $0x3F800000, v16;
	v23 =	vsel vm12, $0x3F800000, v16;
	vm13 =	vgt.f32 v28, v21  }
0x52: {  	v27 =	vsel vm15, $0x3F800000, v16;
	vm10 =	veq.s32 v19, $0x1;
	vm11 =	veq.s32 v19, $0x4  }
0x53: {  	vm12 =	veq.s32 v19, $0xF;
	vm15 =	veq.s32 v19, $0xC;
	v21 =	vsel vm13, v28, v21  }
0x54: {  	v28 =	vsel vm6, v36, v54;
	v18 =	vsel vm13, v39, v18;
	v21 =	vsel vm5, v30, v21  }
0x55: {  	v20 =	vsel vm13, $0xB, v20;
	v57 =	vsel vm10, $0x3F800000, v16;
	vm14 =	vgt.f32 v63, v21  }
0x56: {  	vm10 =	veq.s32 v19, $0xD;
	v22 =	vadd.f32 v22, v16;
	v21 =	vsel vm14, v63, v21  }
0x57: {  	v24 =	vadd.f32 v24, v16;
	v32 =	vadd.f32 v55, v16;
	v21 =	vsel vm3, v41, v21  }
0x58: {  	v61 =	vadd.f32 v23, v16;
	v18 =	vsel vm5, v28, v18;
	vm9 =	vgt.f32 v52, v21  }
0x59: {  	v30 =	vsel vm5, v39, v28;
	v18 =	vsel vm14, v40, v18;
	v21 =	vsel vm9, v52, v21  }
0x5a: {  	v51 =	vadd.f32 v25, v16;
	v18 =	vsel vm3, v30, v18;
	v21 =	vsel vm2, v31, v21  }
0x5b: {  	v58 =	vsel vm3, v40, v30;
	v18 =	vsel vm9, v26, v18;
	vm13 =	vgt.f32 v44, v21  }
0x5c: {  	v20 =	vsel vm5, v43, v20;
	v18 =	vsel vm2, v58, v18;
	v21 =	vsel vm13, v44, v21  }
0x5d: {  	v30 =	vsel vm2, v26, v58;
	v18 =	vsel vm13, v62, v18;
	v21 =	vsel vm1, v45, v21  }
0x5e: {  	v20 =	vsel vm14, $0xC, v20;
	v18 =	vsel vm1, v30, v18;
	vm14 =	vgt.f32 v47, v21  }
0x5f: {  	v53 =	vadd.f32 v27, v16;
	v59 =	vsel vm1, v62, v30;
	v18 =	vsel vm14, v42, v18  }
0x60: {  	v20 =	vsel vm3, v29, v20;
	v29 =	vsel vm0, v42, v59;
	v18 =	vsel vm0, v59, v18  }
0x61: {  	v28 =	vsel vm8, $0x3F800000, v16;
	v60 =	vsel vm10, $0x3F800000, v16;
	v18 =	vsub.f32 v18, v29  }
0x62: {  	vm8 =	veq.s32 v19, $0x0;
	v34 =	vadd.f32 v60, v16;
	v26 =	vsel vm11, $0x3F800000, v16  }
0x63: {  	v20 =	vsel vm9, $0xD, v20;
	vm11 =	veq.s32 v19, $0x2;
	v18 =	vmul.f32 $1.442695020e+00, v18  }
0x64: {  	vm9 =	veq.s32 v19, $0x9;
	v31 =	vsel vm12, $0x3F800000, v16;
	v23 =	vsel vm11, $0x3F800000, v16  }
0x65: {  	v20 =	vsel vm2, v46, v20;
	v23 =	vadd.f32 v23, v16;
	(erf) = vpow2.f32 v18  }
0x66: {  	v20 =	vsel vm13, $0xE, v20;
	v62 =	vadd.f32 v26, v16;
	v30 =	vsel vm8, $0x3F800000, v16  }
0x67: {  	v20 =	vsel vm1, v48, v20;
	v48 =	vadd.f32 v57, v16;
	v21 =	vsel vm15, $0x3F800000, v16  }
0x68: {  	v50 =	vadd.f32 v30, v16;
	v20 =	vsel vm14, $0xF, v20;
	v21 =	vadd.f32 v21, v16  }
0x69: {  	v63 =	vsel vm0, v49, v20;
	v20 =	vadd.f32 v28, v16;
	v49 =	vadd.f32 v31, v16  }
0x6a: {  	v29 =	vsel vm9, $0x3F800000, v16;
	vm12 =	veq.s32 v63, $0x2;
	vm13 =	veq.s32 v63, $0x7  }
0x6b: {  	vm14 =	veq.s32 v63, $0x3;
	vm15 =	veq.s32 v63, $0x8;
	vm4 =	veq.s32 v63, $0x9  }
0x6c: {  	vm5 =	veq.s32 v63, $0x4;
	vm6 =	veq.s32 v63, $0x6;
	vm7 =	veq.s32 v63, $0xB  }
0x6d: {  	vm8 =	veq.s32 v63, $0xA;
	vm9 =	veq.s32 v63, $0xC;
	vm10 =	veq.s32 v63, $0x5  }
0x6e: {  	vm11 =	veq.s32 v63, $0xD;
	v28 =	vadd.f32 v29, v16;
	v26 =	vsel vm12, $0x3F800000, v16;
	v54 =	vpop (erf)  }
0x6f: {  	v29 =	vsel vm13, $0x3F800000, v16;
	v30 =	vsel vm14, $0x3F800000, v16;
	v27 =	vadd.f32 $1.000000000e+00, v54  }
0x70: {  	v25 =	vsel vm15, $0x3F800000, v16;
	v52 =	vsel vm4, $0x3F800000, v16;
	v55 =	vsel vm5, $0x3F800000, v16  }
0x71: {  	v57 =	vsel vm10, $0x3F800000, v16;
	v58 =	vsel vm11, $0x3F800000, v16;
	(erf) = vrcp.f32 v27  }
0x72: {  	s31 =	simm.s32 $0x0;
	vm12 =	veq.s32 v63, $0xE;
	vm13 =	veq.s32 v63, $0xF;
	vm14 =	veq.s32 v63, $0x0  }
0x73: {  	s8 =	sand.u32 $0xFFFFFF00, s31;
	vm15 =	veq.s32 v63, $0x1;
	v23 =	vadd.f32 v26, v23;
	v26 =	vadd.f32 v29, v24  }
0x74: {  	s7 =	sor.u32 s30, s8;
	v24 =	vsel vm6, $0x3F800000, v16;
	v31 =	vadd.f32 v30, v22;
	v29 =	vadd.f32 v55, v62  }
0x75: {  	[tilespmem:s7+$0x2080] =	vst v19;
	v30 =	vsel vm9, $0x3F800000, v16;
	v19 =	vadd.f32 v58, v34;
	v22 =	vadd.f32 v52, v28  }
0x76: {  	v59 =	vsel vm12, $0x3F800000, v16;
	v28 =	vadd.f32 v57, v51;
	v18 =	vadd.f32 v56, v16  }
0x77: {  	v56 =	vsel vm7, $0x3F800000, v16;
	v27 =	vadd.f32 v25, v61;
	v25 =	vsel vm8, $0x3F800000, v16  }
0x78: {  	v60 =	vsel vm13, $0x3F800000, v16;
	v20 =	vadd.f32 v56, v20;
	v25 =	vadd.f32 v25, v18  }
0x79: {  	v62 =	vsel vm15, $0x3F800000, v16;
	v18 =	vadd.f32 v30, v21;
	v30 =	vadd.f32 v24, v32  }
0x7a: {  	[tilespmem:s7+$0x2100] =	vst v63;
	v61 =	vsel vm14, $0x3F800000, v16;
	v21 =	vadd.f32 v59, v53;
	v24 =	vadd.f32 v60, v49;
	v63 =	vpop (erf)  }
0x7b: {  	s6 =	sadd.s32 $0x4C00, s6;
	v33 =	vadd.f32 v61, v50;
	v32 =	vadd.f32 v62, v48;
	[tilespmem:s7+$0x2480] =	vst v63;
	v34 =	vmul.f32 v63, v54  }
.LBB2_1:
0x7c: {  	s5 =	sadd.s32 $0x10, s5  }
0x7d: {  	s9 =	sshll.u32 s5, $0x3  }
0x7e: {  	s8 =	sand.u32 $0x70, s5;
	s11 =	sand.u32 $0x3FFFFC00, s9  }
0x7f: {  	[tilespmem:s7+$0x2500] =	vst v34;
	s31 =	sor.u32 s8, s11  }
0x80: {  	v34 =	vld [tilespmem:s31+$0x80]  }
0x81: {  	v35 =	vld [tilespmem:s31+$0x0]  }
0x82: {  	v36 =	vld [tilespmem:s31+$0x180]  }
0x83: {  	v37 =	vld [tilespmem:s31+$0x100]  }
0x84: {  	v43 =	vld [tilespmem:s31+$0x200]  }
0x85: {  	v45 =	vld [tilespmem:s31+$0x280];
	_ =	sdelay $0x1  }
0x86: {  	v38 =	vadd.f32 v34, v1;
	v39 =	vadd.f32 v35, v0  }
0x87: {  	v40 =	vadd.f32 v36, v3;
	v42 =	vadd.f32 v37, v2  }
0x88: {  	v55 =	vadd.f32 v43, v4;
	vm1 =	vlt.f32 v38, $-Inf;
	vm2 =	vgt.f32 v38, $-Inf  }
0x89: {  	v58 =	vadd.f32 v45, v5;
	vm0 =	vgt.f32 v38, v39;
	vm1 =	vmor vm2, vm1  }
0x8a: {  	vm14 =	vmneg vm0;
	v60 =	vsel vm0, $0x1, v17;
	v41 =	vnsel vm1, $0xFF800000, v38  }
0x8b: {  	v44 =	vnsel vm1, $0x0, v34;
	vm1 =	vmand vm14, vm1;
	v38 =	vsel vm14, v39, v38  }
0x8c: {  	v49 =	vld [tilespmem:s31+$0x1080];
	v34 =	vsel vm14, v35, v34;
	v41 =	vsel vm14, v41, v39;
	v44 =	vsel vm14, v44, v35  }
0x8d: {  	v52 =	vsel vm1, $0x1, v17;
	vm7 =	vgt.f32 v42, v38;
	vm4 =	vgt.f32 v42, v41  }
0x8e: {  	v47 =	vsel vm7, $0x2, v60;
	v41 =	vsel vm4, v42, v41;
	v54 =	vsel vm4, v37, v44  }
0x8f: {  	v37 =	vsel vm7, v37, v34;
	v39 =	vsel vm4, $0x2, v52;
	v53 =	vsel vm7, v38, v41  }
0x90: {  	v38 =	vsel vm7, v42, v38;
	v34 =	vsel vm7, v34, v54;
	v39 =	vsel vm7, v60, v39  }
0x91: {  	v44 =	vld [tilespmem:s31+$0x300];
	v54 =	vadd.f32 v49, v9;
	vm1 =	vgt.f32 v40, v38;
	vm6 =	vgt.f32 v40, v53  }
0x92: {  	v35 =	vsel vm6, v40, v53;
	v56 =	vsel vm1, v36, v37;
	v34 =	vsel vm6, v36, v34  }
0x93: {  	v41 =	vld [tilespmem:s31+$0x1000];
	v57 =	vsel vm1, v40, v38;
	v42 =	vsel vm1, $0x3, v47;
	v39 =	vsel vm6, $0x3, v39  }
0x94: {  	v35 =	vsel vm1, v38, v35;
	v34 =	vsel vm1, v37, v34;
	vm3 =	vgt.f32 v55, v57  }
0x95: {  	v39 =	vsel vm1, v47, v39;
	vm2 =	vgt.f32 v55, v35;
	v36 =	vsel vm3, v55, v57  }
0x96: {  	v37 =	vld [tilespmem:s31+$0x380];
	v59 =	vsel vm3, v43, v56;
	v46 =	vadd.f32 v44, v6;
	v50 =	vsel vm3, $0x4, v42  }
0x97: {  	v35 =	vsel vm2, v55, v35;
	v34 =	vsel vm2, v43, v34;
	vm4 =	vgt.f32 v58, v36  }
0x98: {  	v52 =	vadd.f32 v41, v8;
	v39 =	vsel vm2, $0x4, v39;
	v35 =	vsel vm3, v57, v35  }
0x99: {  	v34 =	vsel vm3, v56, v34;
	v61 =	vsel vm4, v58, v36;
	v62 =	vsel vm4, v45, v59  }
0x9a: {  	v51 =	vsel vm4, $0x5, v50;
	v39 =	vsel vm3, v42, v39;
	vm5 =	vgt.f32 v58, v35  }
0x9b: {  	vm11 =	vgt.f32 v46, v61;
	v35 =	vsel vm5, v58, v35;
	v48 =	vadd.f32 v37, v7  }
0x9c: {  	v34 =	vsel vm5, v45, v34;
	v63 =	vsel vm11, v46, v61;
	v39 =	vsel vm5, $0x5, v39  }
0x9d: {  	v35 =	vsel vm4, v36, v35;
	v36 =	vsel vm11, v44, v62;
	v34 =	vsel vm4, v59, v34  }
0x9e: {  	v39 =	vsel vm4, v50, v39;
	vm0 =	vgt.f32 v46, v35;
	vm7 =	vgt.f32 v48, v63  }
0x9f: {  	v59 =	vimm.s32 $0x0;
	v35 =	vsel vm0, v46, v35;
	v60 =	vsel vm7, v48, v63  }
0xa0: {  	v53 =	vsel vm7, v37, v36;
	v34 =	vsel vm0, v44, v34;
	v44 =	vsel vm11, $0x6, v51  }
0xa1: {  	v55 =	vld [tilespmem:s31+$0x1180];
	v39 =	vsel vm0, $0x6, v39;
	v35 =	vsel vm11, v61, v35;
	vm10 =	vgt.f32 v52, v60  }
0xa2: {  	v46 =	vld [tilespmem:s31+$0x1100];
	v45 =	vsel vm7, $0x7, v44;
	v38 =	vsel vm11, v62, v34;
	v39 =	vsel vm11, v51, v39  }
0xa3: {  	vm14 =	vgt.f32 v48, v35;
	v61 =	vsel vm10, v52, v60;
	v56 =	vsel vm10, v41, v53  }
0xa4: {  	v34 =	vsel vm10, $0x8, v45;
	vm12 =	vgt.f32 v54, v61;
	v35 =	vsel vm14, v48, v35  }
0xa5: {  	v47 =	vld [tilespmem:s31+$0x1200];
	v37 =	vsel vm14, v37, v38;
	v39 =	vsel vm14, $0x7, v39;
	v48 =	vsel vm12, v49, v56  }
0xa6: {  	v35 =	vsel vm7, v63, v35;
	v62 =	vsel vm12, v54, v61;
	v36 =	vsel vm7, v36, v37  }
0xa7: {  	v37 =	vadd.f32 v55, v11;
	v57 =	vadd.f32 v46, v10;
	vm13 =	vgt.f32 v52, v35  }
0xa8: {  	v39 =	vsel vm7, v44, v39;
	v35 =	vsel vm13, v52, v35;
	v41 =	vsel vm13, v41, v36  }
0xa9: {  	v36 =	vsel vm12, $0x9, v34;
	v39 =	vsel vm13, $0x8, v39;
	vm9 =	vgt.f32 v57, v62  }
0xaa: {  	v43 =	vsel vm10, v60, v35;
	v41 =	vsel vm10, v53, v41;
	v53 =	vadd.f32 v47, v12  }
0xab: {  	v60 =	vimm.s32 $0x0;
	v39 =	vsel vm10, v45, v39;
	vm1 =	vgt.f32 v54, v43  }
0xac: {  	v52 =	vsel vm9, v46, v48;
	v35 =	vsel vm9, $0xA, v36;
	v43 =	vsel vm1, v54, v43  }
0xad: {  	v54 =	vsel vm9, v57, v62;
	v41 =	vsel vm1, v49, v41;
	v39 =	vsel vm1, $0x9, v39  }
0xae: {  	v58 =	vld [tilespmem:s31+$0x1280];
	vm8 =	vgt.f32 v37, v54;
	v40 =	vsel vm12, v61, v43;
	v41 =	vsel vm12, v56, v41  }
0xaf: {  	v56 =	vimm.s32 $0x0;
	v34 =	vsel vm12, v34, v39;
	v43 =	vsel vm8, v55, v52  }
0xb0: {  	v49 =	vld [tilespmem:s31+$0x1300];
	vm15 =	vgt.f32 v57, v40;
	v63 =	vsel vm8, v37, v54;
	v42 =	vsel vm8, $0xB, v35  }
0xb1: {  	v40 =	vsel vm15, v57, v40;
	v57 =	vsel vm15, $0xFFFFFFFF, v60;
	vm6 =	vgt.f32 v53, v63  }
0xb2: {  	v41 =	vsel vm15, v46, v41;
	v60 =	vimm.s32 $0x0;
	v38 =	vsel vm9, v62, v40  }
0xb3: {  	v61 =	vsel vm6, v53, v63;
	v50 =	vsel vm6, v47, v43;
	v62 =	vadd.f32 v58, v13  }
0xb4: {  	[tilespmem:$0x1FF90] =	vst v57;
	v57 =	vld [tilespmem:s31+$0x1380];
	v41 =	vsel vm9, v48, v41;
	v45 =	vsel vm6, $0xC, v42;
	vm15 =	vgt.f32 v37, v38  }
0xb5: {  	v46 =	vadd.f32 v49, v14;
	vm4 =	vgt.f32 v62, v61;
	v37 =	vsel vm15, v37, v38  }
0xb6: {  	v41 =	vsel vm15, v55, v41;
	v38 =	vsel vm4, v62, v61;
	v37 =	vsel vm8, v54, v37  }
0xb7: {  	v51 =	vsel vm4, v58, v50;
	vm14 =	vgt.f32 v53, v37;
	vm5 =	vgt.f32 v46, v38  }
0xb8: {  	v41 =	vsel vm8, v52, v41;
	v37 =	vsel vm14, v53, v37;
	v48 =	vsel vm5, v49, v51  }
0xb9: {  	v52 =	vadd.f32 v57, v15;
	v41 =	vsel vm14, v47, v41;
	v47 =	vsel vm4, $0xD, v45  }
0xba: {  	v37 =	vsel vm6, v63, v37;
	v63 =	vsel vm5, v46, v38;
	v41 =	vsel vm6, v43, v41  }
0xbb: {  	v43 =	vsel vm5, $0xE, v47;
	vm11 =	vgt.f32 v62, v37;
	vm7 =	vgt.f32 v52, v63  }
0xbc: {  	v63 =	vimm.s32 $0x0;
	v37 =	vsel vm11, v62, v37;
	v40 =	vsel vm7, v57, v48  }
0xbd: {  	v44 =	vsel vm7, $0xF, v43;
	v41 =	vsel vm11, v58, v41;
	v37 =	vsel vm4, v61, v37  }
0xbe: {  	vm10 =	veq.s32 v44, $0x0;
	vm0 =	veq.s32 v44, $0x9;
	v61 =	vimm.s32 $0x0  }
0xbf: {  	v41 =	vsel vm4, v50, v41;
	vm1 =	veq.s32 v44, $0x6;
	vm2 =	veq.s32 v44, $0xA  }
0xc0: {  	vm3 =	veq.s32 v44, $0x8;
	v53 =	vsel vm10, $0xFFFFFFFF, v56;
	vm10 =	veq.s32 v44, $0x1  }
0xc1: {  	vm13 =	vgt.f32 v46, v37;
	[tilespmem:$0x1FFD0] =	vst v53;
	v53 =	vsel vm10, $0xFFFFFFFF, v59;
	vm10 =	veq.s32 v44, $0x2  }
0xc2: {  	v59 =	vimm.s32 $0x0;
	v37 =	vsel vm13, v46, v37;
	v41 =	vsel vm13, v49, v41  }
0xc3: {  	[tilespmem:$0x1FFA0] =	vst v53;
	v53 =	vsel vm10, $0xFFFFFFFF, v60;
	vm10 =	veq.s32 v44, $0x3;
	v60 =	vsel vm1, $0x3F800000, v16  }
0xc4: {  	v41 =	vsel vm5, v51, v41;
	v37 =	vsel vm5, v38, v37;
	vm1 =	veq.s32 v44, $0xE  }
0xc5: {  	[tilespmem:$0x1FFF0] =	vst v53;
	v53 =	vsel vm0, $0xFFFFFFFF, v61;
	v62 =	vsel vm10, $0x3F800000, v16;
	vm0 =	veq.s32 v44, $0x5  }
0xc6: {  	vm10 =	veq.s32 v44, $0xF;
	v30 =	vadd.f32 v60, v30;
	v55 =	vsel vm1, $0x3F800000, v16  }
0xc7: {  	v51 =	vld [tilespmem:$0x1FF90];
	v54 =	vsel vm10, $0xFFFFFFFF, v63;
	v31 =	vadd.f32 v62, v31;
	vm10 =	veq.s32 v44, $0x4  }
0xc8: {  	[tilespmem:$0x1FFC0] =	vst v53;
	v53 =	vsel vm0, $0x3F800000, v16;
	vm0 =	veq.s32 v44, $0xD;
	v62 =	vsel vm2, $0x3F800000, v16  }
0xc9: {  	v63 =	vsel vm3, $0x3F800000, v16;
	v21 =	vadd.f32 v55, v21;
	[tilespmem:$0x1FFB0] =	vst v54;
	v54 =	vsel vm0, $0xFFFFFFFF, v59  }
0xca: {  	vm0 =	veq.s32 v44, $0x7;
	v27 =	vadd.f32 v63, v27;
	v60 =	vsel vm10, $0x3F800000, v16  }
0xcb: {  	v59 =	vld [tilespmem:$0x1FFA0];
	v25 =	vadd.f32 v62, v25;
	v28 =	vadd.f32 v53, v28;
	v61 =	vsel vm0, $0x3F800000, v16  }
0xcc: {  	vm0 =	vgt.f32 v52, v37;
	v26 =	vadd.f32 v61, v26;
	vm12 =	vnez.u8 v51;
	v61 =	vld [tilespmem:$0x1FFB0]  }
0xcd: {  	s10 =	sshll.u32 s5, $0x1;
	v29 =	vadd.f32 v60, v29;
	v56 =	vsel vm0, v57, v41;
	v34 =	vsel vm12, $0xA, v34  }
0xce: {  	s30 =	sand.u32 $0xFFFFFF00, s10;
	v34 =	vsel vm9, v36, v34;
	vm9 =	veq.s32 v44, $0xB;
	v36 =	vsel vm7, v48, v56  }
0xcf: {  	s7 =	sor.u32 s8, s30;
	v63 =	vld [tilespmem:$0x1FFC0];
	v34 =	vsel vm15, $0xB, v34;
	v57 =	vsel vm9, $0x3F800000, v16;
	v58 =	vsub.f32 v36, v40  }
0xd0: {  	[tilespmem:s7+$0x2080] =	vst v44;
	vm12 =	vnez.u8 v59;
	vm15 =	veq.s32 v44, $0xC;
	v34 =	vsel vm8, v35, v34  }
0xd1: {  	[tilespmem:$0x1FFE0] =	vst v54;
	v44 =	vld [tilespmem:$0x1FFF0];
	v36 =	vsel vm12, $0x3F800000, v16;
	v34 =	vsel vm14, $0xC, v34;
	vm14 =	vnez.u8 v61  }
0xd2: {  	v62 =	vsel vm15, $0x3F800000, v16;
	v40 =	vsel vm14, $0x3F800000, v16;
	v34 =	vsel vm6, v42, v34;
	v42 =	vld [tilespmem:$0x1FFE0]  }
0xd3: {  	v20 =	vadd.f32 v57, v20;
	v35 =	vmul.f32 $1.442695020e+00, v58;
	v24 =	vadd.f32 v40, v24;
	v40 =	vld [tilespmem:$0x1FFD0]  }
0xd4: {  	v32 =	vadd.f32 v36, v32;
	vm6 =	vnez.u8 v63;
	v34 =	vsel vm11, $0xD, v34  }
0xd5: {  	v41 =	vsel vm6, $0x3F800000, v16;
	(erf) = vpow2.f32 v35;
	v34 =	vsel vm4, v45, v34  }
0xd6: {  	v18 =	vadd.f32 v62, v18;
	v22 =	vadd.f32 v41, v22;
	v34 =	vsel vm13, $0xE, v34  }
0xd7: {  	vm10 =	vnez.u8 v44;
	v34 =	vsel vm5, v47, v34;
	vm9 =	vnez.u8 v42  }
0xd8: {  	v34 =	vsel vm0, $0xF, v34;
	vm8 =	vnez.u8 v40;
	v35 =	vsel vm9, $0x3F800000, v16  }
0xd9: {  	v34 =	vsel vm7, v43, v34;
	v36 =	vsel vm8, $0x3F800000, v16;
	v19 =	vadd.f32 v35, v19  }
0xda: {  	vm1 =	veq.s32 v34, $0x0;
	vm0 =	veq.s32 v34, $0x1;
	vm11 =	veq.s32 v34, $0x2  }
0xdb: {  	vm3 =	veq.s32 v34, $0x3;
	vm4 =	veq.s32 v34, $0x4;
	vm2 =	veq.s32 v34, $0x5  }
0xdc: {  	vm12 =	veq.s32 v34, $0x6;
	vm13 =	veq.s32 v34, $0x7;
	vm7 =	veq.s32 v34, $0x8  }
0xdd: {  	vm14 =	veq.s32 v34, $0x9;
	vm15 =	veq.s32 v34, $0xA;
	v33 =	vadd.f32 v36, v33  }
0xde: {  	v36 =	vsel vm10, $0x3F800000, v16;
	v45 =	vsel vm11, $0x3F800000, v16;
	v46 =	vsel vm13, $0x3F800000, v16;
	v49 =	vpop (erf)  }
0xdf: {  	v47 =	vsel vm3, $0x3F800000, v16;
	v48 =	vsel vm7, $0x3F800000, v16;
	v50 =	vadd.f32 $1.000000000e+00, v49  }
0xe0: {  	v51 =	vsel vm14, $0x3F800000, v16;
	v52 =	vsel vm4, $0x3F800000, v16;
	vm11 =	veq.s32 v34, $0xB  }
0xe1: {  	v53 =	vsel vm12, $0x3F800000, v16;
	vm12 =	veq.s32 v34, $0xC;
	(erf) = vrcp.f32 v50  }
0xe2: {  	v55 =	vsel vm15, $0x3F800000, v16;
	v57 =	vsel vm2, $0x3F800000, v16;
	vm13 =	veq.s32 v34, $0xD  }
0xe3: {  	vm14 =	veq.s32 v34, $0xE;
	v23 =	vadd.f32 v36, v23;
	v26 =	vadd.f32 v46, v26  }
0xe4: {  	vm15 =	veq.s32 v34, $0xF;
	v27 =	vadd.f32 v48, v27;
	v31 =	vadd.f32 v47, v31  }
0xe5: {  	v62 =	vsel vm0, $0x3F800000, v16;
	v29 =	vadd.f32 v52, v29;
	v22 =	vadd.f32 v51, v22  }
0xe6: {  	p0 =	slt.u32 s5, $0x1F0;
	v54 =	vsel vm11, $0x3F800000, v16;
	v56 =	vsel vm12, $0x3F800000, v16;
	v25 =	vadd.f32 v55, v25  }
.Ltmp0:
0xe7: {  	v28 =	vadd.f32 v57, v28;
	v30 =	vadd.f32 v53, v30;
	v58 =	vsel vm13, $0x3F800000, v16;
	(pc) =	sbr.rel @p0 .LBB2_1-.Ltmp0, $4  }
0xe8: {  	v59 =	vsel vm14, $0x3F800000, v16;
	v32 =	vadd.f32 v62, v32;
	v20 =	vadd.f32 v54, v20  }
0xe9: {  	v60 =	vsel vm15, $0x3F800000, v16;
	v18 =	vadd.f32 v56, v18;
	v19 =	vadd.f32 v58, v19  }
0xea: {  	[tilespmem:s7+$0x2100] =	vst v34;
	v61 =	vsel vm1, $0x3F800000, v16;
	v21 =	vadd.f32 v59, v21;
	v24 =	vadd.f32 v60, v24;
	v63 =	vpop (erf)  }
0xeb: {  	v33 =	vadd.f32 v61, v33;
	v23 =	vadd.f32 v45, v23;
	[tilespmem:s7+$0x2480] =	vst v63;
	v34 =	vmul.f32 v63, v49  }
0xec: {  	v0 =	vimm.s32 $0xFEDCBA98  }
0xed: {  	v1 =	vimm.s32 $0x76543210;
	v0 =	vunpack.c.l.s4.s8 v0  }
0xee: {  	v1 =	vunpack.c.l.s4.s8 v1  }
0xef: {  	v0 =	vunpack.c.0.s8.s32 v0  }
0xf0: {  	v2 =	vimm.s32 $0xBA98FEDC;
	v3 =	vimm.s32 $0x32107654;
	v1 =	vunpack.c.0.s8.s32 v1  }
0xf1: {  	v2 =	vunpack.c.l.s4.s8 v2;
	v3 =	vunpack.c.l.s4.s8 v3;
	v0 =	vand.u32 $0xF, v0  }
0xf2: {  	v0 =	vcombine.low v0, v1  }
0xf3: {  	v1 =	vunpack.c.0.s8.s32 v2;
	v2 =	vunpack.c.0.s8.s32 v3  }
0xf4: {  	v3 =	vperm.xlane v33, v0  }
0xf5: {  	v1 =	vcombine.low v2, v1;
	v7 =	vperm.xlane v32, v0  }
0xf6: {  	v5 =	vimm.s32 $0x54761032;
	v8 =	vperm.xlane v23, v0;
	v11 =	vperm.xlane v31, v0  }
0xf7: {  	vm0 =	vmmov $0x1;
	v13 =	vperm.xlane v29, v0;
	v15 =	vperm.xlane v28, v0  }
0xf8: {  	v5 =	vunpack.c.l.s4.s8 v5;
	v53 =	vperm.xlane v30, v0;
	v55 =	vperm.xlane v26, v0  }
0xf9: {  	v57 =	vperm.xlane v27, v0;
	v61 =	vperm.xlane v22, v0;
	v2 =	vadd.f32 v3, v33  }
0xfa: {  	v4 =	vand.u32 $0xF, v1;
	v7 =	vadd.f32 v7, v32;
	v8 =	vadd.f32 v8, v23  }
0xfb: {  	v3 =	vimm.s32 $0xDCFE98BA;
	v11 =	vadd.f32 v11, v31;
	v42 =	vadd.f32 v13, v29  }
0xfc: {  	v49 =	vadd.f32 v15, v28;
	v54 =	vadd.f32 v53, v30;
	v31 =	vperm.xlane v25, v0  }
0xfd: {  	v60 =	vadd.f32 v57, v27;
	v6 =	vperm.xlane v2, v4;
	v10 =	vperm.xlane v7, v4  }
0xfe: {  	v13 =	vadd.f32 v61, v22;
	v37 =	vperm.xlane v8, v4;
	v40 =	vperm.xlane v11, v4  }
0xff: {  	v3 =	vunpack.c.l.s4.s8 v3;
	v46 =	vperm.xlane v42, v4;
	v52 =	vperm.xlane v49, v4  }
0x100: {  	v59 =	vperm.xlane v54, v4;
	v63 =	vperm.xlane v60, v4;
	v6 =	vadd.f32 v6, v2  }
0x101: {  	v2 =	vunpack.c.0.s8.s32 v3;
	v3 =	vunpack.c.0.s8.s32 v5;
	v7 =	vadd.f32 v10, v7  }
0x102: {  	v5 =	vimm.s32 $0xEFCDAB89;
	v8 =	vadd.f32 v37, v8;
	v11 =	vadd.f32 v40, v11  }
0x103: {  	v48 =	vadd.f32 v46, v42;
	v23 =	vadd.f32 v63, v60;
	v2 =	vcombine.low v3, v2  }
0x104: {  	v42 =	vperm.xlane v18, v0;
	v3 =	vunpack.c.l.s4.s8 v5;
	v5 =	vimm.s32 $0x67452301  }
0x105: {  	v46 =	vperm.xlane v21, v0;
	v9 =	vunpack.c.l.s4.s8 v5;
	v5 =	vand.u32 $0xF, v2  }
0x106: {  	v3 =	vunpack.c.0.s8.s32 v3;
	v12 =	vperm.xlane v6, v5;
	v38 =	vperm.xlane v7, v5  }
0x107: {  	v9 =	vunpack.c.0.s8.s32 v9;
	v41 =	vperm.xlane v8, v5;
	v45 =	vperm.xlane v11, v5  }
0x108: {  	v51 =	vperm.xlane v48, v5;
	v39 =	vadd.f32 v12, v6;
	v7 =	vadd.f32 v38, v7  }
0x109: {  	v28 =	vperm.xlane v23, v5;
	v8 =	vadd.f32 v41, v8;
	v10 =	vadd.f32 v45, v11  }
0x10a: {  	v3 =	vcombine.low v9, v3;
	v12 =	vadd.f32 v55, v26;
	v9 =	vadd.f32 v59, v54  }
0x10b: {  	v11 =	vadd.f32 v51, v48;
	v26 =	vperm.xlane v13, v4;
	v48 =	vperm.xlane v24, v0  }
0x10c: {  	v6 =	vand.u32 $0xF, v3;
	v62 =	vperm.xlane v12, v4;
	v22 =	vperm.xlane v9, v5  }
0x10d: {  	vm1 =	vmmov $0x3;
	v14 =	vperm.xlane v39, v6;
	v43 =	vperm.xlane v7, v6  }
0x10e: {  	v47 =	vperm.xlane v8, v6;
	v12 =	vadd.f32 v62, v12;
	v9 =	vadd.f32 v22, v9  }
0x10f: {  	v50 =	vperm.xlane v10, v6;
	v44 =	vadd.f32 v14, v39;
	v7 =	vadd.f32 v43, v7  }
0x110: {  	v56 =	vperm.xlane v11, v6;
	v8 =	vadd.f32 v47, v8;
	v14 =	vadd.f32 v31, v25  }
0x111: {  	v39 =	vperm.xlane v20, v0;
	v27 =	vperm.xlane v12, v5;
	v7 =	vsel vm0, v44, v7  }
0x112: {  	v29 =	vperm.xlane v9, v6;
	v7 =	vsel vm1, v7, v8;
	v8 =	vadd.f32 v52, v49  }
0x113: {  	v10 =	vadd.f32 v50, v10;
	v38 =	vperm.xlane v14, v4;
	v44 =	vperm.xlane v19, v0  }
0x114: {  	vm1 =	vmmov $0x7;
	v12 =	vadd.f32 v27, v12;
	v58 =	vperm.xlane v8, v5  }
0x115: {  	v7 =	vsel vm1, v7, v10;
	v10 =	vadd.f32 v56, v11;
	v11 =	vadd.f32 v26, v13  }
0x116: {  	vm1 =	vmmov $0xf;
	v41 =	vadd.f32 v38, v14;
	v8 =	vadd.f32 v58, v8  }
0x117: {  	v47 =	vadd.f32 v44, v19;
	v14 =	vadd.f32 v46, v21;
	v32 =	vperm.xlane v12, v6  }
0x118: {  	v7 =	vsel vm1, v7, v10;
	vm1 =	vmmov $0x1f;
	v16 =	vperm.xlane v8, v6  }
0x119: {  	v10 =	vadd.f32 v28, v23;
	v30 =	vperm.xlane v11, v5;
	v43 =	vperm.xlane v41, v5  }
0x11a: {  	v51 =	vperm.xlane v47, v4;
	v52 =	vperm.xlane v14, v4;
	v8 =	vadd.f32 v16, v8  }
0x11b: {  	v35 =	vadd.f32 v32, v12;
	v11 =	vadd.f32 v30, v11;
	v33 =	vperm.xlane v10, v6  }
0x11c: {  	v13 =	vadd.f32 v52, v14;
	v7 =	vsel vm1, v7, v8;
	v8 =	vadd.f32 v29, v9  }
0x11d: {  	v36 =	vadd.f32 v33, v10;
	v37 =	vperm.xlane v11, v6;
	vm1 =	vmmov $0x3f  }
0x11e: {  	v10 =	vadd.f32 v51, v47;
	v7 =	vsel vm1, v7, v8;
	v8 =	vadd.f32 v39, v20  }
0x11f: {  	v56 =	vperm.xlane v13, v5;
	v40 =	vadd.f32 v37, v11;
	v11 =	vadd.f32 v42, v18  }
0x120: {  	v12 =	vadd.f32 v48, v24;
	v54 =	vperm.xlane v10, v5;
	v45 =	vperm.xlane v8, v4  }
0x121: {  	v59 =	vadd.f32 v56, v13;
	v9 =	vadd.f32 v43, v41;
	v49 =	vperm.xlane v11, v4  }
0x122: {  	v57 =	vadd.f32 v54, v10;
	v8 =	vadd.f32 v45, v8  }
0x123: {  	v62 =	vperm.xlane v59, v6;
	v50 =	vperm.xlane v9, v6;
	v11 =	vadd.f32 v49, v11  }
0x124: {  	vm1 =	vmmov $0x7f;
	v4 =	vperm.xlane v12, v4;
	v17 =	vperm.xlane v8, v5  }
0x125: {  	v7 =	vsel vm1, v7, v35;
	vm1 =	vmmov $0xff;
	v53 =	vperm.xlane v11, v5  }
0x126: {  	v60 =	vperm.xlane v57, v6;
	v4 =	vadd.f32 v4, v12;
	v8 =	vadd.f32 v17, v8  }
0x127: {  	v7 =	vsel vm1, v7, v36;
	vm1 =	vmmov $0x1ff;
	v11 =	vadd.f32 v53, v11  }
0x128: {  	v9 =	vadd.f32 v50, v9;
	v5 =	vperm.xlane v4, v5;
	v55 =	vperm.xlane v8, v6  }
0x129: {  	v7 =	vsel vm1, v7, v40;
	vm1 =	vmmov $0x3ff;
	v58 =	vperm.xlane v11, v6  }
0x12a: {  	v7 =	vsel vm1, v7, v9;
	v4 =	vadd.f32 v5, v4;
	v8 =	vadd.f32 v55, v8  }
0x12b: {  	vm1 =	vmmov $0x7ff;
	v9 =	vadd.f32 v60, v57;
	v61 =	vadd.f32 v58, v11  }
0x12c: {  	v6 =	vperm.xlane v4, v6;
	v5 =	vsel vm1, v7, v8;
	vm1 =	vmmov $0xfff  }
0x12d: {  	v63 =	vadd.f32 v62, v59;
	v5 =	vsel vm1, v5, v61;
	vm1 =	vmmov $0x1fff  }
0x12e: {  	v4 =	vadd.f32 v6, v4;
	v5 =	vsel vm1, v5, v9;
	vm1 =	vmmov $0x3fff  }
0x12f: {  	v5 =	vsel vm1, v5, v63;
	vm1 =	vmmov $0x7fff  }
0x130: {  	s28 =	sshll.u32 s2, $0x7;
	[tilespmem:s7+$0x2500] =	vst v34;
	v4 =	vsel vm1, v5, v4  }
0x131: {  	s8 =	simm.s32 $0x2080;
	s5 =	sadd.s32 s4, s28;
	s4 =	simm.s32 $0x0;
	[tilespmem:$0x2880] =	vst v4  }
0x132: {  	[hbm4b:s5+s4] =	stream.linear.scatter [tilespmem:s8], [sflag:$0x1], $0x400, $0x38;
	[tilespmem:$0x3180] =	vst v63  }
0x133: {  	s5 =	simm.s32 $0x1  }
0x134: {  	_ =	swait.ge [sflag:s5], $0x400  }
0x135: {  	[sflag:s5] =	ssyncset.done $0x0  }
0x136: {  	s29 =	simm.s32 $0x2480;
	s3 =	sadd.s32 s3, s28;
	[sflag:s5] =	ssyncadd.s32 $0xFFFFFC00  }
0x137: {  	[hbm4b:s3+s4] =	stream.linear.scatter [tilespmem:s29], [sflag:$0x1], $0x400, $0x38;
	[tilespmem:$0x3180] =	vst v63  }
0x138: {  	_ =	swait.ge [sflag:s5], $0x400  }
0x139: {  	s30 =	sshll.u32 s2, $0x4;
	[sflag:s5] =	ssyncset.done $0x0  }
0x13a: {  	s31 =	simm.s32 $0x2880;
	s3 =	sadd.s32 s6, s30;
	[sflag:s5] =	ssyncadd.s32 $0xFFFFFC00  }
0x13b: {  	[hbm4b:s3+s4] =	stream.linear.scatter [tilespmem:s31], [sflag:$0x1], $0x80, $0x38;
	[tilespmem:$0x3180] =	vst v63  }
0x13c: {  	_ =	swait.ge [sflag:s5], $0x80  }
0x13d: {  	[sflag:s5] =	ssyncset.done $0x0  }
0x13e: {  	[sflag:s5] =	ssyncadd.s32 $0xFFFFFF80  }
0x13f: {  	p0 =	sne.s32 s2, $0x0;
	[bflag:$0x0] =	sbarrier.arrive $0xFFFF  }
0x140: {  	_ =	sfence.sel @p0 $0x180000  }
0x141: {  	[bflag:$0x0] =	sbarrier.arrive @p0 $0xFFFF  }
0x142: {  	_ =	strace @p0 $0x90000047  }
0x143: {  	[bflag:$0x2] =	sbarrier.arrive @p0 $0xFFFF  }
0x144: {  	_ =	shalt @p0  }
.LBB2_3:
0x145: {  	s2 =	simm.s32 $0x2900  }
0x146: {  	[tilespmem:s2], [sflag:$0x1] =	stream.linear.gather [hbm4b:s6+s4], $0x800, $0x38;
	[tilespmem:$0x3180] =	vst v63  }
0x147: {  	_ =	swait.ge [sflag:s5], $0x800  }
0x148: {  	[sflag:s5] =	ssyncset.done $0x0  }
0x149: {  	[sflag:s5] =	ssyncadd.s32 $0xFFFFF800  }
0x14a: {  	v4 =	vld [tilespmem:$0x2900]  }
0x14b: {  	v5 =	vld [tilespmem:$0x2980];
	_ =	sdelay $0x1  }
0x14c: {  	v6 =	vld [tilespmem:$0x2A00];
	_ =	sdelay $0x1  }
0x14d: {  	v7 =	vld [tilespmem:$0x2A80]  }
0x14e: {  	v4 =	vadd.f32 v5, v4  }
0x14f: {  	v52 =	vld [tilespmem:$0x2B00]  }
0x150: {  	v4 =	vadd.f32 v6, v4  }
0x151: {  	v53 =	vld [tilespmem:$0x2B80]  }
0x152: {  	v4 =	vadd.f32 v7, v4  }
0x153: {  	v54 =	vld [tilespmem:$0x2C00]  }
0x154: {  	v4 =	vadd.f32 v52, v4  }
0x155: {  	v55 =	vld [tilespmem:$0x2C80]  }
0x156: {  	v4 =	vadd.f32 v53, v4  }
0x157: {  	v56 =	vld [tilespmem:$0x2D00]  }
0x158: {  	v4 =	vadd.f32 v54, v4  }
0x159: {  	v57 =	vld [tilespmem:$0x2D80]  }
0x15a: {  	v4 =	vadd.f32 v55, v4  }
0x15b: {  	v58 =	vld [tilespmem:$0x2E00]  }
0x15c: {  	v4 =	vadd.f32 v56, v4  }
0x15d: {  	v59 =	vld [tilespmem:$0x2E80]  }
0x15e: {  	v4 =	vadd.f32 v57, v4  }
0x15f: {  	v60 =	vld [tilespmem:$0x2F00]  }
0x160: {  	v4 =	vadd.f32 v58, v4  }
0x161: {  	v61 =	vld [tilespmem:$0x2F80]  }
0x162: {  	v4 =	vadd.f32 v59, v4  }
0x163: {  	v62 =	vld [tilespmem:$0x3000]  }
0x164: {  	v4 =	vadd.f32 v60, v4  }
0x165: {  	v63 =	vld [tilespmem:$0x3080]  }
0x166: {  	v4 =	vadd.f32 v61, v4;
	_ =	sdelay $0x1  }
0x167: {  	v4 =	vadd.f32 v62, v4;
	_ =	sdelay $0x1  }
0x168: {  	v4 =	vadd.f32 v63, v4;
	_ =	sdelay $0x1  }
0x169: {  	v4 =	vmul.f32 $6.103515630e-05, v4;
	_ =	sdelay $0x1  }
0x16a: {  	v4 =	vadd.f32 $-6.250000000e-02, v4;
	_ =	sdelay $0x1  }
0x16b: {  	v4 =	vmul.f32 v4, v4;
	_ =	sdelay $0x1  }
0x16c: {  	v0 =	vperm.xlane v4, v0;
	_ =	sdelay $0x1  }
0x16d: {  	v0 =	vadd.f32 v4, v0;
	_ =	sdelay $0x1  }
0x16e: {  	v1 =	vperm.xlane v0, v1;
	_ =	sdelay $0x1  }
0x16f: {  	v0 =	vadd.f32 v0, v1;
	_ =	sdelay $0x1  }
0x170: {  	v1 =	vperm.xlane v0, v2;
	_ =	sdelay $0x1  }
0x171: {  	v0 =	vadd.f32 v0, v1;
	_ =	sdelay $0x1  }
0x172: {  	v1 =	vperm.xlane v0, v3;
	_ =	sdelay $0x1  }
0x173: {  	v0 =	vadd.f32 v0, v1;
	_ =	sdelay $0x1  }
0x174: {  	v0 =	vnsel vm0, $0x0, v0  }
0x175: {  	s31 =	simm.s32 $0x3100;
	[tilespmem:$0x3100] =	vst v0  }
0x176: {  	[hbm4b:s1+s4] =	stream.linear.scatter [tilespmem:s31], [sflag:$0x1], $0x80, $0x38;
	[tilespmem:$0x3180] =	vst v63  }
0x177: {  	_ =	swait.ge [sflag:s5], $0x80  }
0x178: {  	[sflag:s5] =	ssyncset.done $0x0  }
0x179: {  	[sflag:s5] =	ssyncadd.s32 $0xFFFFFF80  }
0x17a: {  	_ =	sfence.sel $0x180000  }
0x17b: {  	[bflag:$0x0] =	sbarrier.arrive $0xFFFF  }
0x17c: {  	_ =	strace $0x90000047  }
0x17d: {  	s0 =	sadd.s32 $0x100000, s0;
	[bflag:$0x2] =	sbarrier.arrive $0xFFFF  }
0x17e: {  	[sflag:s0] =	ssyncadd.tile.s32 $0x1;
	_ =	shalt  }
.Lfunc_end2:
_tile_overlayer_lowered:
.L_overlay_start_2:
0x17f: {  	(tag) =	ssettag $0x2  }
0x180: {  	s0 =	rddreg [dreg:$0x0];
	s2 =	stileid.u32  }
0x181: {  	s1 =	rddreg [dreg:$0x1];
	p0 =	sne.s32 s2, $0x0  }
0x182: {  	s3 =	rddreg [dreg:$0x2];
	[bflag:$0x3] =	sbarrier.arrive $0xFFFF;
	s2 =	simm.s32 @!p0 $0x1C01  }
0x183: {  	[timem:s3], [sflag:s2] =	dma.local @!p0 [hbm:s0], s1  }
0x184: {  	s0 =	simm.s32 @!p0 $0x1  }
0x185: {  	_ =	swait.ge @!p0 [sflag:s0], s1  }
0x186: {  	s1 =	ssub.s32 @!p0 $0x0, s1;
	[sflag:s0] =	ssyncset.done @!p0 $0x0  }
0x187: {  	[sflag:s0] =	ssyncadd.s32 @!p0 s1  }
0x188: {  	[bflag:$0x3] =	sbarrier.arrive $0xFFFF  }
0x189: {  	_ =	shalt  }

</sc_bundles>
